<compile_context>
chip_gen: v7x
topology: tpu7x:2x2x1
jax: 0.10.2.dev20260603
libtpu: 0.0.44.dev20260713+nightly
codegen_flags: <defaults>
</compile_context>

<pallas_src>
import jax
import jax.numpy as jnp
from jax.experimental import pallas as pl
from jax.experimental.pallas import tpu as pltpu
from jax.experimental.pallas import tpu_sc as plsc

HID = 64
NL = 3
BBP = 8
N = 32
NN = N * N


def _sc_gather(emb, idx_flat):
    n_idx = idx_flat.shape[0]
    vd = emb.shape[1]
    window = 128
    idx2 = idx_flat.reshape(1, n_idx)
    mesh = plsc.VectorSubcoreMesh(core_axis_name="c", subcore_axis_name="s")

    @pl.kernel(out_type=jax.ShapeDtypeStruct((n_idx, vd), emb.dtype),
               mesh=mesh)
    def k(emb_hbm, i_hbm, o_hbm):
        def body(i_vmem, o_vmem):
            pltpu.sync_copy(emb_hbm.at[i_vmem.at[0]], o_vmem)

        pltpu.emit_pipeline(
            body,
            grid=(n_idx // window,),
            in_specs=[pl.BlockSpec((1, window), index_map=lambda i: (0, i))],
            out_specs=[pl.BlockSpec((window, vd), index_map=lambda i: (i, 0))],
            core_axis_name=("c", "s"),
            dimension_semantics=(pltpu.PARALLEL,),
        )(i_hbm, o_hbm)

    return k(emb, idx2)


def _silu(x):
    u = 0.5 * x
    return u + u * jnp.tanh(u)


def _prep_body(frA_ref, latA_ref, tp_ref, zp_ref,
               tW1b_ref, tb1p_ref, tW2b_ref, tb2p_ref, lWb_ref, lbp_ref,
               PimPj_ref, G3A_ref, relA_out, d2A_out, cond_out):
    f32 = jnp.float32
    H2 = 2 * HID
    silu = _silu

    def mm(a, b):
        return jnp.dot(a, b, preferred_element_type=f32)

    tp = tp_ref[...].reshape(BBP, H2)
    zp = zp_ref[...].reshape(BBP, H2)
    condp = mm(silu(mm(tp, tW1b_ref[...]) + tb1p_ref[...]), tW2b_ref[...]) \
        + tb2p_ref[...] + mm(zp, lWb_ref[...]) + lbp_ref[...]
    cond_out[...] = condp.reshape(1, BBP, H2)

    cartA = mm(frA_ref[...].reshape(N, 6 * BBP), latA_ref[...].reshape(
        6 * BBP, 6 * BBP))
    relA = mm(PimPj_ref[...], cartA)
    relA_out[...] = relA.reshape(1, NN, 6 * BBP)
    d2A_out[...] = mm(relA * relA, G3A_ref[...]).reshape(1, NN, 2 * BBP)


def _egnn_body(hp0_ref, relA_ref, d2A_ref, cond_ref,
               Wab_ref, Wbb_ref, WdSel_ref, eb1p_ref, W2b_ref, eb2p_ref,
               CcS_ref, cbA_ref, nW1b_ref, nb1p_ref, nW2b_ref, nb2p_ref,
               PiPj_ref, PiT_ref, S2A_ref, out_ref):
    f32 = jnp.float32
    bf16 = jnp.bfloat16
    H2 = 2 * HID
    silu = _silu

    def mm(a, b):
        return jnp.dot(a, b, preferred_element_type=f32)

    def mmh(a, b, out=None):
        r = jnp.dot(a.astype(bf16), b.astype(bf16),
                    preferred_element_type=f32)
        return r.astype(out) if out is not None else r

    g2 = hp0_ref[...].reshape(BBP * N, 256)
    hp = jnp.concatenate([g2[:, 0:HID], g2[:, 128:128 + HID]],
                         axis=-1)
    condp = cond_ref[...].reshape(BBP, H2)
    hp = hp + jnp.broadcast_to(condp[:, None, :],
                               (BBP, N, H2)).reshape(BBP * N, H2)

    PiPj = PiPj_ref[...]
    PiT = PiT_ref[...]
    relA = relA_ref[...].reshape(NN, 6 * BBP)
    d2A = d2A_ref[...].reshape(NN, 2 * BBP)
    lhsA = jnp.concatenate(
        [PiPj, d2A, jnp.ones((NN, 1), f32)], axis=-1)

    totalA = jnp.zeros((N, 6 * BBP), f32)
    for l in range(NL):
        a2 = mm(hp, Wab_ref[l])
        b2 = mm(hp, Wbb_ref[l])
        ms = []
        aggs = []
        for p in range(BBP):
            rhs = jnp.concatenate(
                [a2[p * N:(p + 1) * N], b2[p * N:(p + 1) * N],
                 WdSel_ref[l, p], eb1p_ref[l]], axis=0)
            e1 = silu(mmh(lhsA, rhs, bf16))
            m = silu(mmh(e1, W2b_ref[l], bf16)
                     + eb2p_ref[l].astype(bf16))
            ms.append(m)
            aggs.append(mmh(PiT, m))
        m_cat = jnp.concatenate(ms, axis=-1)
        cf = jnp.tanh(mmh(m_cat, CcS_ref[l]) + cbA_ref[l])
        wA = mm(cf, S2A_ref[...]) * relA
        totalA = totalA + mm(PiT, wA) * (1.0 / N)
        aggp = jnp.concatenate(aggs, axis=0)
        nin = jnp.concatenate([hp, aggp], axis=-1)
        upd = mm(silu(mm(nin, nW1b_ref[l]) + nb1p_ref[l]),
                 nW2b_ref[l]) + nb2p_ref[l]
        hp = hp + upd

    out_ref[...] = totalA.reshape(1, N, 6 * BBP)


def kernel(atom_types, frac_coords, lattice, mask, t_emb, z, emb,
           tW1, tb1, tW2, tb2, lW, lb, eW1, eb1, eW2, eb2, cW, cb,
           nW1, nb1, nW2, nb2):
    B = atom_types.shape[0]
    H = HID
    f32 = jnp.float32
    BH = B // 2
    G = BH // BBP
    I2 = jnp.eye(2, dtype=f32)

    def blk(w):
        return jnp.kron(I2, w)

    def pair_b(b):
        return jnp.tile(b.reshape(1, -1), (1, 2))

    atp = atom_types.reshape(BH, 2, N).transpose(0, 2, 1).astype(jnp.int32)
    emb128 = jnp.zeros((emb.shape[0], 128), f32).at[:, :H].set(emb)
    hp0 = _sc_gather(emb128, atp.reshape(BH * N * 2)).reshape(BH, N, 256)
    frp = frac_coords.reshape(BH, 2, N, 3).transpose(0, 2, 1, 3)\
        .reshape(BH, N, 6)
    frA = frp.reshape(G, BBP, N, 6).transpose(0, 2, 1, 3)\
        .reshape(G, 1, N, 6 * BBP)
    latb = jnp.zeros((BH, 6, 6), f32)
    latb = latb.at[:, 0:3, 0:3].set(lattice[0::2])
    latb = latb.at[:, 3:6, 3:6].set(lattice[1::2])
    latbG = latb.reshape(G, BBP, 6, 6)
    latA = jnp.zeros((G, 6 * BBP, 6 * BBP), f32)
    for p in range(BBP):
        latA = latA.at[:, 6 * p:6 * p + 6, 6 * p:6 * p + 6].set(latbG[:, p])
    latA = latA.reshape(G, 1, 6 * BBP, 6 * BBP)
    tp = t_emb.reshape(BH, 1, 128)
    zp = z.reshape(BH, 1, 128)

    tW1b = blk(tW1)
    tW2b = blk(tW2)
    lWb = blk(lW)
    tb1p = pair_b(tb1)
    tb2p = pair_b(tb2)
    lbp = pair_b(lb)

    Wab = jnp.stack([blk(eW1[l, :H]) for l in range(NL)])
    Wbb = jnp.stack([blk(eW1[l, H:2 * H]) for l in range(NL)])
    W2b = jnp.stack([blk(eW2[l]) for l in range(NL)])
    nW1b = jnp.stack([
        jnp.concatenate([blk(nW1[l, :H]), blk(nW1[l, H:2 * H])], axis=0)
        for l in range(NL)])
    nW2b = jnp.stack([blk(nW2[l]) for l in range(NL)])
    eb1p = jnp.stack([pair_b(eb1[l]) for l in range(NL)])
    eb2p = jnp.stack([pair_b(eb2[l]) for l in range(NL)])
    nb1p = jnp.stack([pair_b(nb1[l]) for l in range(NL)])
    nb2p = jnp.stack([pair_b(nb2[l]) for l in range(NL)])

    Wd = jnp.stack([blk(eW1[l, 2 * H:2 * H + 1]) for l in range(NL)])
    WdSel = jnp.zeros((NL, BBP, 2 * BBP, 128), f32)
    for p in range(BBP):
        WdSel = WdSel.at[:, p, 2 * p:2 * p + 2, :].set(Wd)
    CcS = jnp.zeros((NL, 128 * BBP, 2 * BBP), f32)
    for p in range(BBP):
        CcS = CcS.at[:, 128 * p:128 * p + 128, 2 * p:2 * p + 2].set(
            jnp.stack([blk(cW[l]) for l in range(NL)]))
    cbA = jnp.tile(cb.reshape(NL, 1, 1), (1, 1, 2 * BBP))

    e_idx = jnp.arange(NN)
    col = jnp.arange(N)
    Pi = (e_idx[:, None] // N == col[None, :]).astype(f32)
    Pj = (e_idx[:, None] % N == col[None, :]).astype(f32)
    PiPj = jnp.concatenate([Pi, Pj], axis=-1)
    PimPj = Pi - Pj
    PiT = Pi.T
    G3A = jnp.kron(jnp.eye(2 * BBP, dtype=f32),
                   jnp.ones((3, 1), f32))
    S2A = jnp.kron(jnp.eye(2 * BBP, dtype=f32),
                   jnp.ones((1, 3), f32))

    def bspec(shape, batched):
        nd = len(shape)
        if batched:
            return pl.BlockSpec((1,) + shape[1:] if shape[0] == G
                                else (BBP,) + shape[1:],
                                lambda i: (i,) + (0,) * (nd - 1))
        return pl.BlockSpec(shape, lambda i: (0,) * nd)

    prep_operands = [
        (frA, True), (latA, True), (tp, True), (zp, True),
        (tW1b, False), (tb1p, False), (tW2b, False), (tb2p, False),
        (lWb, False), (lbp, False), (PimPj, False), (G3A, False),
    ]
    relA_all, d2A_all, cond_all = pl.pallas_call(
        _prep_body,
        grid=(G,),
        in_specs=[bspec(a.shape, b) for a, b in prep_operands],
        out_specs=[
            pl.BlockSpec((1, NN, 6 * BBP), lambda i: (i, 0, 0)),
            pl.BlockSpec((1, NN, 2 * BBP), lambda i: (i, 0, 0)),
            pl.BlockSpec((1, BBP, 128), lambda i: (i, 0, 0)),
        ],
        out_shape=[
            jax.ShapeDtypeStruct((G, NN, 6 * BBP), f32),
            jax.ShapeDtypeStruct((G, NN, 2 * BBP), f32),
            jax.ShapeDtypeStruct((G, BBP, 128), f32),
        ],
    )(*[a for a, _ in prep_operands])

    operands = [
        (hp0, True), (relA_all, True), (d2A_all, True), (cond_all, True),
        (Wab, False), (Wbb, False), (WdSel, False), (eb1p, False),
        (W2b, False), (eb2p, False), (CcS, False), (cbA, False),
        (nW1b, False), (nb1p, False), (nW2b, False), (nb2p, False),
        (PiPj, False), (PiT, False), (S2A, False),
    ]

    out = pl.pallas_call(
        _egnn_body,
        grid=(G,),
        in_specs=[bspec(a.shape, b) for a, b in operands],
        out_specs=pl.BlockSpec((1, N, 6 * BBP), lambda i: (i, 0, 0)),
        out_shape=jax.ShapeDtypeStruct((G, N, 6 * BBP), f32),
    )(*[a for a, _ in operands])

    out = out.reshape(G, N, BBP, 6).transpose(0, 2, 1, 3)
    out = out.reshape(BH, N, 2, 3).transpose(0, 2, 1, 3)
    return out.reshape(B, N, 3)

# --- scband reference (transcript-rebuilt; emitter-appended) ---
"""Pipeline reference for scband-denoising-decoder-12154757448444 (READ-ONLY COPY).

The authoritative reference and input builder live on the scoring server;
editing this copy changes nothing except your own understanding.
"""

import jax, jax.numpy as jnp
import numpy as np

HID = 64
LAT = 64
L = 3

def _forward(atom_types, frac_coords, lattice, mask, t_emb, z, emb, tW1, tb1, tW2, tb2, lW, lb, eW1, eb1, eW2, eb2, cW, cb, nW1, nb1, nW2, nb2):
    silu = jax.nn.silu
    # atom embedding lookup (gather)
    h = jnp.take(emb, atom_types, axis=0)  # [B, N, H]
    # conditioning: time_mlp(t_emb) + latent_mlp(z)
    cond = silu(t_emb @ tW1 + tb1) @ tW2 + tb2 + (z @ lW + lb)  # [B, H]
    h = h + cond[:, None, :]
    B, N = atom_types.shape
    # cartesian coords from fractional coords and lattice
    cart = frac_coords @ lattice  # [B, N, 3]
    rel = cart[:, :, None, :] - cart[:, None, :, :]  # [B, N, N, 3]
    d2 = jnp.sum(rel * rel, axis=-1, keepdims=True)  # [B, N, N, 1]
    pmask = mask[:, :, None] * mask[:, None, :]  # [B, N, N]
    total = jnp.zeros_like(frac_coords)
    for l in range(L):
        hi = jnp.broadcast_to(h[:, :, None, :], (B, N, N, HID))
        hj = jnp.broadcast_to(h[:, None, :, :], (B, N, N, HID))
        e_in = jnp.concatenate([hi, hj, d2], axis=-1)  # [B, N, N, 2H+1]
        m = silu(silu(e_in @ eW1[l] + eb1[l]) @ eW2[l] + eb2[l])  # [B, N, N, H]
        m = m * pmask[..., None]
        coef = jnp.tanh(m @ cW[l] + cb[l])  # [B, N, N, 1]
        shift = jnp.sum(rel * coef, axis=2) / float(N)  # [B, N, 3]
        agg = jnp.sum(m, axis=2)  # [B, N, H]
        upd = silu(jnp.concatenate([h, agg], axis=-1) @ nW1[l] + nb1[l]) @ nW2[l] + nb2[l]
        h = h + upd * mask[..., None]
        total = total + shift * mask[..., None]
    return total

def setup_inputs(seed: int = 0):
    key = jax.random.key(seed)
    ks = jax.random.split(key, 16)
    B, N = 128, 32
    s = 0.05
    inp = {}
    inp["atom_types"] = jax.random.randint(ks[0], (B, N), 0, 100)
    inp["frac_coords"] = jax.random.uniform(ks[1], (B, N, 3), dtype=jnp.float32)
    inp["lattice"] = jax.random.normal(ks[2], (B, 3, 3), dtype=jnp.float32)
    inp["mask"] = jnp.ones((B, N), dtype=jnp.float32)
    inp["t_emb"] = jax.random.normal(ks[3], (B, 64), dtype=jnp.float32)
    inp["z"] = jax.random.normal(ks[4], (B, LAT), dtype=jnp.float32)
    inp["emb"] = jax.random.normal(ks[5], (100, HID), dtype=jnp.float32) * s
    inp["tW1"] = jax.random.normal(ks[6], (64, HID), dtype=jnp.float32) * s
    inp["tb1"] = jnp.zeros((HID,), dtype=jnp.float32)
    inp["tW2"] = jax.random.normal(ks[7], (HID, HID), dtype=jnp.float32) * s
    inp["tb2"] = jnp.zeros((HID,), dtype=jnp.float32)
    inp["lW"] = jax.random.normal(ks[8], (LAT, HID), dtype=jnp.float32) * s
    inp["lb"] = jnp.zeros((HID,), dtype=jnp.float32)
    inp["eW1"] = jax.random.normal(ks[9], (L, 2 * HID + 1, HID), dtype=jnp.float32) * s
    inp["eb1"] = jnp.zeros((L, HID), dtype=jnp.float32)
    inp["eW2"] = jax.random.normal(ks[10], (L, HID, HID), dtype=jnp.float32) * s
    inp["eb2"] = jnp.zeros((L, HID), dtype=jnp.float32)
    inp["cW"] = jax.random.normal(ks[11], (L, HID, 1), dtype=jnp.float32) * s
    inp["cb"] = jnp.zeros((L, 1), dtype=jnp.float32)
    inp["nW1"] = jax.random.normal(ks[12], (L, 2 * HID, HID), dtype=jnp.float32) * s
    inp["nb1"] = jnp.zeros((L, HID), dtype=jnp.float32)
    inp["nW2"] = jax.random.normal(ks[13], (L, HID, HID), dtype=jnp.float32) * s
    inp["nb2"] = jnp.zeros((L, HID), dtype=jnp.float32)
    return inp

def reference(atom_types, frac_coords, lattice, mask, t_emb, z, emb, tW1, tb1, tW2, tb2, lW, lb, eW1, eb1, eW2, eb2, cW, cb, nW1, nb1, nW2, nb2):
    return _forward(atom_types, frac_coords, lattice, mask, t_emb, z, emb, tW1, tb1, tW2, tb2, lW, lb, eW1, eb1, eW2, eb2, cW, cb, nW1, nb1, nW2, nb2)

if __name__ == "__main__":
    import jax
    _d = setup_inputs()
    print(jax.jit(kernel)(*tuple(_d.values())))

</pallas_src>

<mosaic_0001>
#map = affine_map<(d0, d1) -> (0, 0)>
module attributes {stable_mosaic.version = 14 : i64} {
  func.func @k(%arg0: i32, %arg1: i32, %arg2: memref<100x128xf32, #tpu.memory_space<hbm>>, %arg3: memref<1x4096xi32, #tpu.memory_space<hbm>>, %arg4: memref<4096x128xf32, #tpu.memory_space<hbm>>) attributes {dimension_semantics = [#tpu.dimension_semantics<core_parallel>, #tpu.dimension_semantics<subcore_parallel>], iteration_bounds = array<i64: 2, 16>, scalar_prefetch = 0 : i64, scratch_operands = 0 : i64, tpu.core_type = #tpu.core_type<sc_vector_subcore>, window_params = [{transform_indices = #map}, {transform_indices = #map}, {transform_indices = #map}]} {
    %mul3A = arith.constant 1 : i32
    %mul3A_0 = arith.muli %arg1, %mul3A : i32
    %add3A = arith.constant 0 : i32
    %add3A_1 = arith.addi %add3A, %mul3A_0 : i32
    %mul3A_2 = arith.constant 16 : i32
    %mul3A_3 = arith.muli %arg0, %mul3A_2 : i32
    %add3A_4 = arith.addi %add3A_1, %mul3A_3 : i32
    %mul3A_5 = arith.constant 1 : i32
    %mul3A_6 = arith.muli %add3A_4, %mul3A_5 : i32
    "tpu.region"() ({
      %run_scoped3A = memref.alloca() : memref<2x1x128xi32, #tpu.memory_space<vmem>>
      %run_scoped3A_7 = tpu.sem_alloc : memref<2x!tpu.dma_semaphore, #tpu.memory_space<semaphore_mem>>
      %run_scoped3A_8 = memref.alloca() : memref<2x128x128xf32, #tpu.memory_space<vmem>>
      %run_scoped3A_9 = tpu.sem_alloc : memref<2x!tpu.dma_semaphore, #tpu.memory_space<semaphore_mem>>
      %add3A_10 = arith.constant 0 : i32
      %add3A_11 = arith.addi %add3A_10, %mul3A_6 : i32
      %select_n3A = arith.constant true
      %select_n3A_12 = arith.constant 0 : i32
      %select_n3A_13 = arith.constant -1 : i32
      %select_n3A_14 = arith.select %select_n3A, %select_n3A_13, %select_n3A_12 : i32
      %eq3A = arith.constant -1 : i32
      %eq3A_15 = arith.cmpi eq, %select_n3A_14, %eq3A : i32
      %select_n3A_16 = arith.constant 0 : i32
      %select_n3A_17 = arith.select %eq3A_15, %select_n3A_16, %select_n3A_14 : i32
      %add3A_18 = arith.constant 0 : i32
      %add3A_19 = arith.addi %add3A_18, %mul3A_6 : i32
      %select_n3A_20 = arith.constant true
      %select_n3A_21 = arith.constant 0 : i32
      %select_n3A_22 = arith.constant 1 : i32
      %select_n3A_23 = arith.select %select_n3A_20, %select_n3A_22, %select_n3A_21 : i32
      %eq3A_24 = arith.constant 1 : i32
      %eq3A_25 = arith.cmpi eq, %select_n3A_23, %eq3A_24 : i32
      %select_n3A_26 = arith.constant 0 : i32
      %select_n3A_27 = arith.select %eq3A_25, %select_n3A_26, %select_n3A_23 : i32
      %add3A_28 = arith.constant 0 : i32
      %add3A_29 = arith.addi %add3A_28, %mul3A_6 : i32
      %select_n3A_30 = arith.constant true
      %select_n3A_31 = arith.constant 0 : i32
      %select_n3A_32 = arith.constant 1 : i32
      %select_n3A_33 = arith.select %select_n3A_30, %select_n3A_32, %select_n3A_31 : i32
      %eq3A_34 = arith.constant 1 : i32
      %eq3A_35 = arith.cmpi eq, %select_n3A_33, %eq3A_34 : i32
      %select_n3A_36 = arith.constant 0 : i32
      %select_n3A_37 = arith.select %eq3A_35, %select_n3A_36, %select_n3A_33 : i32
      %add3A_38 = arith.constant 0 : i32
      %add3A_39 = arith.addi %add3A_38, %mul3A_6 : i32
      "tpu.trace_start"() <{level = 10 : i32, message = "ep_initialize_0"}> : () -> ()
      %rem3A = arith.constant 0 : i32
      %rem3A_40 = arith.constant 2 : i32
      %rem3A_41 = arith.remui %rem3A, %rem3A_40 : i32
      %mul3A_42 = arith.constant 128 : i32
      %mul3A_43 = arith.muli %mul3A_42, %add3A_11 : i32
      %dma_start3A = arith.constant 0 : i32
      %dma_start3A_44 = arith.constant 0 : i32
      %dma_start3A_45 = tpu.memref_slice %run_scoped3A[%rem3A_41, %dma_start3A, %dma_start3A_44] : memref<2x1x128xi32, #tpu.memory_space<vmem>> -> memref<1x1x128xi32, #tpu.memory_space<vmem>>
      %dma_start3A_46 = tpu.memref_squeeze %dma_start3A_45 : memref<1x1x128xi32, #tpu.memory_space<vmem>> -> memref<1x128xi32, #tpu.memory_space<vmem>>
      %dma_start3A_47 = arith.constant 0 : i32
      %dma_start3A_48 = tpu.memref_slice %arg3[%dma_start3A_47, %mul3A_43] : memref<1x4096xi32, #tpu.memory_space<hbm>> -> memref<1x128xi32, #tpu.memory_space<hbm>>
      %dma_start3A_49 = tpu.memref_slice %run_scoped3A_7[%rem3A_41] : memref<2x!tpu.dma_semaphore, #tpu.memory_space<semaphore_mem>> -> memref<1x!tpu.dma_semaphore, #tpu.memory_space<semaphore_mem>>
      %dma_start3A_50 = tpu.memref_squeeze %dma_start3A_49 : memref<1x!tpu.dma_semaphore, #tpu.memory_space<semaphore_mem>> -> memref<!tpu.dma_semaphore, #tpu.memory_space<semaphore_mem>>
      %dma_start3A_51 = arith.constant 0 : i32
      %dma_start3A_52 = arith.constant 0 : i32
      %dma_start3A_53 = tpu.memref_slice %run_scoped3A[%rem3A_41, %dma_start3A_51, %dma_start3A_52] : memref<2x1x128xi32, #tpu.memory_space<vmem>> -> memref<1x1x128xi32, #tpu.memory_space<vmem>>
      %dma_start3A_54 = tpu.memref_squeeze %dma_start3A_53 : memref<1x1x128xi32, #tpu.memory_space<vmem>> -> memref<1x128xi32, #tpu.memory_space<vmem>>
      %dma_start3A_55 = arith.constant 0 : i32
      %dma_start3A_56 = tpu.memref_slice %arg3[%dma_start3A_55, %mul3A_43] : memref<1x4096xi32, #tpu.memory_space<hbm>> -> memref<1x128xi32, #tpu.memory_space<hbm>>
      tpu.enqueue_dma source(%dma_start3A_56 : memref<1x128xi32, #tpu.memory_space<hbm>>) target(%dma_start3A_54 : memref<1x128xi32, #tpu.memory_space<vmem>>) target_semaphore(%dma_start3A_50 : memref<!tpu.dma_semaphore, #tpu.memory_space<semaphore_mem>>)
      %add3A_57 = arith.constant 0 : i32
      %add3A_58 = arith.constant 1 : i32
      %add3A_59 = arith.addi %add3A_57, %add3A_58 : i32
      %select_n3A_60 = arith.constant true
      %select_n3A_61 = arith.constant 0 : i32
      %select_n3A_62 = arith.select %select_n3A_60, %add3A_59, %select_n3A_61 : i32
      "tpu.trace_stop"() : () -> ()
      %scan3A = arith.constant 0 : i32
      %scan3A_63 = arith.constant 0 : i32
      %scan3A_64 = arith.constant 0 : i32
      %scan3A_65 = arith.constant 0 : i32
      %scan3A_66 = arith.constant 0 : i32
      %eq3A_67 = arith.constant 0 : i32
      %eq3A_68 = arith.cmpi eq, %scan3A_66, %eq3A_67 : i32
      %eq3A_69 = arith.constant 0 : i32
      %eq3A_70 = arith.cmpi eq, %scan3A_66, %eq3A_69 : i32
      %add3A_71 = arith.constant 0 : i32
      %add3A_72 = arith.addi %add3A_71, %mul3A_6 : i32
      %select_n3A_73 = arith.constant true
      %select_n3A_74 = arith.constant 0 : i32
      %select_n3A_75 = arith.constant -1 : i32
      %select_n3A_76 = arith.select %select_n3A_73, %select_n3A_75, %select_n3A_74 : i32
      %eq3A_77 = arith.constant -1 : i32
      %eq3A_78 = arith.cmpi eq, %select_n3A_76, %eq3A_77 : i32
      %select_n3A_79 = arith.constant 0 : i32
      %select_n3A_80 = arith.select %eq3A_78, %select_n3A_79, %select_n3A_76 : i32
      %add3A_81 = arith.constant 0 : i32
      %add3A_82 = arith.addi %add3A_81, %mul3A_6 : i32
      %select_n3A_83 = arith.constant true
      %select_n3A_84 = arith.constant 0 : i32
      %select_n3A_85 = arith.constant 1 : i32
      %select_n3A_86 = arith.select %select_n3A_83, %select_n3A_85, %select_n3A_84 : i32
      %eq3A_87 = arith.constant 1 : i32
      %eq3A_88 = arith.cmpi eq, %select_n3A_86, %eq3A_87 : i32
      %select_n3A_89 = arith.constant 0 : i32
      %select_n3A_90 = arith.select %eq3A_88, %select_n3A_89, %select_n3A_86 : i32
      %add3A_91 = arith.constant 0 : i32
      %add3A_92 = arith.addi %add3A_91, %mul3A_6 : i32
      %select_n3A_93 = arith.constant true
      %select_n3A_94 = arith.constant 0 : i32
      %select_n3A_95 = arith.constant 1 : i32
      %select_n3A_96 = arith.select %select_n3A_93, %select_n3A_95, %select_n3A_94 : i32
      %eq3A_97 = arith.constant 1 : i32
      %eq3A_98 = arith.cmpi eq, %select_n3A_96, %eq3A_97 : i32
      %select_n3A_99 = arith.constant 0 : i32
      %select_n3A_100 = arith.select %eq3A_98, %select_n3A_99, %select_n3A_96 : i32
      %add3A_101 = arith.constant 0 : i32
      %add3A_102 = arith.addi %add3A_101, %mul3A_6 : i32
      %ne3A = arith.cmpi ne, %add3A_72, %add3A_92 : i32
      %or3A = arith.constant false
      %or3A_103 = arith.ori %or3A, %ne3A : i1
      %ge3A = arith.constant 0 : i32
      %ge3A_104 = arith.cmpi sge, %scan3A_66, %ge3A : i32
      %not3A = arith.constant true
      %not3A_105 = arith.xori %ge3A_104, %not3A : i1
      %and3A = arith.andi %or3A_103, %not3A_105 : i1
      %convert_element_type3A = arith.extui %and3A : i1 to i32
      %cond3A = arith.constant 0 : i32
      %cond3A_106 = arith.cmpi ne, %convert_element_type3A, %cond3A : i32
      scf.if %cond3A_106 {
        "tpu.trace_start"() <{level = 10 : i32, message = "ep_copy_in"}> : () -> ()
        %rem3A_266 = arith.constant 2 : i32
        %rem3A_267 = arith.remui %select_n3A_62, %rem3A_266 : i32
        %mul3A_268 = arith.constant 128 : i32
        %mul3A_269 = arith.muli %mul3A_268, %add3A_92 : i32
        %dma_start3A_270 = arith.constant 0 : i32
        %dma_start3A_271 = arith.constant 0 : i32
        %dma_start3A_272 = tpu.memref_slice %run_scoped3A[%rem3A_267, %dma_start3A_270, %dma_start3A_271] : memref<2x1x128xi32, #tpu.memory_space<vmem>> -> memref<1x1x128xi32, #tpu.memory_space<vmem>>
        %dma_start3A_273 = tpu.memref_squeeze %dma_start3A_272 : memref<1x1x128xi32, #tpu.memory_space<vmem>> -> memref<1x128xi32, #tpu.memory_space<vmem>>
        %dma_start3A_274 = arith.constant 0 : i32
        %dma_start3A_275 = tpu.memref_slice %arg3[%dma_start3A_274, %mul3A_269] : memref<1x4096xi32, #tpu.memory_space<hbm>> -> memref<1x128xi32, #tpu.memory_space<hbm>>
        %dma_start3A_276 = tpu.memref_slice %run_scoped3A_7[%rem3A_267] : memref<2x!tpu.dma_semaphore, #tpu.memory_space<semaphore_mem>> -> memref<1x!tpu.dma_semaphore, #tpu.memory_space<semaphore_mem>>
        %dma_start3A_277 = tpu.memref_squeeze %dma_start3A_276 : memref<1x!tpu.dma_semaphore, #tpu.memory_space<semaphore_mem>> -> memref<!tpu.dma_semaphore, #tpu.memory_space<semaphore_mem>>
        %dma_start3A_278 = arith.constant 0 : i32
        %dma_start3A_279 = arith.constant 0 : i32
        %dma_start3A_280 = tpu.memref_slice %run_scoped3A[%rem3A_267, %dma_start3A_278, %dma_start3A_279] : memref<2x1x128xi32, #tpu.memory_space<vmem>> -> memref<1x1x128xi32, #tpu.memory_space<vmem>>
        %dma_start3A_281 = tpu.memref_squeeze %dma_start3A_280 : memref<1x1x128xi32, #tpu.memory_space<vmem>> -> memref<1x128xi32, #tpu.memory_space<vmem>>
        %dma_start3A_282 = arith.constant 0 : i32
        %dma_start3A_283 = tpu.memref_slice %arg3[%dma_start3A_282, %mul3A_269] : memref<1x4096xi32, #tpu.memory_space<hbm>> -> memref<1x128xi32, #tpu.memory_space<hbm>>
        tpu.enqueue_dma source(%dma_start3A_283 : memref<1x128xi32, #tpu.memory_space<hbm>>) target(%dma_start3A_281 : memref<1x128xi32, #tpu.memory_space<vmem>>) target_semaphore(%dma_start3A_277 : memref<!tpu.dma_semaphore, #tpu.memory_space<semaphore_mem>>)
        "tpu.trace_stop"() : () -> ()
      } else {
      }
      %and3A_107 = arith.constant true
      %and3A_108 = arith.andi %and3A, %and3A_107 : i1
      %add3A_109 = arith.constant 1 : i32
      %add3A_110 = arith.addi %select_n3A_62, %add3A_109 : i32
      %select_n3A_111 = arith.select %and3A_108, %add3A_110, %select_n3A_62 : i32
      %ne3A_112 = arith.cmpi ne, %add3A_72, %add3A_92 : i32
      %or3A_113 = arith.constant false
      %or3A_114 = arith.ori %or3A_113, %ne3A_112 : i1
      %or3A_115 = arith.constant false
      %or3A_116 = arith.ori %or3A_114, %or3A_115 : i1
      %ge3A_117 = arith.constant 0 : i32
      %ge3A_118 = arith.cmpi sge, %scan3A_66, %ge3A_117 : i32
      %not3A_119 = arith.constant true
      %not3A_120 = arith.xori %ge3A_118, %not3A_119 : i1
      %and3A_121 = arith.andi %or3A_116, %not3A_120 : i1
      %ne3A_122 = arith.cmpi ne, %add3A_72, %add3A_82 : i32
      %or3A_123 = arith.constant false
      %or3A_124 = arith.ori %or3A_123, %ne3A_122 : i1
      %or3A_125 = arith.ori %or3A_124, %eq3A_68 : i1
      %convert_element_type3A_126 = arith.extui %or3A_125 : i1 to i32
      %cond3A_127 = arith.constant 0 : i32
      %cond3A_128 = arith.cmpi ne, %convert_element_type3A_126, %cond3A_127 : i32
      scf.if %cond3A_128 {
        "tpu.trace_start"() <{level = 10 : i32, message = "ep_wait_in"}> : () -> ()
        %mul3A_266 = arith.constant 128 : i32
        %mul3A_267 = arith.muli %mul3A_266, %add3A_72 : i32
        %rem3A_268 = arith.constant 2 : i32
        %rem3A_269 = arith.remui %scan3A, %rem3A_268 : i32
        %dma_wait3A_270 = arith.constant 0 : i32
        %dma_wait3A_271 = arith.constant 0 : i32
        %dma_wait3A_272 = tpu.memref_slice %run_scoped3A[%rem3A_269, %dma_wait3A_270, %dma_wait3A_271] : memref<2x1x128xi32, #tpu.memory_space<vmem>> -> memref<1x1x128xi32, #tpu.memory_space<vmem>>
        %dma_wait3A_273 = tpu.memref_squeeze %dma_wait3A_272 : memref<1x1x128xi32, #tpu.memory_space<vmem>> -> memref<1x128xi32, #tpu.memory_space<vmem>>
        %dma_wait3A_274 = arith.constant 0 : i32
        %dma_wait3A_275 = tpu.memref_slice %arg3[%dma_wait3A_274, %mul3A_267] : memref<1x4096xi32, #tpu.memory_space<hbm>> -> memref<1x128xi32, #tpu.memory_space<hbm>>
        %dma_wait3A_276 = tpu.memref_slice %run_scoped3A_7[%rem3A_269] : memref<2x!tpu.dma_semaphore, #tpu.memory_space<semaphore_mem>> -> memref<1x!tpu.dma_semaphore, #tpu.memory_space<semaphore_mem>>
        %dma_wait3A_277 = tpu.memref_squeeze %dma_wait3A_276 : memref<1x!tpu.dma_semaphore, #tpu.memory_space<semaphore_mem>> -> memref<!tpu.dma_semaphore, #tpu.memory_space<semaphore_mem>>
        %dma_wait3A_278 = arith.constant 0 : i32
        %dma_wait3A_279 = arith.constant 0 : i32
        %dma_wait3A_280 = tpu.memref_slice %run_scoped3A[%rem3A_269, %dma_wait3A_278, %dma_wait3A_279] : memref<2x1x128xi32, #tpu.memory_space<vmem>> -> memref<1x1x128xi32, #tpu.memory_space<vmem>>
        %dma_wait3A_281 = tpu.memref_squeeze %dma_wait3A_280 : memref<1x1x128xi32, #tpu.memory_space<vmem>> -> memref<1x128xi32, #tpu.memory_space<vmem>>
        %dma_wait3A_282 = arith.constant 0 : i32
        %dma_wait3A_283 = tpu.memref_slice %arg3[%dma_wait3A_282, %mul3A_267] : memref<1x4096xi32, #tpu.memory_space<hbm>> -> memref<1x128xi32, #tpu.memory_space<hbm>>
        tpu.wait_dma2 semaphore(%dma_wait3A_277 : memref<!tpu.dma_semaphore, #tpu.memory_space<semaphore_mem>>) src(%dma_wait3A_283 : memref<1x128xi32, #tpu.memory_space<hbm>>) dst(%dma_wait3A_281 : memref<1x128xi32, #tpu.memory_space<vmem>>)
        "tpu.trace_stop"() : () -> ()
      } else {
      }
      %ne3A_129 = arith.cmpi ne, %add3A_72, %add3A_82 : i32
      %or3A_130 = arith.constant false
      %or3A_131 = arith.ori %or3A_130, %ne3A_129 : i1
      %or3A_132 = arith.constant false
      %or3A_133 = arith.ori %or3A_131, %or3A_132 : i1
      %or3A_134 = arith.ori %or3A_133, %eq3A_68 : i1
      %convert_element_type3A_135 = arith.extui %or3A_134 : i1 to i32
      %cond3A_136 = arith.constant 0 : i32
      %cond3A_137 = arith.cmpi ne, %convert_element_type3A_135, %cond3A_136 : i32
      scf.if %cond3A_137 {
      } else {
      }
      %rem3A_138 = arith.constant 2 : i32
      %rem3A_139 = arith.remui %scan3A, %rem3A_138 : i32
      %rem3A_140 = arith.constant 2 : i32
      %rem3A_141 = arith.remui %scan3A_63, %rem3A_140 : i32
      %run_scoped3A_142 = arith.constant 0 : i32
      "tpu.trace_start"() <{level = 10 : i32, message = "ep_run_kernel"}> : () -> ()
      "tpu.region"() ({
        %run_scoped3A_266 = tpu.sem_alloc : memref<!tpu.dma_semaphore, #tpu.memory_space<semaphore_mem>>
        %dma_start3A_267 = arith.constant 0 : i32
        %dma_start3A_268 = arith.constant 0 : i32
        %dma_start3A_269 = tpu.memref_slice %run_scoped3A_8[%rem3A_141, %dma_start3A_267, %dma_start3A_268] : memref<2x128x128xf32, #tpu.memory_space<vmem>> -> memref<1x128x128xf32, #tpu.memory_space<vmem>>
        %dma_start3A_270 = tpu.memref_squeeze %dma_start3A_269 : memref<1x128x128xf32, #tpu.memory_space<vmem>> -> memref<128x128xf32, #tpu.memory_space<vmem>>
        %dma_start3A_271 = arith.constant 0 : i32
        %dma_start3A_272 = arith.constant 0 : i32
        %dma_start3A_273 = tpu.memref_slice %run_scoped3A[%rem3A_139, %dma_start3A_271, %dma_start3A_272] : memref<2x1x128xi32, #tpu.memory_space<vmem>> -> memref<1x1x128xi32, #tpu.memory_space<vmem>>
        %dma_start3A_274 = tpu.memref_squeeze %dma_start3A_273 : memref<1x1x128xi32, #tpu.memory_space<vmem>> -> memref<1x128xi32, #tpu.memory_space<vmem>>
        %dma_start3A_275 = arith.constant 0 : i32
        %dma_start3A_276 = tpu.memref_slice %dma_start3A_274[%run_scoped3A_142, %dma_start3A_275] : memref<1x128xi32, #tpu.memory_space<vmem>> -> memref<1x128xi32, #tpu.memory_space<vmem>>
        %dma_start3A_277 = tpu.memref_squeeze %dma_start3A_276 : memref<1x128xi32, #tpu.memory_space<vmem>> -> memref<128xi32, #tpu.memory_space<vmem>>
        %dma_start3A_278 = arith.constant 0 : i32
        %dma_start3A_279 = arith.constant 0 : i32
        %dma_start3A_280 = tpu.memref_slice %arg2[%dma_start3A_278, %dma_start3A_279] : memref<100x128xf32, #tpu.memory_space<hbm>> -> memref<100x128xf32, #tpu.memory_space<hbm>>
        tpu.enqueue_indirect_dma source(%dma_start3A_280 : memref<100x128xf32, #tpu.memory_space<hbm>>) target(%dma_start3A_270 : memref<128x128xf32, #tpu.memory_space<vmem>>) offsets(%dma_start3A_277 : memref<128xi32, #tpu.memory_space<vmem>>) semaphore(%run_scoped3A_266 : memref<!tpu.dma_semaphore, #tpu.memory_space<semaphore_mem>>)
        %dma_wait3A_281 = arith.constant 0 : i32
        %dma_wait3A_282 = arith.constant 0 : i32
        %dma_wait3A_283 = tpu.memref_slice %run_scoped3A_8[%rem3A_141, %dma_wait3A_281, %dma_wait3A_282] : memref<2x128x128xf32, #tpu.memory_space<vmem>> -> memref<1x128x128xf32, #tpu.memory_space<vmem>>
        %dma_wait3A_284 = tpu.memref_squeeze %dma_wait3A_283 : memref<1x128x128xf32, #tpu.memory_space<vmem>> -> memref<128x128xf32, #tpu.memory_space<vmem>>
        %dma_wait3A_285 = arith.constant 0 : i32
        %dma_wait3A_286 = arith.constant 0 : i32
        %dma_wait3A_287 = tpu.memref_slice %run_scoped3A[%rem3A_139, %dma_wait3A_285, %dma_wait3A_286] : memref<2x1x128xi32, #tpu.memory_space<vmem>> -> memref<1x1x128xi32, #tpu.memory_space<vmem>>
        %dma_wait3A_288 = tpu.memref_squeeze %dma_wait3A_287 : memref<1x1x128xi32, #tpu.memory_space<vmem>> -> memref<1x128xi32, #tpu.memory_space<vmem>>
        %dma_wait3A_289 = arith.constant 0 : i32
        %dma_wait3A_290 = tpu.memref_slice %dma_wait3A_288[%run_scoped3A_142, %dma_wait3A_289] : memref<1x128xi32, #tpu.memory_space<vmem>> -> memref<1x128xi32, #tpu.memory_space<vmem>>
        %dma_wait3A_291 = tpu.memref_squeeze %dma_wait3A_290 : memref<1x128xi32, #tpu.memory_space<vmem>> -> memref<128xi32, #tpu.memory_space<vmem>>
        %dma_wait3A_292 = arith.constant 0 : i32
        %dma_wait3A_293 = arith.constant 0 : i32
        %dma_wait3A_294 = tpu.memref_slice %arg2[%dma_wait3A_292, %dma_wait3A_293] : memref<100x128xf32, #tpu.memory_space<hbm>> -> memref<100x128xf32, #tpu.memory_space<hbm>>
        tpu.wait_indirect_dma semaphore(%run_scoped3A_266 : memref<!tpu.dma_semaphore, #tpu.memory_space<semaphore_mem>>) src(%dma_wait3A_294 : memref<100x128xf32, #tpu.memory_space<hbm>>) dst(%dma_wait3A_284 : memref<128x128xf32, #tpu.memory_space<vmem>>)
        tpu.yield
      }) : () -> ()
      "tpu.trace_stop"() : () -> ()
      %ne3A_143 = arith.cmpi ne, %add3A_72, %add3A_92 : i32
      %or3A_144 = arith.constant false
      %or3A_145 = arith.ori %or3A_144, %ne3A_143 : i1
      %or3A_146 = arith.ori %or3A_145, %eq3A_70 : i1
      %convert_element_type3A_147 = arith.extui %or3A_146 : i1 to i32
      %cond3A_148 = arith.constant 0 : i32
      %cond3A_149 = arith.cmpi ne, %convert_element_type3A_147, %cond3A_148 : i32
      scf.if %cond3A_149 {
      } else {
      }
      %and3A_150 = arith.constant false
      %and3A_151 = arith.andi %or3A_146, %and3A_150 : i1
      %ne3A_152 = arith.cmpi ne, %add3A_72, %add3A_92 : i32
      %or3A_153 = arith.constant false
      %or3A_154 = arith.ori %or3A_153, %ne3A_152 : i1
      %or3A_155 = arith.constant false
      %or3A_156 = arith.ori %or3A_154, %or3A_155 : i1
      %or3A_157 = arith.ori %or3A_156, %eq3A_70 : i1
      %convert_element_type3A_158 = arith.extui %or3A_157 : i1 to i32
      %cond3A_159 = arith.constant 0 : i32
      %cond3A_160 = arith.cmpi ne, %convert_element_type3A_158, %cond3A_159 : i32
      scf.if %cond3A_160 {
        "tpu.trace_start"() <{level = 10 : i32, message = "ep_copy_out"}> : () -> ()
        %rem3A_266 = arith.constant 2 : i32
        %rem3A_267 = arith.remui %scan3A_63, %rem3A_266 : i32
        %mul3A_268 = arith.constant 128 : i32
        %mul3A_269 = arith.muli %mul3A_268, %add3A_72 : i32
        %dma_start3A_270 = arith.constant 0 : i32
        %dma_start3A_271 = arith.constant 0 : i32
        %dma_start3A_272 = tpu.memref_slice %run_scoped3A_8[%rem3A_267, %dma_start3A_270, %dma_start3A_271] : memref<2x128x128xf32, #tpu.memory_space<vmem>> -> memref<1x128x128xf32, #tpu.memory_space<vmem>>
        %dma_start3A_273 = tpu.memref_squeeze %dma_start3A_272 : memref<1x128x128xf32, #tpu.memory_space<vmem>> -> memref<128x128xf32, #tpu.memory_space<vmem>>
        %dma_start3A_274 = arith.constant 0 : i32
        %dma_start3A_275 = tpu.memref_slice %arg4[%mul3A_269, %dma_start3A_274] : memref<4096x128xf32, #tpu.memory_space<hbm>> -> memref<128x128xf32, #tpu.memory_space<hbm>>
        %dma_start3A_276 = tpu.memref_slice %run_scoped3A_9[%rem3A_267] : memref<2x!tpu.dma_semaphore, #tpu.memory_space<semaphore_mem>> -> memref<1x!tpu.dma_semaphore, #tpu.memory_space<semaphore_mem>>
        %dma_start3A_277 = tpu.memref_squeeze %dma_start3A_276 : memref<1x!tpu.dma_semaphore, #tpu.memory_space<semaphore_mem>> -> memref<!tpu.dma_semaphore, #tpu.memory_space<semaphore_mem>>
        %dma_start3A_278 = arith.constant 0 : i32
        %dma_start3A_279 = tpu.memref_slice %arg4[%mul3A_269, %dma_start3A_278] : memref<4096x128xf32, #tpu.memory_space<hbm>> -> memref<128x128xf32, #tpu.memory_space<hbm>>
        %dma_start3A_280 = arith.constant 0 : i32
        %dma_start3A_281 = arith.constant 0 : i32
        %dma_start3A_282 = tpu.memref_slice %run_scoped3A_8[%rem3A_267, %dma_start3A_280, %dma_start3A_281] : memref<2x128x128xf32, #tpu.memory_space<vmem>> -> memref<1x128x128xf32, #tpu.memory_space<vmem>>
        %dma_start3A_283 = tpu.memref_squeeze %dma_start3A_282 : memref<1x128x128xf32, #tpu.memory_space<vmem>> -> memref<128x128xf32, #tpu.memory_space<vmem>>
        tpu.enqueue_dma source(%dma_start3A_283 : memref<128x128xf32, #tpu.memory_space<vmem>>) target(%dma_start3A_279 : memref<128x128xf32, #tpu.memory_space<hbm>>) target_semaphore(%dma_start3A_277 : memref<!tpu.dma_semaphore, #tpu.memory_space<semaphore_mem>>)
        "tpu.trace_stop"() : () -> ()
      } else {
      }
      %and3A_161 = arith.constant true
      %and3A_162 = arith.andi %or3A_157, %and3A_161 : i1
      %add3A_163 = arith.constant 1 : i32
      %add3A_164 = arith.addi %scan3A_63, %add3A_163 : i32
      %select_n3A_165 = arith.select %and3A_162, %add3A_164, %scan3A_63 : i32
      %ne3A_166 = arith.cmpi ne, %add3A_72, %add3A_82 : i32
      %or3A_167 = arith.constant false
      %or3A_168 = arith.ori %or3A_167, %ne3A_166 : i1
      %not3A_169 = arith.constant true
      %not3A_170 = arith.xori %eq3A_68, %not3A_169 : i1
      %and3A_171 = arith.andi %or3A_168, %not3A_170 : i1
      %convert_element_type3A_172 = arith.extui %and3A_171 : i1 to i32
      %cond3A_173 = arith.constant 0 : i32
      %cond3A_174 = arith.cmpi ne, %convert_element_type3A_172, %cond3A_173 : i32
      scf.if %cond3A_174 {
      } else {
      }
      %and3A_175 = arith.constant false
      %and3A_176 = arith.andi %and3A_171, %and3A_175 : i1
      %ne3A_177 = arith.cmpi ne, %add3A_72, %add3A_82 : i32
      %or3A_178 = arith.constant false
      %or3A_179 = arith.ori %or3A_178, %ne3A_177 : i1
      %or3A_180 = arith.constant false
      %or3A_181 = arith.ori %or3A_179, %or3A_180 : i1
      %not3A_182 = arith.constant true
      %not3A_183 = arith.xori %eq3A_68, %not3A_182 : i1
      %and3A_184 = arith.andi %or3A_181, %not3A_183 : i1
      %convert_element_type3A_185 = arith.extui %and3A_184 : i1 to i32
      %cond3A_186 = arith.constant 0 : i32
      %cond3A_187 = arith.cmpi ne, %convert_element_type3A_185, %cond3A_186 : i32
      scf.if %cond3A_187 {
        "tpu.trace_start"() <{level = 10 : i32, message = "ep_wait_out"}> : () -> ()
        %rem3A_266 = arith.constant 2 : i32
        %rem3A_267 = arith.remui %scan3A_64, %rem3A_266 : i32
        %mul3A_268 = arith.constant 128 : i32
        %mul3A_269 = arith.muli %mul3A_268, %add3A_82 : i32
        %dma_wait3A_270 = arith.constant 0 : i32
        %dma_wait3A_271 = arith.constant 0 : i32
        %dma_wait3A_272 = tpu.memref_slice %run_scoped3A_8[%rem3A_267, %dma_wait3A_270, %dma_wait3A_271] : memref<2x128x128xf32, #tpu.memory_space<vmem>> -> memref<1x128x128xf32, #tpu.memory_space<vmem>>
        %dma_wait3A_273 = tpu.memref_squeeze %dma_wait3A_272 : memref<1x128x128xf32, #tpu.memory_space<vmem>> -> memref<128x128xf32, #tpu.memory_space<vmem>>
        %dma_wait3A_274 = arith.constant 0 : i32
        %dma_wait3A_275 = tpu.memref_slice %arg4[%mul3A_269, %dma_wait3A_274] : memref<4096x128xf32, #tpu.memory_space<hbm>> -> memref<128x128xf32, #tpu.memory_space<hbm>>
        %dma_wait3A_276 = tpu.memref_slice %run_scoped3A_9[%rem3A_267] : memref<2x!tpu.dma_semaphore, #tpu.memory_space<semaphore_mem>> -> memref<1x!tpu.dma_semaphore, #tpu.memory_space<semaphore_mem>>
        %dma_wait3A_277 = tpu.memref_squeeze %dma_wait3A_276 : memref<1x!tpu.dma_semaphore, #tpu.memory_space<semaphore_mem>> -> memref<!tpu.dma_semaphore, #tpu.memory_space<semaphore_mem>>
        %dma_wait3A_278 = arith.constant 0 : i32
        %dma_wait3A_279 = tpu.memref_slice %arg4[%mul3A_269, %dma_wait3A_278] : memref<4096x128xf32, #tpu.memory_space<hbm>> -> memref<128x128xf32, #tpu.memory_space<hbm>>
        %dma_wait3A_280 = arith.constant 0 : i32
        %dma_wait3A_281 = arith.constant 0 : i32
        %dma_wait3A_282 = tpu.memref_slice %run_scoped3A_8[%rem3A_267, %dma_wait3A_280, %dma_wait3A_281] : memref<2x128x128xf32, #tpu.memory_space<vmem>> -> memref<1x128x128xf32, #tpu.memory_space<vmem>>
        %dma_wait3A_283 = tpu.memref_squeeze %dma_wait3A_282 : memref<1x128x128xf32, #tpu.memory_space<vmem>> -> memref<128x128xf32, #tpu.memory_space<vmem>>
        tpu.wait_dma2 semaphore(%dma_wait3A_277 : memref<!tpu.dma_semaphore, #tpu.memory_space<semaphore_mem>>) src(%dma_wait3A_283 : memref<128x128xf32, #tpu.memory_space<vmem>>) dst(%dma_wait3A_279 : memref<128x128xf32, #tpu.memory_space<hbm>>)
        "tpu.trace_stop"() : () -> ()
      } else {
      }
      %and3A_188 = arith.constant true
      %and3A_189 = arith.andi %and3A_184, %and3A_188 : i1
      %add3A_190 = arith.constant 1 : i32
      %add3A_191 = arith.addi %scan3A_64, %add3A_190 : i32
      %select_n3A_192 = arith.select %and3A_189, %add3A_191, %scan3A_64 : i32
      %ne3A_193 = arith.cmpi ne, %add3A_72, %add3A_92 : i32
      %or3A_194 = arith.constant false
      %or3A_195 = arith.ori %or3A_194, %ne3A_193 : i1
      %or3A_196 = arith.ori %or3A_195, %eq3A_70 : i1
      %add3A_197 = arith.constant 1 : i32
      %add3A_198 = arith.addi %scan3A, %add3A_197 : i32
      %select_n3A_199 = arith.select %or3A_196, %add3A_198, %scan3A : i32
      %select_n3A_200 = arith.constant true
      %select_n3A_201 = arith.constant 0 : i32
      %select_n3A_202 = arith.constant 1 : i32
      %select_n3A_203 = arith.select %select_n3A_200, %select_n3A_202, %select_n3A_201 : i32
      %eq3A_204 = arith.constant 1 : i32
      %eq3A_205 = arith.cmpi eq, %select_n3A_203, %eq3A_204 : i32
      %select_n3A_206 = arith.constant 0 : i32
      %select_n3A_207 = arith.select %eq3A_205, %select_n3A_206, %select_n3A_203 : i32
      %scan3A_208 = arith.constant 0 : i32
      %scan3A_209 = arith.constant 1 : i32
      %sub3A = arith.constant 1 : i32
      %sub3A_210 = arith.subi %scan3A_208, %sub3A : i32
      %select_n3A_211 = arith.constant true
      %select_n3A_212 = arith.select %select_n3A_211, %sub3A_210, %scan3A_208 : i32
      %eq3A_213 = arith.constant -1 : i32
      %eq3A_214 = arith.cmpi eq, %select_n3A_212, %eq3A_213 : i32
      %select_n3A_215 = arith.constant 0 : i32
      %select_n3A_216 = arith.select %eq3A_214, %select_n3A_215, %select_n3A_212 : i32
      %add3A_217 = arith.constant 0 : i32
      %add3A_218 = arith.addi %add3A_217, %mul3A_6 : i32
      %select_n3A_219 = arith.constant true
      %select_n3A_220 = arith.constant 0 : i32
      %select_n3A_221 = arith.constant -1 : i32
      %select_n3A_222 = arith.select %select_n3A_219, %select_n3A_221, %select_n3A_220 : i32
      %eq3A_223 = arith.constant -1 : i32
      %eq3A_224 = arith.cmpi eq, %select_n3A_222, %eq3A_223 : i32
      %select_n3A_225 = arith.constant 0 : i32
      %select_n3A_226 = arith.select %eq3A_224, %select_n3A_225, %select_n3A_222 : i32
      %add3A_227 = arith.constant 0 : i32
      %add3A_228 = arith.addi %add3A_227, %mul3A_6 : i32
      %select_n3A_229 = arith.constant true
      %select_n3A_230 = arith.constant 0 : i32
      %select_n3A_231 = arith.constant 1 : i32
      %select_n3A_232 = arith.select %select_n3A_229, %select_n3A_231, %select_n3A_230 : i32
      %eq3A_233 = arith.constant 1 : i32
      %eq3A_234 = arith.cmpi eq, %select_n3A_232, %eq3A_233 : i32
      %select_n3A_235 = arith.constant 0 : i32
      %select_n3A_236 = arith.select %eq3A_234, %select_n3A_235, %select_n3A_232 : i32
      %add3A_237 = arith.constant 0 : i32
      %add3A_238 = arith.addi %add3A_237, %mul3A_6 : i32
      %select_n3A_239 = arith.constant true
      %select_n3A_240 = arith.constant 0 : i32
      %select_n3A_241 = arith.constant 1 : i32
      %select_n3A_242 = arith.select %select_n3A_239, %select_n3A_241, %select_n3A_240 : i32
      %eq3A_243 = arith.constant 1 : i32
      %eq3A_244 = arith.cmpi eq, %select_n3A_242, %eq3A_243 : i32
      %select_n3A_245 = arith.constant 0 : i32
      %select_n3A_246 = arith.select %eq3A_244, %select_n3A_245, %select_n3A_242 : i32
      %add3A_247 = arith.constant 0 : i32
      %add3A_248 = arith.addi %add3A_247, %mul3A_6 : i32
      "tpu.trace_start"() <{level = 10 : i32, message = "ep_finalize"}> : () -> ()
      %rem3A_249 = arith.constant 2 : i32
      %rem3A_250 = arith.remui %select_n3A_192, %rem3A_249 : i32
      %mul3A_251 = arith.constant 128 : i32
      %mul3A_252 = arith.muli %mul3A_251, %add3A_218 : i32
      %dma_wait3A = arith.constant 0 : i32
      %dma_wait3A_253 = arith.constant 0 : i32
      %dma_wait3A_254 = tpu.memref_slice %run_scoped3A_8[%rem3A_250, %dma_wait3A, %dma_wait3A_253] : memref<2x128x128xf32, #tpu.memory_space<vmem>> -> memref<1x128x128xf32, #tpu.memory_space<vmem>>
      %dma_wait3A_255 = tpu.memref_squeeze %dma_wait3A_254 : memref<1x128x128xf32, #tpu.memory_space<vmem>> -> memref<128x128xf32, #tpu.memory_space<vmem>>
      %dma_wait3A_256 = arith.constant 0 : i32
      %dma_wait3A_257 = tpu.memref_slice %arg4[%mul3A_252, %dma_wait3A_256] : memref<4096x128xf32, #tpu.memory_space<hbm>> -> memref<128x128xf32, #tpu.memory_space<hbm>>
      %dma_wait3A_258 = tpu.memref_slice %run_scoped3A_9[%rem3A_250] : memref<2x!tpu.dma_semaphore, #tpu.memory_space<semaphore_mem>> -> memref<1x!tpu.dma_semaphore, #tpu.memory_space<semaphore_mem>>
      %dma_wait3A_259 = tpu.memref_squeeze %dma_wait3A_258 : memref<1x!tpu.dma_semaphore, #tpu.memory_space<semaphore_mem>> -> memref<!tpu.dma_semaphore, #tpu.memory_space<semaphore_mem>>
      %dma_wait3A_260 = arith.constant 0 : i32
      %dma_wait3A_261 = tpu.memref_slice %arg4[%mul3A_252, %dma_wait3A_260] : memref<4096x128xf32, #tpu.memory_space<hbm>> -> memref<128x128xf32, #tpu.memory_space<hbm>>
      %dma_wait3A_262 = arith.constant 0 : i32
      %dma_wait3A_263 = arith.constant 0 : i32
      %dma_wait3A_264 = tpu.memref_slice %run_scoped3A_8[%rem3A_250, %dma_wait3A_262, %dma_wait3A_263] : memref<2x128x128xf32, #tpu.memory_space<vmem>> -> memref<1x128x128xf32, #tpu.memory_space<vmem>>
      %dma_wait3A_265 = tpu.memref_squeeze %dma_wait3A_264 : memref<1x128x128xf32, #tpu.memory_space<vmem>> -> memref<128x128xf32, #tpu.memory_space<vmem>>
      tpu.wait_dma2 semaphore(%dma_wait3A_259 : memref<!tpu.dma_semaphore, #tpu.memory_space<semaphore_mem>>) src(%dma_wait3A_265 : memref<128x128xf32, #tpu.memory_space<vmem>>) dst(%dma_wait3A_261 : memref<128x128xf32, #tpu.memory_space<hbm>>)
      "tpu.trace_stop"() : () -> ()
      tpu.yield
    }) : () -> ()
    return
  }
}

module attributes {stable_mosaic.version = 14 : i64} {
  func.func @_prep_body(%arg0: i32, %arg1: memref<1x1x32x48xf32, #tpu.memory_space<vmem>>, %arg2: memref<1x1x48x48xf32, #tpu.memory_space<vmem>>, %arg3: memref<8x1x128xf32, #tpu.memory_space<vmem>>, %arg4: memref<8x1x128xf32, #tpu.memory_space<vmem>>, %arg5: memref<128x128xf32, #tpu.memory_space<vmem>>, %arg6: memref<1x128xf32, #tpu.memory_space<vmem>>, %arg7: memref<128x128xf32, #tpu.memory_space<vmem>>, %arg8: memref<1x128xf32, #tpu.memory_space<vmem>>, %arg9: memref<128x128xf32, #tpu.memory_space<vmem>>, %arg10: memref<1x128xf32, #tpu.memory_space<vmem>>, %arg11: memref<1024x32xf32, #tpu.memory_space<vmem>>, %arg12: memref<48x16xf32, #tpu.memory_space<vmem>>, %arg13: memref<1x1024x48xf32, #tpu.memory_space<vmem>>, %arg14: memref<1x1024x16xf32, #tpu.memory_space<vmem>>, %arg15: memref<1x8x128xf32, #tpu.memory_space<vmem>>) attributes {dimension_semantics = [#tpu.dimension_semantics<arbitrary>], iteration_bounds = array<i64: 8>, scalar_prefetch = 0 : i64, scratch_operands = 0 : i64, tpu.core_type = #tpu.core_type<tc>, window_params = [{transform_indices = @transform_0, window_bounds = array<i64: 1, 1, 32, 48>}, {transform_indices = @transform_1, window_bounds = array<i64: 1, 1, 48, 48>}, {transform_indices = @transform_2, window_bounds = array<i64: 8, 1, 128>}, {transform_indices = @transform_3, window_bounds = array<i64: 8, 1, 128>}, {pipeline_mode = #tpu.pipeline_mode<synchronous>, transform_indices = @transform_4, window_bounds = array<i64: 128, 128>}, {pipeline_mode = #tpu.pipeline_mode<synchronous>, transform_indices = @transform_5, window_bounds = array<i64: 1, 128>}, {pipeline_mode = #tpu.pipeline_mode<synchronous>, transform_indices = @transform_6, window_bounds = array<i64: 128, 128>}, {pipeline_mode = #tpu.pipeline_mode<synchronous>, transform_indices = @transform_7, window_bounds = array<i64: 1, 128>}, {pipeline_mode = #tpu.pipeline_mode<synchronous>, transform_indices = @transform_8, window_bounds = array<i64: 128, 128>}, {pipeline_mode = #tpu.pipeline_mode<synchronous>, transform_indices = @transform_9, window_bounds = array<i64: 1, 128>}, {pipeline_mode = #tpu.pipeline_mode<synchronous>, transform_indices = @transform_10, window_bounds = array<i64: 1024, 32>}, {pipeline_mode = #tpu.pipeline_mode<synchronous>, transform_indices = @transform_11, window_bounds = array<i64: 48, 16>}, {transform_indices = @transform_12, window_bounds = array<i64: 1, 1024, 48>}, {transform_indices = @transform_13, window_bounds = array<i64: 1, 1024, 16>}, {transform_indices = @transform_14, window_bounds = array<i64: 1, 8, 128>}]} {
    %get3A = arith.constant 0 : index
    %get3A_0 = arith.constant 0 : index
    %get3A_1 = arith.constant 0 : index
    %get3A_2 = vector.load %arg3[%get3A, %get3A_0, %get3A_1] : memref<8x1x128xf32, #tpu.memory_space<vmem>>, vector<8x1x128xf32>
    %reshape3A = vector.shape_cast %get3A_2 : vector<8x1x128xf32> to vector<8x128xf32>
    %get3A_3 = arith.constant 0 : index
    %get3A_4 = arith.constant 0 : index
    %get3A_5 = arith.constant 0 : index
    %get3A_6 = vector.load %arg4[%get3A_3, %get3A_4, %get3A_5] : memref<8x1x128xf32, #tpu.memory_space<vmem>>, vector<8x1x128xf32>
    %reshape3A_7 = vector.shape_cast %get3A_6 : vector<8x1x128xf32> to vector<8x128xf32>
    %get3A_8 = arith.constant 0 : index
    %get3A_9 = arith.constant 0 : index
    %get3A_10 = vector.load %arg5[%get3A_8, %get3A_9] : memref<128x128xf32, #tpu.memory_space<vmem>>, vector<128x128xf32>
    %dot_general3A = arith.constant dense<0.000000e+00> : vector<8x128xf32>
    %dot_general3A_11 = tpu.matmul %reshape3A, %get3A_10, %dot_general3A {dimension_numbers = #tpu.dot_dimension_numbers<[1], [0], [0], [1], [0, 0, 1, 1], [], []>, transpose_lhs_hint = false} : vector<8x128xf32>, vector<128x128xf32>, vector<8x128xf32> -> vector<8x128xf32>
    %get3A_12 = arith.constant 0 : index
    %get3A_13 = arith.constant 0 : index
    %get3A_14 = vector.load %arg6[%get3A_12, %get3A_13] : memref<1x128xf32, #tpu.memory_space<vmem>>, vector<1x128xf32>
    %add3A = vector.broadcast %get3A_14 : vector<1x128xf32> to vector<8x128xf32>
    %add3A_15 = arith.addf %dot_general3A_11, %add3A : vector<8x128xf32>
    %mul3A = arith.constant 5.000000e-01 : f32
    %mul3A_16 = vector.broadcast %mul3A : f32 to vector<8x128xf32>
    %mul3A_17 = arith.mulf %mul3A_16, %add3A_15 : vector<8x128xf32>
    %tanh3A = math.tanh %mul3A_17 : vector<8x128xf32>
    %mul3A_18 = arith.mulf %mul3A_17, %tanh3A : vector<8x128xf32>
    %add3A_19 = arith.addf %mul3A_17, %mul3A_18 : vector<8x128xf32>
    %get3A_20 = arith.constant 0 : index
    %get3A_21 = arith.constant 0 : index
    %get3A_22 = vector.load %arg7[%get3A_20, %get3A_21] : memref<128x128xf32, #tpu.memory_space<vmem>>, vector<128x128xf32>
    %dot_general3A_23 = arith.constant dense<0.000000e+00> : vector<8x128xf32>
    %dot_general3A_24 = tpu.matmul %add3A_19, %get3A_22, %dot_general3A_23 {dimension_numbers = #tpu.dot_dimension_numbers<[1], [0], [0], [1], [0, 0, 1, 1], [], []>, transpose_lhs_hint = false} : vector<8x128xf32>, vector<128x128xf32>, vector<8x128xf32> -> vector<8x128xf32>
    %get3A_25 = arith.constant 0 : index
    %get3A_26 = arith.constant 0 : index
    %get3A_27 = vector.load %arg8[%get3A_25, %get3A_26] : memref<1x128xf32, #tpu.memory_space<vmem>>, vector<1x128xf32>
    %add3A_28 = vector.broadcast %get3A_27 : vector<1x128xf32> to vector<8x128xf32>
    %add3A_29 = arith.addf %dot_general3A_24, %add3A_28 : vector<8x128xf32>
    %get3A_30 = arith.constant 0 : index
    %get3A_31 = arith.constant 0 : index
    %get3A_32 = vector.load %arg9[%get3A_30, %get3A_31] : memref<128x128xf32, #tpu.memory_space<vmem>>, vector<128x128xf32>
    %dot_general3A_33 = arith.constant dense<0.000000e+00> : vector<8x128xf32>
    %dot_general3A_34 = tpu.matmul %reshape3A_7, %get3A_32, %dot_general3A_33 {dimension_numbers = #tpu.dot_dimension_numbers<[1], [0], [0], [1], [0, 0, 1, 1], [], []>, transpose_lhs_hint = false} : vector<8x128xf32>, vector<128x128xf32>, vector<8x128xf32> -> vector<8x128xf32>
    %add3A_35 = arith.addf %add3A_29, %dot_general3A_34 : vector<8x128xf32>
    %get3A_36 = arith.constant 0 : index
    %get3A_37 = arith.constant 0 : index
    %get3A_38 = vector.load %arg10[%get3A_36, %get3A_37] : memref<1x128xf32, #tpu.memory_space<vmem>>, vector<1x128xf32>
    %add3A_39 = vector.broadcast %get3A_38 : vector<1x128xf32> to vector<8x128xf32>
    %add3A_40 = arith.addf %add3A_35, %add3A_39 : vector<8x128xf32>
    %reshape3A_41 = vector.shape_cast %add3A_40 : vector<8x128xf32> to vector<1x8x128xf32>
    %swap3A = arith.constant 0 : index
    %swap3A_42 = arith.constant 0 : index
    %swap3A_43 = arith.constant 0 : index
    %swap3A_44 = vector.load %arg15[%swap3A, %swap3A_42, %swap3A_43] : memref<1x8x128xf32, #tpu.memory_space<vmem>>, vector<1x8x128xf32>
    tpu.vector_store %arg15[%swap3A, %swap3A_42, %swap3A_43], %reshape3A_41 {strides = array<i32>} : memref<1x8x128xf32, #tpu.memory_space<vmem>>, vector<1x8x128xf32>,
    %get3A_45 = arith.constant 0 : index
    %get3A_46 = arith.constant 0 : index
    %get3A_47 = arith.constant 0 : index
    %get3A_48 = arith.constant 0 : index
    %get3A_49 = vector.load %arg1[%get3A_45, %get3A_46, %get3A_47, %get3A_48] : memref<1x1x32x48xf32, #tpu.memory_space<vmem>>, vector<1x1x32x48xf32>
    %reshape3A_50 = vector.shape_cast %get3A_49 : vector<1x1x32x48xf32> to vector<32x48xf32>
    %get3A_51 = arith.constant 0 : index
    %get3A_52 = arith.constant 0 : index
    %get3A_53 = arith.constant 0 : index
    %get3A_54 = arith.constant 0 : index
    %get3A_55 = vector.load %arg2[%get3A_51, %get3A_52, %get3A_53, %get3A_54] : memref<1x1x48x48xf32, #tpu.memory_space<vmem>>, vector<1x1x48x48xf32>
    %reshape3A_56 = vector.shape_cast %get3A_55 : vector<1x1x48x48xf32> to vector<48x48xf32>
    %dot_general3A_57 = arith.constant dense<0.000000e+00> : vector<32x48xf32>
    %dot_general3A_58 = tpu.matmul %reshape3A_50, %reshape3A_56, %dot_general3A_57 {dimension_numbers = #tpu.dot_dimension_numbers<[1], [0], [0], [1], [0, 0, 1, 1], [], []>, transpose_lhs_hint = false} : vector<32x48xf32>, vector<48x48xf32>, vector<32x48xf32> -> vector<32x48xf32>
    %get3A_59 = arith.constant 0 : index
    %get3A_60 = arith.constant 0 : index
    %get3A_61 = vector.load %arg11[%get3A_59, %get3A_60] : memref<1024x32xf32, #tpu.memory_space<vmem>>, vector<1024x32xf32>
    %dot_general3A_62 = arith.constant dense<0.000000e+00> : vector<1024x48xf32>
    %dot_general3A_63 = tpu.matmul %get3A_61, %dot_general3A_58, %dot_general3A_62 {dimension_numbers = #tpu.dot_dimension_numbers<[1], [0], [0], [1], [0, 0, 1, 1], [], []>, transpose_lhs_hint = false} : vector<1024x32xf32>, vector<32x48xf32>, vector<1024x48xf32> -> vector<1024x48xf32>
    %reshape3A_64 = vector.shape_cast %dot_general3A_63 : vector<1024x48xf32> to vector<1x1024x48xf32>
    %swap3A_65 = arith.constant 0 : index
    %swap3A_66 = arith.constant 0 : index
    %swap3A_67 = arith.constant 0 : index
    %swap3A_68 = vector.load %arg13[%swap3A_65, %swap3A_66, %swap3A_67] : memref<1x1024x48xf32, #tpu.memory_space<vmem>>, vector<1x1024x48xf32>
    tpu.vector_store %arg13[%swap3A_65, %swap3A_66, %swap3A_67], %reshape3A_64 {strides = array<i32>} : memref<1x1024x48xf32, #tpu.memory_space<vmem>>, vector<1x1024x48xf32>,
    %mul3A_69 = arith.mulf %dot_general3A_63, %dot_general3A_63 : vector<1024x48xf32>
    %get3A_70 = arith.constant 0 : index
    %get3A_71 = arith.constant 0 : index
    %get3A_72 = vector.load %arg12[%get3A_70, %get3A_71] : memref<48x16xf32, #tpu.memory_space<vmem>>, vector<48x16xf32>
    %dot_general3A_73 = arith.constant dense<0.000000e+00> : vector<1024x16xf32>
    %dot_general3A_74 = tpu.matmul %mul3A_69, %get3A_72, %dot_general3A_73 {dimension_numbers = #tpu.dot_dimension_numbers<[1], [0], [0], [1], [0, 0, 1, 1], [], []>, transpose_lhs_hint = false} : vector<1024x48xf32>, vector<48x16xf32>, vector<1024x16xf32> -> vector<1024x16xf32>
    %reshape3A_75 = vector.shape_cast %dot_general3A_74 : vector<1024x16xf32> to vector<1x1024x16xf32>
    %swap3A_76 = arith.constant 0 : index
    %swap3A_77 = arith.constant 0 : index
    %swap3A_78 = arith.constant 0 : index
    %swap3A_79 = vector.load %arg14[%swap3A_76, %swap3A_77, %swap3A_78] : memref<1x1024x16xf32, #tpu.memory_space<vmem>>, vector<1x1024x16xf32>
    tpu.vector_store %arg14[%swap3A_76, %swap3A_77, %swap3A_78], %reshape3A_75 {strides = array<i32>} : memref<1x1024x16xf32, #tpu.memory_space<vmem>>, vector<1x1024x16xf32>,
    return
  }
  func.func @transform_0(%arg0: i32) -> (i32, i32, i32, i32) {
    %c0_i32 = arith.constant 0 : i32
    %c0_i32_0 = arith.constant 0 : i32
    %c0_i32_1 = arith.constant 0 : i32
    %c0_i32_2 = arith.constant 0 : i32
    return %arg0, %c0_i32, %c0_i32_0, %c0_i32_1 : i32, i32, i32, i32
  }
  func.func @transform_1(%arg0: i32) -> (i32, i32, i32, i32) {
    %c0_i32 = arith.constant 0 : i32
    %c0_i32_0 = arith.constant 0 : i32
    %c0_i32_1 = arith.constant 0 : i32
    %c0_i32_2 = arith.constant 0 : i32
    return %arg0, %c0_i32, %c0_i32_0, %c0_i32_1 : i32, i32, i32, i32
  }
  func.func @transform_2(%arg0: i32) -> (i32, i32, i32) {
    %c0_i32 = arith.constant 0 : i32
    %c0_i32_0 = arith.constant 0 : i32
    %c0_i32_1 = arith.constant 0 : i32
    return %arg0, %c0_i32, %c0_i32_0 : i32, i32, i32
  }
  func.func @transform_3(%arg0: i32) -> (i32, i32, i32) {
    %c0_i32 = arith.constant 0 : i32
    %c0_i32_0 = arith.constant 0 : i32
    %c0_i32_1 = arith.constant 0 : i32
    return %arg0, %c0_i32, %c0_i32_0 : i32, i32, i32
  }
  func.func @transform_4(%arg0: i32) -> (i32, i32) {
    %c0_i32 = arith.constant 0 : i32
    %c0_i32_0 = arith.constant 0 : i32
    %c0_i32_1 = arith.constant 0 : i32
    return %c0_i32, %c0_i32_0 : i32, i32
  }
  func.func @transform_5(%arg0: i32) -> (i32, i32) {
    %c0_i32 = arith.constant 0 : i32
    %c0_i32_0 = arith.constant 0 : i32
    %c0_i32_1 = arith.constant 0 : i32
    return %c0_i32, %c0_i32_0 : i32, i32
  }
  func.func @transform_6(%arg0: i32) -> (i32, i32) {
    %c0_i32 = arith.constant 0 : i32
    %c0_i32_0 = arith.constant 0 : i32
    %c0_i32_1 = arith.constant 0 : i32
    return %c0_i32, %c0_i32_0 : i32, i32
  }
  func.func @transform_7(%arg0: i32) -> (i32, i32) {
    %c0_i32 = arith.constant 0 : i32
    %c0_i32_0 = arith.constant 0 : i32
    %c0_i32_1 = arith.constant 0 : i32
    return %c0_i32, %c0_i32_0 : i32, i32
  }
  func.func @transform_8(%arg0: i32) -> (i32, i32) {
    %c0_i32 = arith.constant 0 : i32
    %c0_i32_0 = arith.constant 0 : i32
    %c0_i32_1 = arith.constant 0 : i32
    return %c0_i32, %c0_i32_0 : i32, i32
  }
  func.func @transform_9(%arg0: i32) -> (i32, i32) {
    %c0_i32 = arith.constant 0 : i32
    %c0_i32_0 = arith.constant 0 : i32
    %c0_i32_1 = arith.constant 0 : i32
    return %c0_i32, %c0_i32_0 : i32, i32
  }
  func.func @transform_10(%arg0: i32) -> (i32, i32) {
    %c0_i32 = arith.constant 0 : i32
    %c0_i32_0 = arith.constant 0 : i32
    %c0_i32_1 = arith.constant 0 : i32
    return %c0_i32, %c0_i32_0 : i32, i32
  }
  func.func @transform_11(%arg0: i32) -> (i32, i32) {
    %c0_i32 = arith.constant 0 : i32
    %c0_i32_0 = arith.constant 0 : i32
    %c0_i32_1 = arith.constant 0 : i32
    return %c0_i32, %c0_i32_0 : i32, i32
  }
  func.func @transform_12(%arg0: i32) -> (i32, i32, i32) {
    %c0_i32 = arith.constant 0 : i32
    %c0_i32_0 = arith.constant 0 : i32
    %c0_i32_1 = arith.constant 0 : i32
    return %arg0, %c0_i32, %c0_i32_0 : i32, i32, i32
  }
  func.func @transform_13(%arg0: i32) -> (i32, i32, i32) {
    %c0_i32 = arith.constant 0 : i32
    %c0_i32_0 = arith.constant 0 : i32
    %c0_i32_1 = arith.constant 0 : i32
    return %arg0, %c0_i32, %c0_i32_0 : i32, i32, i32
  }
  func.func @transform_14(%arg0: i32) -> (i32, i32, i32) {
    %c0_i32 = arith.constant 0 : i32
    %c0_i32_0 = arith.constant 0 : i32
    %c0_i32_1 = arith.constant 0 : i32
    return %arg0, %c0_i32, %c0_i32_0 : i32, i32, i32
  }
}

module attributes {stable_mosaic.version = 14 : i64} {
  func.func @_egnn_body(%arg0: i32, %arg1: memref<8x32x256xf32, #tpu.memory_space<vmem>>, %arg2: memref<1x1024x48xf32, #tpu.memory_space<vmem>>, %arg3: memref<1x1024x16xf32, #tpu.memory_space<vmem>>, %arg4: memref<1x8x128xf32, #tpu.memory_space<vmem>>, %arg5: memref<3x128x128xf32, #tpu.memory_space<vmem>>, %arg6: memref<3x128x128xf32, #tpu.memory_space<vmem>>, %arg7: memref<3x8x16x128xf32, #tpu.memory_space<vmem>>, %arg8: memref<3x1x128xf32, #tpu.memory_space<vmem>>, %arg9: memref<3x128x128xf32, #tpu.memory_space<vmem>>, %arg10: memref<3x1x128xf32, #tpu.memory_space<vmem>>, %arg11: memref<3x1024x16xf32, #tpu.memory_space<vmem>>, %arg12: memref<3x1x16xf32, #tpu.memory_space<vmem>>, %arg13: memref<3x256x128xf32, #tpu.memory_space<vmem>>, %arg14: memref<3x1x128xf32, #tpu.memory_space<vmem>>, %arg15: memref<3x128x128xf32, #tpu.memory_space<vmem>>, %arg16: memref<3x1x128xf32, #tpu.memory_space<vmem>>, %arg17: memref<1024x64xf32, #tpu.memory_space<vmem>>, %arg18: memref<32x1024xf32, #tpu.memory_space<vmem>>, %arg19: memref<16x48xf32, #tpu.memory_space<vmem>>, %arg20: memref<1x32x48xf32, #tpu.memory_space<vmem>>) attributes {dimension_semantics = [#tpu.dimension_semantics<arbitrary>], iteration_bounds = array<i64: 8>, scalar_prefetch = 0 : i64, scratch_operands = 0 : i64, tpu.core_type = #tpu.core_type<tc>, window_params = [{transform_indices = @transform_0, window_bounds = array<i64: 8, 32, 256>}, {transform_indices = @transform_1, window_bounds = array<i64: 1, 1024, 48>}, {transform_indices = @transform_2, window_bounds = array<i64: 1, 1024, 16>}, {transform_indices = @transform_3, window_bounds = array<i64: 1, 8, 128>}, {pipeline_mode = #tpu.pipeline_mode<synchronous>, transform_indices = @transform_4, window_bounds = array<i64: 3, 128, 128>}, {pipeline_mode = #tpu.pipeline_mode<synchronous>, transform_indices = @transform_5, window_bounds = array<i64: 3, 128, 128>}, {pipeline_mode = #tpu.pipeline_mode<synchronous>, transform_indices = @transform_6, window_bounds = array<i64: 3, 8, 16, 128>}, {pipeline_mode = #tpu.pipeline_mode<synchronous>, transform_indices = @transform_7, window_bounds = array<i64: 3, 1, 128>}, {pipeline_mode = #tpu.pipeline_mode<synchronous>, transform_indices = @transform_8, window_bounds = array<i64: 3, 128, 128>}, {pipeline_mode = #tpu.pipeline_mode<synchronous>, transform_indices = @transform_9, window_bounds = array<i64: 3, 1, 128>}, {pipeline_mode = #tpu.pipeline_mode<synchronous>, transform_indices = @transform_10, window_bounds = array<i64: 3, 1024, 16>}, {pipeline_mode = #tpu.pipeline_mode<synchronous>, transform_indices = @transform_11, window_bounds = array<i64: 3, 1, 16>}, {pipeline_mode = #tpu.pipeline_mode<synchronous>, transform_indices = @transform_12, window_bounds = array<i64: 3, 256, 128>}, {pipeline_mode = #tpu.pipeline_mode<synchronous>, transform_indices = @transform_13, window_bounds = array<i64: 3, 1, 128>}, {pipeline_mode = #tpu.pipeline_mode<synchronous>, transform_indices = @transform_14, window_bounds = array<i64: 3, 128, 128>}, {pipeline_mode = #tpu.pipeline_mode<synchronous>, transform_indices = @transform_15, window_bounds = array<i64: 3, 1, 128>}, {pipeline_mode = #tpu.pipeline_mode<synchronous>, transform_indices = @transform_16, window_bounds = array<i64: 1024, 64>}, {pipeline_mode = #tpu.pipeline_mode<synchronous>, transform_indices = @transform_17, window_bounds = array<i64: 32, 1024>}, {pipeline_mode = #tpu.pipeline_mode<synchronous>, transform_indices = @transform_18, window_bounds = array<i64: 16, 48>}, {transform_indices = @transform_19, window_bounds = array<i64: 1, 32, 48>}]} {
    %get3A = arith.constant 0 : index
    %get3A_0 = arith.constant 0 : index
    %get3A_1 = arith.constant 0 : index
    %get3A_2 = vector.load %arg1[%get3A, %get3A_0, %get3A_1] : memref<8x32x256xf32, #tpu.memory_space<vmem>>, vector<8x32x256xf32>
    %reshape3A = vector.shape_cast %get3A_2 : vector<8x32x256xf32> to vector<256x256xf32>
    %slice3A = vector.extract_strided_slice %reshape3A {offsets = [0, 0], sizes = [256, 64], strides = [1, 1]} : vector<256x256xf32> to vector<256x64xf32>
    %slice3A_3 = vector.extract_strided_slice %reshape3A {offsets = [0, 128], sizes = [256, 64], strides = [1, 1]} : vector<256x256xf32> to vector<256x64xf32>
    %concatenate3A = tpu.concatenate %slice3A, %slice3A_3 in 1 : vector<256x64xf32>, vector<256x64xf32> -> vector<256x128xf32>
    %get3A_4 = arith.constant 0 : index
    %get3A_5 = arith.constant 0 : index
    %get3A_6 = arith.constant 0 : index
    %get3A_7 = vector.load %arg4[%get3A_4, %get3A_5, %get3A_6] : memref<1x8x128xf32, #tpu.memory_space<vmem>>, vector<1x8x128xf32>
    %reshape3A_8 = vector.shape_cast %get3A_7 : vector<1x8x128xf32> to vector<8x128xf32>
    %broadcast_in_dim3A = vector.shape_cast %reshape3A_8 : vector<8x128xf32> to vector<8x1x128xf32>
    %broadcast_in_dim3A_9 = vector.shape_cast %broadcast_in_dim3A : vector<8x1x128xf32> to vector<8x1x128xf32>
    %broadcast_in_dim3A_10 = vector.broadcast %broadcast_in_dim3A_9 : vector<8x1x128xf32> to vector<8x32x128xf32>
    %reshape3A_11 = vector.shape_cast %broadcast_in_dim3A_10 : vector<8x32x128xf32> to vector<256x128xf32>
    %add3A = arith.addf %concatenate3A, %reshape3A_11 : vector<256x128xf32>
    %get3A_12 = arith.constant 0 : index
    %get3A_13 = arith.constant 0 : index
    %get3A_14 = vector.load %arg17[%get3A_12, %get3A_13] : memref<1024x64xf32, #tpu.memory_space<vmem>>, vector<1024x64xf32>
    %get3A_15 = arith.constant 0 : index
    %get3A_16 = arith.constant 0 : index
    %get3A_17 = vector.load %arg18[%get3A_15, %get3A_16] : memref<32x1024xf32, #tpu.memory_space<vmem>>, vector<32x1024xf32>
    %get3A_18 = arith.constant 0 : index
    %get3A_19 = arith.constant 0 : index
    %get3A_20 = arith.constant 0 : index
    %get3A_21 = vector.load %arg2[%get3A_18, %get3A_19, %get3A_20] : memref<1x1024x48xf32, #tpu.memory_space<vmem>>, vector<1x1024x48xf32>
    %reshape3A_22 = vector.shape_cast %get3A_21 : vector<1x1024x48xf32> to vector<1024x48xf32>
    %get3A_23 = arith.constant 0 : index
    %get3A_24 = arith.constant 0 : index
    %get3A_25 = arith.constant 0 : index
    %get3A_26 = vector.load %arg3[%get3A_23, %get3A_24, %get3A_25] : memref<1x1024x16xf32, #tpu.memory_space<vmem>>, vector<1x1024x16xf32>
    %reshape3A_27 = vector.shape_cast %get3A_26 : vector<1x1024x16xf32> to vector<1024x16xf32>
    %broadcast_in_dim3A_28 = arith.constant 1.000000e+00 : f32
    %broadcast_in_dim3A_29 = vector.broadcast %broadcast_in_dim3A_28 : f32 to vector<1024x1xf32>
    %concatenate3A_30 = tpu.concatenate %get3A_14, %reshape3A_27, %broadcast_in_dim3A_29 in 1 : vector<1024x64xf32>, vector<1024x16xf32>, vector<1024x1xf32> -> vector<1024x81xf32>
    %broadcast_in_dim3A_31 = arith.constant 0.000000e+00 : f32
    %broadcast_in_dim3A_32 = vector.broadcast %broadcast_in_dim3A_31 : f32 to vector<32x48xf32>
    %get3A_33 = arith.constant 0 : index
    %get3A_34 = arith.constant 0 : index
    %get3A_35 = arith.constant 0 : index
    %get3A_36 = vector.load %arg5[%get3A_33, %get3A_34, %get3A_35] : memref<3x128x128xf32, #tpu.memory_space<vmem>>, vector<1x128x128xf32>
    %get3A_37 = vector.shape_cast %get3A_36 : vector<1x128x128xf32> to vector<128x128xf32>
    %dot_general3A = arith.constant dense<0.000000e+00> : vector<256x128xf32>
    %dot_general3A_38 = tpu.matmul %add3A, %get3A_37, %dot_general3A {dimension_numbers = #tpu.dot_dimension_numbers<[1], [0], [0], [1], [0, 0, 1, 1], [], []>, transpose_lhs_hint = false} : vector<256x128xf32>, vector<128x128xf32>, vector<256x128xf32> -> vector<256x128xf32>
    %get3A_39 = arith.constant 0 : index
    %get3A_40 = arith.constant 0 : index
    %get3A_41 = arith.constant 0 : index
    %get3A_42 = vector.load %arg6[%get3A_39, %get3A_40, %get3A_41] : memref<3x128x128xf32, #tpu.memory_space<vmem>>, vector<1x128x128xf32>
    %get3A_43 = vector.shape_cast %get3A_42 : vector<1x128x128xf32> to vector<128x128xf32>
    %dot_general3A_44 = arith.constant dense<0.000000e+00> : vector<256x128xf32>
    %dot_general3A_45 = tpu.matmul %add3A, %get3A_43, %dot_general3A_44 {dimension_numbers = #tpu.dot_dimension_numbers<[1], [0], [0], [1], [0, 0, 1, 1], [], []>, transpose_lhs_hint = false} : vector<256x128xf32>, vector<128x128xf32>, vector<256x128xf32> -> vector<256x128xf32>
    %slice3A_46 = vector.extract_strided_slice %dot_general3A_38 {offsets = [0, 0], sizes = [32, 128], strides = [1, 1]} : vector<256x128xf32> to vector<32x128xf32>
    %slice3A_47 = vector.extract_strided_slice %dot_general3A_45 {offsets = [0, 0], sizes = [32, 128], strides = [1, 1]} : vector<256x128xf32> to vector<32x128xf32>
    %get3A_48 = arith.constant 0 : index
    %get3A_49 = arith.constant 0 : index
    %get3A_50 = arith.constant 0 : index
    %get3A_51 = arith.constant 0 : index
    %get3A_52 = vector.load %arg7[%get3A_48, %get3A_49, %get3A_50, %get3A_51] : memref<3x8x16x128xf32, #tpu.memory_space<vmem>>, vector<1x1x16x128xf32>
    %get3A_53 = vector.shape_cast %get3A_52 : vector<1x1x16x128xf32> to vector<16x128xf32>
    %get3A_54 = arith.constant 0 : index
    %get3A_55 = arith.constant 0 : index
    %get3A_56 = arith.constant 0 : index
    %get3A_57 = vector.load %arg8[%get3A_54, %get3A_55, %get3A_56] : memref<3x1x128xf32, #tpu.memory_space<vmem>>, vector<1x1x128xf32>
    %get3A_58 = vector.shape_cast %get3A_57 : vector<1x1x128xf32> to vector<1x128xf32>
    %concatenate3A_59 = tpu.concatenate %slice3A_46, %slice3A_47, %get3A_53, %get3A_58 in 0 : vector<32x128xf32>, vector<32x128xf32>, vector<16x128xf32>, vector<1x128xf32> -> vector<81x128xf32>
    %convert_element_type3A = arith.truncf %concatenate3A_30 : vector<1024x81xf32> to vector<1024x81xbf16>
    %convert_element_type3A_60 = arith.truncf %concatenate3A_59 : vector<81x128xf32> to vector<81x128xbf16>
    %dot_general3A_61 = arith.constant dense<0.000000e+00> : vector<1024x128xf32>
    %dot_general3A_62 = tpu.matmul %convert_element_type3A, %convert_element_type3A_60, %dot_general3A_61 {dimension_numbers = #tpu.dot_dimension_numbers<[1], [0], [0], [1], [0, 0, 1, 1], [], []>, transpose_lhs_hint = false} : vector<1024x81xbf16>, vector<81x128xbf16>, vector<1024x128xf32> -> vector<1024x128xf32>
    %convert_element_type3A_63 = arith.truncf %dot_general3A_62 : vector<1024x128xf32> to vector<1024x128xbf16>
    %mul3A = arith.constant 5.000000e-01 : bf16
    %mul3A_64 = vector.broadcast %mul3A : bf16 to vector<1024x128xbf16>
    %mul3A_65 = arith.mulf %mul3A_64, %convert_element_type3A_63 : vector<1024x128xbf16>
    %tanh3A = math.tanh %mul3A_65 : vector<1024x128xbf16>
    %mul3A_66 = arith.mulf %mul3A_65, %tanh3A : vector<1024x128xbf16>
    %add3A_67 = arith.addf %mul3A_65, %mul3A_66 : vector<1024x128xbf16>
    %get3A_68 = arith.constant 0 : index
    %get3A_69 = arith.constant 0 : index
    %get3A_70 = arith.constant 0 : index
    %get3A_71 = vector.load %arg9[%get3A_68, %get3A_69, %get3A_70] : memref<3x128x128xf32, #tpu.memory_space<vmem>>, vector<1x128x128xf32>
    %get3A_72 = vector.shape_cast %get3A_71 : vector<1x128x128xf32> to vector<128x128xf32>
    %convert_element_type3A_73 = arith.truncf %get3A_72 : vector<128x128xf32> to vector<128x128xbf16>
    %dot_general3A_74 = arith.constant dense<0.000000e+00> : vector<1024x128xf32>
    %dot_general3A_75 = tpu.matmul %add3A_67, %convert_element_type3A_73, %dot_general3A_74 {dimension_numbers = #tpu.dot_dimension_numbers<[1], [0], [0], [1], [0, 0, 1, 1], [], []>, transpose_lhs_hint = false} : vector<1024x128xbf16>, vector<128x128xbf16>, vector<1024x128xf32> -> vector<1024x128xf32>
    %convert_element_type3A_76 = arith.truncf %dot_general3A_75 : vector<1024x128xf32> to vector<1024x128xbf16>
    %get3A_77 = arith.constant 0 : index
    %get3A_78 = arith.constant 0 : index
    %get3A_79 = arith.constant 0 : index
    %get3A_80 = vector.load %arg10[%get3A_77, %get3A_78, %get3A_79] : memref<3x1x128xf32, #tpu.memory_space<vmem>>, vector<1x1x128xf32>
    %get3A_81 = vector.shape_cast %get3A_80 : vector<1x1x128xf32> to vector<1x128xf32>
    %convert_element_type3A_82 = arith.truncf %get3A_81 : vector<1x128xf32> to vector<1x128xbf16>
    %add3A_83 = vector.broadcast %convert_element_type3A_82 : vector<1x128xbf16> to vector<1024x128xbf16>
    %add3A_84 = arith.addf %convert_element_type3A_76, %add3A_83 : vector<1024x128xbf16>
    %mul3A_85 = arith.constant 5.000000e-01 : bf16
    %mul3A_86 = vector.broadcast %mul3A_85 : bf16 to vector<1024x128xbf16>
    %mul3A_87 = arith.mulf %mul3A_86, %add3A_84 : vector<1024x128xbf16>
    %tanh3A_88 = math.tanh %mul3A_87 : vector<1024x128xbf16>
    %mul3A_89 = arith.mulf %mul3A_87, %tanh3A_88 : vector<1024x128xbf16>
    %add3A_90 = arith.addf %mul3A_87, %mul3A_89 : vector<1024x128xbf16>
    %convert_element_type3A_91 = arith.truncf %get3A_17 : vector<32x1024xf32> to vector<32x1024xbf16>
    %dot_general3A_92 = arith.constant dense<0.000000e+00> : vector<32x128xf32>
    %dot_general3A_93 = tpu.matmul %convert_element_type3A_91, %add3A_90, %dot_general3A_92 {dimension_numbers = #tpu.dot_dimension_numbers<[1], [0], [0], [1], [0, 0, 1, 1], [], []>, transpose_lhs_hint = false} : vector<32x1024xbf16>, vector<1024x128xbf16>, vector<32x128xf32> -> vector<32x128xf32>
    %slice3A_94 = vector.extract_strided_slice %dot_general3A_38 {offsets = [32, 0], sizes = [32, 128], strides = [1, 1]} : vector<256x128xf32> to vector<32x128xf32>
    %slice3A_95 = vector.extract_strided_slice %dot_general3A_45 {offsets = [32, 0], sizes = [32, 128], strides = [1, 1]} : vector<256x128xf32> to vector<32x128xf32>
    %get3A_96 = arith.constant 0 : index
    %get3A_97 = arith.constant 1 : index
    %get3A_98 = arith.constant 0 : index
    %get3A_99 = arith.constant 0 : index
    %get3A_100 = vector.load %arg7[%get3A_96, %get3A_97, %get3A_98, %get3A_99] : memref<3x8x16x128xf32, #tpu.memory_space<vmem>>, vector<1x1x16x128xf32>
    %get3A_101 = vector.shape_cast %get3A_100 : vector<1x1x16x128xf32> to vector<16x128xf32>
    %get3A_102 = arith.constant 0 : index
    %get3A_103 = arith.constant 0 : index
    %get3A_104 = arith.constant 0 : index
    %get3A_105 = vector.load %arg8[%get3A_102, %get3A_103, %get3A_104] : memref<3x1x128xf32, #tpu.memory_space<vmem>>, vector<1x1x128xf32>
    %get3A_106 = vector.shape_cast %get3A_105 : vector<1x1x128xf32> to vector<1x128xf32>
    %concatenate3A_107 = tpu.concatenate %slice3A_94, %slice3A_95, %get3A_101, %get3A_106 in 0 : vector<32x128xf32>, vector<32x128xf32>, vector<16x128xf32>, vector<1x128xf32> -> vector<81x128xf32>
    %convert_element_type3A_108 = arith.truncf %concatenate3A_30 : vector<1024x81xf32> to vector<1024x81xbf16>
    %convert_element_type3A_109 = arith.truncf %concatenate3A_107 : vector<81x128xf32> to vector<81x128xbf16>
    %dot_general3A_110 = arith.constant dense<0.000000e+00> : vector<1024x128xf32>
    %dot_general3A_111 = tpu.matmul %convert_element_type3A_108, %convert_element_type3A_109, %dot_general3A_110 {dimension_numbers = #tpu.dot_dimension_numbers<[1], [0], [0], [1], [0, 0, 1, 1], [], []>, transpose_lhs_hint = false} : vector<1024x81xbf16>, vector<81x128xbf16>, vector<1024x128xf32> -> vector<1024x128xf32>
    %convert_element_type3A_112 = arith.truncf %dot_general3A_111 : vector<1024x128xf32> to vector<1024x128xbf16>
    %mul3A_113 = arith.constant 5.000000e-01 : bf16
    %mul3A_114 = vector.broadcast %mul3A_113 : bf16 to vector<1024x128xbf16>
    %mul3A_115 = arith.mulf %mul3A_114, %convert_element_type3A_112 : vector<1024x128xbf16>
    %tanh3A_116 = math.tanh %mul3A_115 : vector<1024x128xbf16>
    %mul3A_117 = arith.mulf %mul3A_115, %tanh3A_116 : vector<1024x128xbf16>
    %add3A_118 = arith.addf %mul3A_115, %mul3A_117 : vector<1024x128xbf16>
    %get3A_119 = arith.constant 0 : index
    %get3A_120 = arith.constant 0 : index
    %get3A_121 = arith.constant 0 : index
    %get3A_122 = vector.load %arg9[%get3A_119, %get3A_120, %get3A_121] : memref<3x128x128xf32, #tpu.memory_space<vmem>>, vector<1x128x128xf32>
    %get3A_123 = vector.shape_cast %get3A_122 : vector<1x128x128xf32> to vector<128x128xf32>
    %convert_element_type3A_124 = arith.truncf %get3A_123 : vector<128x128xf32> to vector<128x128xbf16>
    %dot_general3A_125 = arith.constant dense<0.000000e+00> : vector<1024x128xf32>
    %dot_general3A_126 = tpu.matmul %add3A_118, %convert_element_type3A_124, %dot_general3A_125 {dimension_numbers = #tpu.dot_dimension_numbers<[1], [0], [0], [1], [0, 0, 1, 1], [], []>, transpose_lhs_hint = false} : vector<1024x128xbf16>, vector<128x128xbf16>, vector<1024x128xf32> -> vector<1024x128xf32>
    %convert_element_type3A_127 = arith.truncf %dot_general3A_126 : vector<1024x128xf32> to vector<1024x128xbf16>
    %get3A_128 = arith.constant 0 : index
    %get3A_129 = arith.constant 0 : index
    %get3A_130 = arith.constant 0 : index
    %get3A_131 = vector.load %arg10[%get3A_128, %get3A_129, %get3A_130] : memref<3x1x128xf32, #tpu.memory_space<vmem>>, vector<1x1x128xf32>
    %get3A_132 = vector.shape_cast %get3A_131 : vector<1x1x128xf32> to vector<1x128xf32>
    %convert_element_type3A_133 = arith.truncf %get3A_132 : vector<1x128xf32> to vector<1x128xbf16>
    %add3A_134 = vector.broadcast %convert_element_type3A_133 : vector<1x128xbf16> to vector<1024x128xbf16>
    %add3A_135 = arith.addf %convert_element_type3A_127, %add3A_134 : vector<1024x128xbf16>
    %mul3A_136 = arith.constant 5.000000e-01 : bf16
    %mul3A_137 = vector.broadcast %mul3A_136 : bf16 to vector<1024x128xbf16>
    %mul3A_138 = arith.mulf %mul3A_137, %add3A_135 : vector<1024x128xbf16>
    %tanh3A_139 = math.tanh %mul3A_138 : vector<1024x128xbf16>
    %mul3A_140 = arith.mulf %mul3A_138, %tanh3A_139 : vector<1024x128xbf16>
    %add3A_141 = arith.addf %mul3A_138, %mul3A_140 : vector<1024x128xbf16>
    %convert_element_type3A_142 = arith.truncf %get3A_17 : vector<32x1024xf32> to vector<32x1024xbf16>
    %dot_general3A_143 = arith.constant dense<0.000000e+00> : vector<32x128xf32>
    %dot_general3A_144 = tpu.matmul %convert_element_type3A_142, %add3A_141, %dot_general3A_143 {dimension_numbers = #tpu.dot_dimension_numbers<[1], [0], [0], [1], [0, 0, 1, 1], [], []>, transpose_lhs_hint = false} : vector<32x1024xbf16>, vector<1024x128xbf16>, vector<32x128xf32> -> vector<32x128xf32>
    %slice3A_145 = vector.extract_strided_slice %dot_general3A_38 {offsets = [64, 0], sizes = [32, 128], strides = [1, 1]} : vector<256x128xf32> to vector<32x128xf32>
    %slice3A_146 = vector.extract_strided_slice %dot_general3A_45 {offsets = [64, 0], sizes = [32, 128], strides = [1, 1]} : vector<256x128xf32> to vector<32x128xf32>
    %get3A_147 = arith.constant 0 : index
    %get3A_148 = arith.constant 2 : index
    %get3A_149 = arith.constant 0 : index
    %get3A_150 = arith.constant 0 : index
    %get3A_151 = vector.load %arg7[%get3A_147, %get3A_148, %get3A_149, %get3A_150] : memref<3x8x16x128xf32, #tpu.memory_space<vmem>>, vector<1x1x16x128xf32>
    %get3A_152 = vector.shape_cast %get3A_151 : vector<1x1x16x128xf32> to vector<16x128xf32>
    %get3A_153 = arith.constant 0 : index
    %get3A_154 = arith.constant 0 : index
    %get3A_155 = arith.constant 0 : index
    %get3A_156 = vector.load %arg8[%get3A_153, %get3A_154, %get3A_155] : memref<3x1x128xf32, #tpu.memory_space<vmem>>, vector<1x1x128xf32>
    %get3A_157 = vector.shape_cast %get3A_156 : vector<1x1x128xf32> to vector<1x128xf32>
    %concatenate3A_158 = tpu.concatenate %slice3A_145, %slice3A_146, %get3A_152, %get3A_157 in 0 : vector<32x128xf32>, vector<32x128xf32>, vector<16x128xf32>, vector<1x128xf32> -> vector<81x128xf32>
    %convert_element_type3A_159 = arith.truncf %concatenate3A_30 : vector<1024x81xf32> to vector<1024x81xbf16>
    %convert_element_type3A_160 = arith.truncf %concatenate3A_158 : vector<81x128xf32> to vector<81x128xbf16>
    %dot_general3A_161 = arith.constant dense<0.000000e+00> : vector<1024x128xf32>
    %dot_general3A_162 = tpu.matmul %convert_element_type3A_159, %convert_element_type3A_160, %dot_general3A_161 {dimension_numbers = #tpu.dot_dimension_numbers<[1], [0], [0], [1], [0, 0, 1, 1], [], []>, transpose_lhs_hint = false} : vector<1024x81xbf16>, vector<81x128xbf16>, vector<1024x128xf32> -> vector<1024x128xf32>
    %convert_element_type3A_163 = arith.truncf %dot_general3A_162 : vector<1024x128xf32> to vector<1024x128xbf16>
    %mul3A_164 = arith.constant 5.000000e-01 : bf16
    %mul3A_165 = vector.broadcast %mul3A_164 : bf16 to vector<1024x128xbf16>
    %mul3A_166 = arith.mulf %mul3A_165, %convert_element_type3A_163 : vector<1024x128xbf16>
    %tanh3A_167 = math.tanh %mul3A_166 : vector<1024x128xbf16>
    %mul3A_168 = arith.mulf %mul3A_166, %tanh3A_167 : vector<1024x128xbf16>
    %add3A_169 = arith.addf %mul3A_166, %mul3A_168 : vector<1024x128xbf16>
    %get3A_170 = arith.constant 0 : index
    %get3A_171 = arith.constant 0 : index
    %get3A_172 = arith.constant 0 : index
    %get3A_173 = vector.load %arg9[%get3A_170, %get3A_171, %get3A_172] : memref<3x128x128xf32, #tpu.memory_space<vmem>>, vector<1x128x128xf32>
    %get3A_174 = vector.shape_cast %get3A_173 : vector<1x128x128xf32> to vector<128x128xf32>
    %convert_element_type3A_175 = arith.truncf %get3A_174 : vector<128x128xf32> to vector<128x128xbf16>
    %dot_general3A_176 = arith.constant dense<0.000000e+00> : vector<1024x128xf32>
    %dot_general3A_177 = tpu.matmul %add3A_169, %convert_element_type3A_175, %dot_general3A_176 {dimension_numbers = #tpu.dot_dimension_numbers<[1], [0], [0], [1], [0, 0, 1, 1], [], []>, transpose_lhs_hint = false} : vector<1024x128xbf16>, vector<128x128xbf16>, vector<1024x128xf32> -> vector<1024x128xf32>
    %convert_element_type3A_178 = arith.truncf %dot_general3A_177 : vector<1024x128xf32> to vector<1024x128xbf16>
    %get3A_179 = arith.constant 0 : index
    %get3A_180 = arith.constant 0 : index
    %get3A_181 = arith.constant 0 : index
    %get3A_182 = vector.load %arg10[%get3A_179, %get3A_180, %get3A_181] : memref<3x1x128xf32, #tpu.memory_space<vmem>>, vector<1x1x128xf32>
    %get3A_183 = vector.shape_cast %get3A_182 : vector<1x1x128xf32> to vector<1x128xf32>
    %convert_element_type3A_184 = arith.truncf %get3A_183 : vector<1x128xf32> to vector<1x128xbf16>
    %add3A_185 = vector.broadcast %convert_element_type3A_184 : vector<1x128xbf16> to vector<1024x128xbf16>
    %add3A_186 = arith.addf %convert_element_type3A_178, %add3A_185 : vector<1024x128xbf16>
    %mul3A_187 = arith.constant 5.000000e-01 : bf16
    %mul3A_188 = vector.broadcast %mul3A_187 : bf16 to vector<1024x128xbf16>
    %mul3A_189 = arith.mulf %mul3A_188, %add3A_186 : vector<1024x128xbf16>
    %tanh3A_190 = math.tanh %mul3A_189 : vector<1024x128xbf16>
    %mul3A_191 = arith.mulf %mul3A_189, %tanh3A_190 : vector<1024x128xbf16>
    %add3A_192 = arith.addf %mul3A_189, %mul3A_191 : vector<1024x128xbf16>
    %convert_element_type3A_193 = arith.truncf %get3A_17 : vector<32x1024xf32> to vector<32x1024xbf16>
    %dot_general3A_194 = arith.constant dense<0.000000e+00> : vector<32x128xf32>
    %dot_general3A_195 = tpu.matmul %convert_element_type3A_193, %add3A_192, %dot_general3A_194 {dimension_numbers = #tpu.dot_dimension_numbers<[1], [0], [0], [1], [0, 0, 1, 1], [], []>, transpose_lhs_hint = false} : vector<32x1024xbf16>, vector<1024x128xbf16>, vector<32x128xf32> -> vector<32x128xf32>
    %slice3A_196 = vector.extract_strided_slice %dot_general3A_38 {offsets = [96, 0], sizes = [32, 128], strides = [1, 1]} : vector<256x128xf32> to vector<32x128xf32>
    %slice3A_197 = vector.extract_strided_slice %dot_general3A_45 {offsets = [96, 0], sizes = [32, 128], strides = [1, 1]} : vector<256x128xf32> to vector<32x128xf32>
    %get3A_198 = arith.constant 0 : index
    %get3A_199 = arith.constant 3 : index
    %get3A_200 = arith.constant 0 : index
    %get3A_201 = arith.constant 0 : index
    %get3A_202 = vector.load %arg7[%get3A_198, %get3A_199, %get3A_200, %get3A_201] : memref<3x8x16x128xf32, #tpu.memory_space<vmem>>, vector<1x1x16x128xf32>
    %get3A_203 = vector.shape_cast %get3A_202 : vector<1x1x16x128xf32> to vector<16x128xf32>
    %get3A_204 = arith.constant 0 : index
    %get3A_205 = arith.constant 0 : index
    %get3A_206 = arith.constant 0 : index
    %get3A_207 = vector.load %arg8[%get3A_204, %get3A_205, %get3A_206] : memref<3x1x128xf32, #tpu.memory_space<vmem>>, vector<1x1x128xf32>
    %get3A_208 = vector.shape_cast %get3A_207 : vector<1x1x128xf32> to vector<1x128xf32>
    %concatenate3A_209 = tpu.concatenate %slice3A_196, %slice3A_197, %get3A_203, %get3A_208 in 0 : vector<32x128xf32>, vector<32x128xf32>, vector<16x128xf32>, vector<1x128xf32> -> vector<81x128xf32>
    %convert_element_type3A_210 = arith.truncf %concatenate3A_30 : vector<1024x81xf32> to vector<1024x81xbf16>
    %convert_element_type3A_211 = arith.truncf %concatenate3A_209 : vector<81x128xf32> to vector<81x128xbf16>
    %dot_general3A_212 = arith.constant dense<0.000000e+00> : vector<1024x128xf32>
    %dot_general3A_213 = tpu.matmul %convert_element_type3A_210, %convert_element_type3A_211, %dot_general3A_212 {dimension_numbers = #tpu.dot_dimension_numbers<[1], [0], [0], [1], [0, 0, 1, 1], [], []>, transpose_lhs_hint = false} : vector<1024x81xbf16>, vector<81x128xbf16>, vector<1024x128xf32> -> vector<1024x128xf32>
    %convert_element_type3A_214 = arith.truncf %dot_general3A_213 : vector<1024x128xf32> to vector<1024x128xbf16>
    %mul3A_215 = arith.constant 5.000000e-01 : bf16
    %mul3A_216 = vector.broadcast %mul3A_215 : bf16 to vector<1024x128xbf16>
    %mul3A_217 = arith.mulf %mul3A_216, %convert_element_type3A_214 : vector<1024x128xbf16>
    %tanh3A_218 = math.tanh %mul3A_217 : vector<1024x128xbf16>
    %mul3A_219 = arith.mulf %mul3A_217, %tanh3A_218 : vector<1024x128xbf16>
    %add3A_220 = arith.addf %mul3A_217, %mul3A_219 : vector<1024x128xbf16>
    %get3A_221 = arith.constant 0 : index
    %get3A_222 = arith.constant 0 : index
    %get3A_223 = arith.constant 0 : index
    %get3A_224 = vector.load %arg9[%get3A_221, %get3A_222, %get3A_223] : memref<3x128x128xf32, #tpu.memory_space<vmem>>, vector<1x128x128xf32>
    %get3A_225 = vector.shape_cast %get3A_224 : vector<1x128x128xf32> to vector<128x128xf32>
    %convert_element_type3A_226 = arith.truncf %get3A_225 : vector<128x128xf32> to vector<128x128xbf16>
    %dot_general3A_227 = arith.constant dense<0.000000e+00> : vector<1024x128xf32>
    %dot_general3A_228 = tpu.matmul %add3A_220, %convert_element_type3A_226, %dot_general3A_227 {dimension_numbers = #tpu.dot_dimension_numbers<[1], [0], [0], [1], [0, 0, 1, 1], [], []>, transpose_lhs_hint = false} : vector<1024x128xbf16>, vector<128x128xbf16>, vector<1024x128xf32> -> vector<1024x128xf32>
    %convert_element_type3A_229 = arith.truncf %dot_general3A_228 : vector<1024x128xf32> to vector<1024x128xbf16>
    %get3A_230 = arith.constant 0 : index
    %get3A_231 = arith.constant 0 : index
    %get3A_232 = arith.constant 0 : index
    %get3A_233 = vector.load %arg10[%get3A_230, %get3A_231, %get3A_232] : memref<3x1x128xf32, #tpu.memory_space<vmem>>, vector<1x1x128xf32>
    %get3A_234 = vector.shape_cast %get3A_233 : vector<1x1x128xf32> to vector<1x128xf32>
    %convert_element_type3A_235 = arith.truncf %get3A_234 : vector<1x128xf32> to vector<1x128xbf16>
    %add3A_236 = vector.broadcast %convert_element_type3A_235 : vector<1x128xbf16> to vector<1024x128xbf16>
    %add3A_237 = arith.addf %convert_element_type3A_229, %add3A_236 : vector<1024x128xbf16>
    %mul3A_238 = arith.constant 5.000000e-01 : bf16
    %mul3A_239 = vector.broadcast %mul3A_238 : bf16 to vector<1024x128xbf16>
    %mul3A_240 = arith.mulf %mul3A_239, %add3A_237 : vector<1024x128xbf16>
    %tanh3A_241 = math.tanh %mul3A_240 : vector<1024x128xbf16>
    %mul3A_242 = arith.mulf %mul3A_240, %tanh3A_241 : vector<1024x128xbf16>
    %add3A_243 = arith.addf %mul3A_240, %mul3A_242 : vector<1024x128xbf16>
    %convert_element_type3A_244 = arith.truncf %get3A_17 : vector<32x1024xf32> to vector<32x1024xbf16>
    %dot_general3A_245 = arith.constant dense<0.000000e+00> : vector<32x128xf32>
    %dot_general3A_246 = tpu.matmul %convert_element_type3A_244, %add3A_243, %dot_general3A_245 {dimension_numbers = #tpu.dot_dimension_numbers<[1], [0], [0], [1], [0, 0, 1, 1], [], []>, transpose_lhs_hint = false} : vector<32x1024xbf16>, vector<1024x128xbf16>, vector<32x128xf32> -> vector<32x128xf32>
    %slice3A_247 = vector.extract_strided_slice %dot_general3A_38 {offsets = [128, 0], sizes = [32, 128], strides = [1, 1]} : vector<256x128xf32> to vector<32x128xf32>
    %slice3A_248 = vector.extract_strided_slice %dot_general3A_45 {offsets = [128, 0], sizes = [32, 128], strides = [1, 1]} : vector<256x128xf32> to vector<32x128xf32>
    %get3A_249 = arith.constant 0 : index
    %get3A_250 = arith.constant 4 : index
    %get3A_251 = arith.constant 0 : index
    %get3A_252 = arith.constant 0 : index
    %get3A_253 = vector.load %arg7[%get3A_249, %get3A_250, %get3A_251, %get3A_252] : memref<3x8x16x128xf32, #tpu.memory_space<vmem>>, vector<1x1x16x128xf32>
    %get3A_254 = vector.shape_cast %get3A_253 : vector<1x1x16x128xf32> to vector<16x128xf32>
    %get3A_255 = arith.constant 0 : index
    %get3A_256 = arith.constant 0 : index
    %get3A_257 = arith.constant 0 : index
    %get3A_258 = vector.load %arg8[%get3A_255, %get3A_256, %get3A_257] : memref<3x1x128xf32, #tpu.memory_space<vmem>>, vector<1x1x128xf32>
    %get3A_259 = vector.shape_cast %get3A_258 : vector<1x1x128xf32> to vector<1x128xf32>
    %concatenate3A_260 = tpu.concatenate %slice3A_247, %slice3A_248, %get3A_254, %get3A_259 in 0 : vector<32x128xf32>, vector<32x128xf32>, vector<16x128xf32>, vector<1x128xf32> -> vector<81x128xf32>
    %convert_element_type3A_261 = arith.truncf %concatenate3A_30 : vector<1024x81xf32> to vector<1024x81xbf16>
    %convert_element_type3A_262 = arith.truncf %concatenate3A_260 : vector<81x128xf32> to vector<81x128xbf16>
    %dot_general3A_263 = arith.constant dense<0.000000e+00> : vector<1024x128xf32>
    %dot_general3A_264 = tpu.matmul %convert_element_type3A_261, %convert_element_type3A_262, %dot_general3A_263 {dimension_numbers = #tpu.dot_dimension_numbers<[1], [0], [0], [1], [0, 0, 1, 1], [], []>, transpose_lhs_hint = false} : vector<1024x81xbf16>, vector<81x128xbf16>, vector<1024x128xf32> -> vector<1024x128xf32>
    %convert_element_type3A_265 = arith.truncf %dot_general3A_264 : vector<1024x128xf32> to vector<1024x128xbf16>
    %mul3A_266 = arith.constant 5.000000e-01 : bf16
    %mul3A_267 = vector.broadcast %mul3A_266 : bf16 to vector<1024x128xbf16>
    %mul3A_268 = arith.mulf %mul3A_267, %convert_element_type3A_265 : vector<1024x128xbf16>
    %tanh3A_269 = math.tanh %mul3A_268 : vector<1024x128xbf16>
    %mul3A_270 = arith.mulf %mul3A_268, %tanh3A_269 : vector<1024x128xbf16>
    %add3A_271 = arith.addf %mul3A_268, %mul3A_270 : vector<1024x128xbf16>
    %get3A_272 = arith.constant 0 : index
    %get3A_273 = arith.constant 0 : index
    %get3A_274 = arith.constant 0 : index
    %get3A_275 = vector.load %arg9[%get3A_272, %get3A_273, %get3A_274] : memref<3x128x128xf32, #tpu.memory_space<vmem>>, vector<1x128x128xf32>
    %get3A_276 = vector.shape_cast %get3A_275 : vector<1x128x128xf32> to vector<128x128xf32>
    %convert_element_type3A_277 = arith.truncf %get3A_276 : vector<128x128xf32> to vector<128x128xbf16>
    %dot_general3A_278 = arith.constant dense<0.000000e+00> : vector<1024x128xf32>
    %dot_general3A_279 = tpu.matmul %add3A_271, %convert_element_type3A_277, %dot_general3A_278 {dimension_numbers = #tpu.dot_dimension_numbers<[1], [0], [0], [1], [0, 0, 1, 1], [], []>, transpose_lhs_hint = false} : vector<1024x128xbf16>, vector<128x128xbf16>, vector<1024x128xf32> -> vector<1024x128xf32>
    %convert_element_type3A_280 = arith.truncf %dot_general3A_279 : vector<1024x128xf32> to vector<1024x128xbf16>
    %get3A_281 = arith.constant 0 : index
    %get3A_282 = arith.constant 0 : index
    %get3A_283 = arith.constant 0 : index
    %get3A_284 = vector.load %arg10[%get3A_281, %get3A_282, %get3A_283] : memref<3x1x128xf32, #tpu.memory_space<vmem>>, vector<1x1x128xf32>
    %get3A_285 = vector.shape_cast %get3A_284 : vector<1x1x128xf32> to vector<1x128xf32>
    %convert_element_type3A_286 = arith.truncf %get3A_285 : vector<1x128xf32> to vector<1x128xbf16>
    %add3A_287 = vector.broadcast %convert_element_type3A_286 : vector<1x128xbf16> to vector<1024x128xbf16>
    %add3A_288 = arith.addf %convert_element_type3A_280, %add3A_287 : vector<1024x128xbf16>
    %mul3A_289 = arith.constant 5.000000e-01 : bf16
    %mul3A_290 = vector.broadcast %mul3A_289 : bf16 to vector<1024x128xbf16>
    %mul3A_291 = arith.mulf %mul3A_290, %add3A_288 : vector<1024x128xbf16>
    %tanh3A_292 = math.tanh %mul3A_291 : vector<1024x128xbf16>
    %mul3A_293 = arith.mulf %mul3A_291, %tanh3A_292 : vector<1024x128xbf16>
    %add3A_294 = arith.addf %mul3A_291, %mul3A_293 : vector<1024x128xbf16>
    %convert_element_type3A_295 = arith.truncf %get3A_17 : vector<32x1024xf32> to vector<32x1024xbf16>
    %dot_general3A_296 = arith.constant dense<0.000000e+00> : vector<32x128xf32>
    %dot_general3A_297 = tpu.matmul %convert_element_type3A_295, %add3A_294, %dot_general3A_296 {dimension_numbers = #tpu.dot_dimension_numbers<[1], [0], [0], [1], [0, 0, 1, 1], [], []>, transpose_lhs_hint = false} : vector<32x1024xbf16>, vector<1024x128xbf16>, vector<32x128xf32> -> vector<32x128xf32>
    %slice3A_298 = vector.extract_strided_slice %dot_general3A_38 {offsets = [160, 0], sizes = [32, 128], strides = [1, 1]} : vector<256x128xf32> to vector<32x128xf32>
    %slice3A_299 = vector.extract_strided_slice %dot_general3A_45 {offsets = [160, 0], sizes = [32, 128], strides = [1, 1]} : vector<256x128xf32> to vector<32x128xf32>
    %get3A_300 = arith.constant 0 : index
    %get3A_301 = arith.constant 5 : index
    %get3A_302 = arith.constant 0 : index
    %get3A_303 = arith.constant 0 : index
    %get3A_304 = vector.load %arg7[%get3A_300, %get3A_301, %get3A_302, %get3A_303] : memref<3x8x16x128xf32, #tpu.memory_space<vmem>>, vector<1x1x16x128xf32>
    %get3A_305 = vector.shape_cast %get3A_304 : vector<1x1x16x128xf32> to vector<16x128xf32>
    %get3A_306 = arith.constant 0 : index
    %get3A_307 = arith.constant 0 : index
    %get3A_308 = arith.constant 0 : index
    %get3A_309 = vector.load %arg8[%get3A_306, %get3A_307, %get3A_308] : memref<3x1x128xf32, #tpu.memory_space<vmem>>, vector<1x1x128xf32>
    %get3A_310 = vector.shape_cast %get3A_309 : vector<1x1x128xf32> to vector<1x128xf32>
    %concatenate3A_311 = tpu.concatenate %slice3A_298, %slice3A_299, %get3A_305, %get3A_310 in 0 : vector<32x128xf32>, vector<32x128xf32>, vector<16x128xf32>, vector<1x128xf32> -> vector<81x128xf32>
    %convert_element_type3A_312 = arith.truncf %concatenate3A_30 : vector<1024x81xf32> to vector<1024x81xbf16>
    %convert_element_type3A_313 = arith.truncf %concatenate3A_311 : vector<81x128xf32> to vector<81x128xbf16>
    %dot_general3A_314 = arith.constant dense<0.000000e+00> : vector<1024x128xf32>
    %dot_general3A_315 = tpu.matmul %convert_element_type3A_312, %convert_element_type3A_313, %dot_general3A_314 {dimension_numbers = #tpu.dot_dimension_numbers<[1], [0], [0], [1], [0, 0, 1, 1], [], []>, transpose_lhs_hint = false} : vector<1024x81xbf16>, vector<81x128xbf16>, vector<1024x128xf32> -> vector<1024x128xf32>
    %convert_element_type3A_316 = arith.truncf %dot_general3A_315 : vector<1024x128xf32> to vector<1024x128xbf16>
    %mul3A_317 = arith.constant 5.000000e-01 : bf16
    %mul3A_318 = vector.broadcast %mul3A_317 : bf16 to vector<1024x128xbf16>
    %mul3A_319 = arith.mulf %mul3A_318, %convert_element_type3A_316 : vector<1024x128xbf16>
    %tanh3A_320 = math.tanh %mul3A_319 : vector<1024x128xbf16>
    %mul3A_321 = arith.mulf %mul3A_319, %tanh3A_320 : vector<1024x128xbf16>
    %add3A_322 = arith.addf %mul3A_319, %mul3A_321 : vector<1024x128xbf16>
    %get3A_323 = arith.constant 0 : index
    %get3A_324 = arith.constant 0 : index
    %get3A_325 = arith.constant 0 : index
    %get3A_326 = vector.load %arg9[%get3A_323, %get3A_324, %get3A_325] : memref<3x128x128xf32, #tpu.memory_space<vmem>>, vector<1x128x128xf32>
    %get3A_327 = vector.shape_cast %get3A_326 : vector<1x128x128xf32> to vector<128x128xf32>
    %convert_element_type3A_328 = arith.truncf %get3A_327 : vector<128x128xf32> to vector<128x128xbf16>
    %dot_general3A_329 = arith.constant dense<0.000000e+00> : vector<1024x128xf32>
    %dot_general3A_330 = tpu.matmul %add3A_322, %convert_element_type3A_328, %dot_general3A_329 {dimension_numbers = #tpu.dot_dimension_numbers<[1], [0], [0], [1], [0, 0, 1, 1], [], []>, transpose_lhs_hint = false} : vector<1024x128xbf16>, vector<128x128xbf16>, vector<1024x128xf32> -> vector<1024x128xf32>
    %convert_element_type3A_331 = arith.truncf %dot_general3A_330 : vector<1024x128xf32> to vector<1024x128xbf16>
    %get3A_332 = arith.constant 0 : index
    %get3A_333 = arith.constant 0 : index
    %get3A_334 = arith.constant 0 : index
    %get3A_335 = vector.load %arg10[%get3A_332, %get3A_333, %get3A_334] : memref<3x1x128xf32, #tpu.memory_space<vmem>>, vector<1x1x128xf32>
    %get3A_336 = vector.shape_cast %get3A_335 : vector<1x1x128xf32> to vector<1x128xf32>
    %convert_element_type3A_337 = arith.truncf %get3A_336 : vector<1x128xf32> to vector<1x128xbf16>
    %add3A_338 = vector.broadcast %convert_element_type3A_337 : vector<1x128xbf16> to vector<1024x128xbf16>
    %add3A_339 = arith.addf %convert_element_type3A_331, %add3A_338 : vector<1024x128xbf16>
    %mul3A_340 = arith.constant 5.000000e-01 : bf16
    %mul3A_341 = vector.broadcast %mul3A_340 : bf16 to vector<1024x128xbf16>
    %mul3A_342 = arith.mulf %mul3A_341, %add3A_339 : vector<1024x128xbf16>
    %tanh3A_343 = math.tanh %mul3A_342 : vector<1024x128xbf16>
    %mul3A_344 = arith.mulf %mul3A_342, %tanh3A_343 : vector<1024x128xbf16>
    %add3A_345 = arith.addf %mul3A_342, %mul3A_344 : vector<1024x128xbf16>
    %convert_element_type3A_346 = arith.truncf %get3A_17 : vector<32x1024xf32> to vector<32x1024xbf16>
    %dot_general3A_347 = arith.constant dense<0.000000e+00> : vector<32x128xf32>
    %dot_general3A_348 = tpu.matmul %convert_element_type3A_346, %add3A_345, %dot_general3A_347 {dimension_numbers = #tpu.dot_dimension_numbers<[1], [0], [0], [1], [0, 0, 1, 1], [], []>, transpose_lhs_hint = false} : vector<32x1024xbf16>, vector<1024x128xbf16>, vector<32x128xf32> -> vector<32x128xf32>
    %slice3A_349 = vector.extract_strided_slice %dot_general3A_38 {offsets = [192, 0], sizes = [32, 128], strides = [1, 1]} : vector<256x128xf32> to vector<32x128xf32>
    %slice3A_350 = vector.extract_strided_slice %dot_general3A_45 {offsets = [192, 0], sizes = [32, 128], strides = [1, 1]} : vector<256x128xf32> to vector<32x128xf32>
    %get3A_351 = arith.constant 0 : index
    %get3A_352 = arith.constant 6 : index
    %get3A_353 = arith.constant 0 : index
    %get3A_354 = arith.constant 0 : index
    %get3A_355 = vector.load %arg7[%get3A_351, %get3A_352, %get3A_353, %get3A_354] : memref<3x8x16x128xf32, #tpu.memory_space<vmem>>, vector<1x1x16x128xf32>
    %get3A_356 = vector.shape_cast %get3A_355 : vector<1x1x16x128xf32> to vector<16x128xf32>
    %get3A_357 = arith.constant 0 : index
    %get3A_358 = arith.constant 0 : index
    %get3A_359 = arith.constant 0 : index
    %get3A_360 = vector.load %arg8[%get3A_357, %get3A_358, %get3A_359] : memref<3x1x128xf32, #tpu.memory_space<vmem>>, vector<1x1x128xf32>
    %get3A_361 = vector.shape_cast %get3A_360 : vector<1x1x128xf32> to vector<1x128xf32>
    %concatenate3A_362 = tpu.concatenate %slice3A_349, %slice3A_350, %get3A_356, %get3A_361 in 0 : vector<32x128xf32>, vector<32x128xf32>, vector<16x128xf32>, vector<1x128xf32> -> vector<81x128xf32>
    %convert_element_type3A_363 = arith.truncf %concatenate3A_30 : vector<1024x81xf32> to vector<1024x81xbf16>
    %convert_element_type3A_364 = arith.truncf %concatenate3A_362 : vector<81x128xf32> to vector<81x128xbf16>
    %dot_general3A_365 = arith.constant dense<0.000000e+00> : vector<1024x128xf32>
    %dot_general3A_366 = tpu.matmul %convert_element_type3A_363, %convert_element_type3A_364, %dot_general3A_365 {dimension_numbers = #tpu.dot_dimension_numbers<[1], [0], [0], [1], [0, 0, 1, 1], [], []>, transpose_lhs_hint = false} : vector<1024x81xbf16>, vector<81x128xbf16>, vector<1024x128xf32> -> vector<1024x128xf32>
    %convert_element_type3A_367 = arith.truncf %dot_general3A_366 : vector<1024x128xf32> to vector<1024x128xbf16>
    %mul3A_368 = arith.constant 5.000000e-01 : bf16
    %mul3A_369 = vector.broadcast %mul3A_368 : bf16 to vector<1024x128xbf16>
    %mul3A_370 = arith.mulf %mul3A_369, %convert_element_type3A_367 : vector<1024x128xbf16>
    %tanh3A_371 = math.tanh %mul3A_370 : vector<1024x128xbf16>
    %mul3A_372 = arith.mulf %mul3A_370, %tanh3A_371 : vector<1024x128xbf16>
    %add3A_373 = arith.addf %mul3A_370, %mul3A_372 : vector<1024x128xbf16>
    %get3A_374 = arith.constant 0 : index
    %get3A_375 = arith.constant 0 : index
    %get3A_376 = arith.constant 0 : index
    %get3A_377 = vector.load %arg9[%get3A_374, %get3A_375, %get3A_376] : memref<3x128x128xf32, #tpu.memory_space<vmem>>, vector<1x128x128xf32>
    %get3A_378 = vector.shape_cast %get3A_377 : vector<1x128x128xf32> to vector<128x128xf32>
    %convert_element_type3A_379 = arith.truncf %get3A_378 : vector<128x128xf32> to vector<128x128xbf16>
    %dot_general3A_380 = arith.constant dense<0.000000e+00> : vector<1024x128xf32>
    %dot_general3A_381 = tpu.matmul %add3A_373, %convert_element_type3A_379, %dot_general3A_380 {dimension_numbers = #tpu.dot_dimension_numbers<[1], [0], [0], [1], [0, 0, 1, 1], [], []>, transpose_lhs_hint = false} : vector<1024x128xbf16>, vector<128x128xbf16>, vector<1024x128xf32> -> vector<1024x128xf32>
    %convert_element_type3A_382 = arith.truncf %dot_general3A_381 : vector<1024x128xf32> to vector<1024x128xbf16>
    %get3A_383 = arith.constant 0 : index
    %get3A_384 = arith.constant 0 : index
    %get3A_385 = arith.constant 0 : index
    %get3A_386 = vector.load %arg10[%get3A_383, %get3A_384, %get3A_385] : memref<3x1x128xf32, #tpu.memory_space<vmem>>, vector<1x1x128xf32>
    %get3A_387 = vector.shape_cast %get3A_386 : vector<1x1x128xf32> to vector<1x128xf32>
    %convert_element_type3A_388 = arith.truncf %get3A_387 : vector<1x128xf32> to vector<1x128xbf16>
    %add3A_389 = vector.broadcast %convert_element_type3A_388 : vector<1x128xbf16> to vector<1024x128xbf16>
    %add3A_390 = arith.addf %convert_element_type3A_382, %add3A_389 : vector<1024x128xbf16>
    %mul3A_391 = arith.constant 5.000000e-01 : bf16
    %mul3A_392 = vector.broadcast %mul3A_391 : bf16 to vector<1024x128xbf16>
    %mul3A_393 = arith.mulf %mul3A_392, %add3A_390 : vector<1024x128xbf16>
    %tanh3A_394 = math.tanh %mul3A_393 : vector<1024x128xbf16>
    %mul3A_395 = arith.mulf %mul3A_393, %tanh3A_394 : vector<1024x128xbf16>
    %add3A_396 = arith.addf %mul3A_393, %mul3A_395 : vector<1024x128xbf16>
    %convert_element_type3A_397 = arith.truncf %get3A_17 : vector<32x1024xf32> to vector<32x1024xbf16>
    %dot_general3A_398 = arith.constant dense<0.000000e+00> : vector<32x128xf32>
    %dot_general3A_399 = tpu.matmul %convert_element_type3A_397, %add3A_396, %dot_general3A_398 {dimension_numbers = #tpu.dot_dimension_numbers<[1], [0], [0], [1], [0, 0, 1, 1], [], []>, transpose_lhs_hint = false} : vector<32x1024xbf16>, vector<1024x128xbf16>, vector<32x128xf32> -> vector<32x128xf32>
    %slice3A_400 = vector.extract_strided_slice %dot_general3A_38 {offsets = [224, 0], sizes = [32, 128], strides = [1, 1]} : vector<256x128xf32> to vector<32x128xf32>
    %slice3A_401 = vector.extract_strided_slice %dot_general3A_45 {offsets = [224, 0], sizes = [32, 128], strides = [1, 1]} : vector<256x128xf32> to vector<32x128xf32>
    %get3A_402 = arith.constant 0 : index
    %get3A_403 = arith.constant 7 : index
    %get3A_404 = arith.constant 0 : index
    %get3A_405 = arith.constant 0 : index
    %get3A_406 = vector.load %arg7[%get3A_402, %get3A_403, %get3A_404, %get3A_405] : memref<3x8x16x128xf32, #tpu.memory_space<vmem>>, vector<1x1x16x128xf32>
    %get3A_407 = vector.shape_cast %get3A_406 : vector<1x1x16x128xf32> to vector<16x128xf32>
    %get3A_408 = arith.constant 0 : index
    %get3A_409 = arith.constant 0 : index
    %get3A_410 = arith.constant 0 : index
    %get3A_411 = vector.load %arg8[%get3A_408, %get3A_409, %get3A_410] : memref<3x1x128xf32, #tpu.memory_space<vmem>>, vector<1x1x128xf32>
    %get3A_412 = vector.shape_cast %get3A_411 : vector<1x1x128xf32> to vector<1x128xf32>
    %concatenate3A_413 = tpu.concatenate %slice3A_400, %slice3A_401, %get3A_407, %get3A_412 in 0 : vector<32x128xf32>, vector<32x128xf32>, vector<16x128xf32>, vector<1x128xf32> -> vector<81x128xf32>
    %convert_element_type3A_414 = arith.truncf %concatenate3A_30 : vector<1024x81xf32> to vector<1024x81xbf16>
    %convert_element_type3A_415 = arith.truncf %concatenate3A_413 : vector<81x128xf32> to vector<81x128xbf16>
    %dot_general3A_416 = arith.constant dense<0.000000e+00> : vector<1024x128xf32>
    %dot_general3A_417 = tpu.matmul %convert_element_type3A_414, %convert_element_type3A_415, %dot_general3A_416 {dimension_numbers = #tpu.dot_dimension_numbers<[1], [0], [0], [1], [0, 0, 1, 1], [], []>, transpose_lhs_hint = false} : vector<1024x81xbf16>, vector<81x128xbf16>, vector<1024x128xf32> -> vector<1024x128xf32>
    %convert_element_type3A_418 = arith.truncf %dot_general3A_417 : vector<1024x128xf32> to vector<1024x128xbf16>
    %mul3A_419 = arith.constant 5.000000e-01 : bf16
    %mul3A_420 = vector.broadcast %mul3A_419 : bf16 to vector<1024x128xbf16>
    %mul3A_421 = arith.mulf %mul3A_420, %convert_element_type3A_418 : vector<1024x128xbf16>
    %tanh3A_422 = math.tanh %mul3A_421 : vector<1024x128xbf16>
    %mul3A_423 = arith.mulf %mul3A_421, %tanh3A_422 : vector<1024x128xbf16>
    %add3A_424 = arith.addf %mul3A_421, %mul3A_423 : vector<1024x128xbf16>
    %get3A_425 = arith.constant 0 : index
    %get3A_426 = arith.constant 0 : index
    %get3A_427 = arith.constant 0 : index
    %get3A_428 = vector.load %arg9[%get3A_425, %get3A_426, %get3A_427] : memref<3x128x128xf32, #tpu.memory_space<vmem>>, vector<1x128x128xf32>
    %get3A_429 = vector.shape_cast %get3A_428 : vector<1x128x128xf32> to vector<128x128xf32>
    %convert_element_type3A_430 = arith.truncf %get3A_429 : vector<128x128xf32> to vector<128x128xbf16>
    %dot_general3A_431 = arith.constant dense<0.000000e+00> : vector<1024x128xf32>
    %dot_general3A_432 = tpu.matmul %add3A_424, %convert_element_type3A_430, %dot_general3A_431 {dimension_numbers = #tpu.dot_dimension_numbers<[1], [0], [0], [1], [0, 0, 1, 1], [], []>, transpose_lhs_hint = false} : vector<1024x128xbf16>, vector<128x128xbf16>, vector<1024x128xf32> -> vector<1024x128xf32>
    %convert_element_type3A_433 = arith.truncf %dot_general3A_432 : vector<1024x128xf32> to vector<1024x128xbf16>
    %get3A_434 = arith.constant 0 : index
    %get3A_435 = arith.constant 0 : index
    %get3A_436 = arith.constant 0 : index
    %get3A_437 = vector.load %arg10[%get3A_434, %get3A_435, %get3A_436] : memref<3x1x128xf32, #tpu.memory_space<vmem>>, vector<1x1x128xf32>
    %get3A_438 = vector.shape_cast %get3A_437 : vector<1x1x128xf32> to vector<1x128xf32>
    %convert_element_type3A_439 = arith.truncf %get3A_438 : vector<1x128xf32> to vector<1x128xbf16>
    %add3A_440 = vector.broadcast %convert_element_type3A_439 : vector<1x128xbf16> to vector<1024x128xbf16>
    %add3A_441 = arith.addf %convert_element_type3A_433, %add3A_440 : vector<1024x128xbf16>
    %mul3A_442 = arith.constant 5.000000e-01 : bf16
    %mul3A_443 = vector.broadcast %mul3A_442 : bf16 to vector<1024x128xbf16>
    %mul3A_444 = arith.mulf %mul3A_443, %add3A_441 : vector<1024x128xbf16>
    %tanh3A_445 = math.tanh %mul3A_444 : vector<1024x128xbf16>
    %mul3A_446 = arith.mulf %mul3A_444, %tanh3A_445 : vector<1024x128xbf16>
    %add3A_447 = arith.addf %mul3A_444, %mul3A_446 : vector<1024x128xbf16>
    %convert_element_type3A_448 = arith.truncf %get3A_17 : vector<32x1024xf32> to vector<32x1024xbf16>
    %dot_general3A_449 = arith.constant dense<0.000000e+00> : vector<32x128xf32>
    %dot_general3A_450 = tpu.matmul %convert_element_type3A_448, %add3A_447, %dot_general3A_449 {dimension_numbers = #tpu.dot_dimension_numbers<[1], [0], [0], [1], [0, 0, 1, 1], [], []>, transpose_lhs_hint = false} : vector<32x1024xbf16>, vector<1024x128xbf16>, vector<32x128xf32> -> vector<32x128xf32>
    %concatenate3A_451 = tpu.concatenate %add3A_90, %add3A_141, %add3A_192, %add3A_243, %add3A_294, %add3A_345, %add3A_396, %add3A_447 in 1 : vector<1024x128xbf16>, vector<1024x128xbf16>, vector<1024x128xbf16>, vector<1024x128xbf16>, vector<1024x128xbf16>, vector<1024x128xbf16>, vector<1024x128xbf16>, vector<1024x128xbf16> -> vector<1024x1024xbf16>
    %get3A_452 = arith.constant 0 : index
    %get3A_453 = arith.constant 0 : index
    %get3A_454 = arith.constant 0 : index
    %get3A_455 = vector.load %arg11[%get3A_452, %get3A_453, %get3A_454] : memref<3x1024x16xf32, #tpu.memory_space<vmem>>, vector<1x1024x16xf32>
    %get3A_456 = vector.shape_cast %get3A_455 : vector<1x1024x16xf32> to vector<1024x16xf32>
    %convert_element_type3A_457 = arith.truncf %get3A_456 : vector<1024x16xf32> to vector<1024x16xbf16>
    %dot_general3A_458 = arith.constant dense<0.000000e+00> : vector<1024x16xf32>
    %dot_general3A_459 = tpu.matmul %concatenate3A_451, %convert_element_type3A_457, %dot_general3A_458 {dimension_numbers = #tpu.dot_dimension_numbers<[1], [0], [0], [1], [0, 0, 1, 1], [], []>, transpose_lhs_hint = false} : vector<1024x1024xbf16>, vector<1024x16xbf16>, vector<1024x16xf32> -> vector<1024x16xf32>
    %get3A_460 = arith.constant 0 : index
    %get3A_461 = arith.constant 0 : index
    %get3A_462 = arith.constant 0 : index
    %get3A_463 = vector.load %arg12[%get3A_460, %get3A_461, %get3A_462] : memref<3x1x16xf32, #tpu.memory_space<vmem>>, vector<1x1x16xf32>
    %get3A_464 = vector.shape_cast %get3A_463 : vector<1x1x16xf32> to vector<1x16xf32>
    %add3A_465 = vector.broadcast %get3A_464 : vector<1x16xf32> to vector<1024x16xf32>
    %add3A_466 = arith.addf %dot_general3A_459, %add3A_465 : vector<1024x16xf32>
    %tanh3A_467 = math.tanh %add3A_466 : vector<1024x16xf32>
    %get3A_468 = arith.constant 0 : index
    %get3A_469 = arith.constant 0 : index
    %get3A_470 = vector.load %arg19[%get3A_468, %get3A_469] : memref<16x48xf32, #tpu.memory_space<vmem>>, vector<16x48xf32>
    %dot_general3A_471 = arith.constant dense<0.000000e+00> : vector<1024x48xf32>
    %dot_general3A_472 = tpu.matmul %tanh3A_467, %get3A_470, %dot_general3A_471 {dimension_numbers = #tpu.dot_dimension_numbers<[1], [0], [0], [1], [0, 0, 1, 1], [], []>, transpose_lhs_hint = false} : vector<1024x16xf32>, vector<16x48xf32>, vector<1024x48xf32> -> vector<1024x48xf32>
    %mul3A_473 = arith.mulf %dot_general3A_472, %reshape3A_22 : vector<1024x48xf32>
    %dot_general3A_474 = arith.constant dense<0.000000e+00> : vector<32x48xf32>
    %dot_general3A_475 = tpu.matmul %get3A_17, %mul3A_473, %dot_general3A_474 {dimension_numbers = #tpu.dot_dimension_numbers<[1], [0], [0], [1], [0, 0, 1, 1], [], []>, transpose_lhs_hint = false} : vector<32x1024xf32>, vector<1024x48xf32>, vector<32x48xf32> -> vector<32x48xf32>
    %mul3A_476 = arith.constant 3.125000e-02 : f32
    %mul3A_477 = vector.broadcast %mul3A_476 : f32 to vector<32x48xf32>
    %mul3A_478 = arith.mulf %dot_general3A_475, %mul3A_477 : vector<32x48xf32>
    %add3A_479 = arith.addf %broadcast_in_dim3A_32, %mul3A_478 : vector<32x48xf32>
    %concatenate3A_480 = tpu.concatenate %dot_general3A_93, %dot_general3A_144, %dot_general3A_195, %dot_general3A_246, %dot_general3A_297, %dot_general3A_348, %dot_general3A_399, %dot_general3A_450 in 0 : vector<32x128xf32>, vector<32x128xf32>, vector<32x128xf32>, vector<32x128xf32>, vector<32x128xf32>, vector<32x128xf32>, vector<32x128xf32>, vector<32x128xf32> -> vector<256x128xf32>
    %concatenate3A_481 = tpu.concatenate %add3A, %concatenate3A_480 in 1 : vector<256x128xf32>, vector<256x128xf32> -> vector<256x256xf32>
    %get3A_482 = arith.constant 0 : index
    %get3A_483 = arith.constant 0 : index
    %get3A_484 = arith.constant 0 : index
    %get3A_485 = vector.load %arg13[%get3A_482, %get3A_483, %get3A_484] : memref<3x256x128xf32, #tpu.memory_space<vmem>>, vector<1x256x128xf32>
    %get3A_486 = vector.shape_cast %get3A_485 : vector<1x256x128xf32> to vector<256x128xf32>
    %dot_general3A_487 = arith.constant dense<0.000000e+00> : vector<256x128xf32>
    %dot_general3A_488 = tpu.matmul %concatenate3A_481, %get3A_486, %dot_general3A_487 {dimension_numbers = #tpu.dot_dimension_numbers<[1], [0], [0], [1], [0, 0, 1, 1], [], []>, transpose_lhs_hint = false} : vector<256x256xf32>, vector<256x128xf32>, vector<256x128xf32> -> vector<256x128xf32>
    %get3A_489 = arith.constant 0 : index
    %get3A_490 = arith.constant 0 : index
    %get3A_491 = arith.constant 0 : index
    %get3A_492 = vector.load %arg14[%get3A_489, %get3A_490, %get3A_491] : memref<3x1x128xf32, #tpu.memory_space<vmem>>, vector<1x1x128xf32>
    %get3A_493 = vector.shape_cast %get3A_492 : vector<1x1x128xf32> to vector<1x128xf32>
    %add3A_494 = vector.broadcast %get3A_493 : vector<1x128xf32> to vector<256x128xf32>
    %add3A_495 = arith.addf %dot_general3A_488, %add3A_494 : vector<256x128xf32>
    %mul3A_496 = arith.constant 5.000000e-01 : f32
    %mul3A_497 = vector.broadcast %mul3A_496 : f32 to vector<256x128xf32>
    %mul3A_498 = arith.mulf %mul3A_497, %add3A_495 : vector<256x128xf32>
    %tanh3A_499 = math.tanh %mul3A_498 : vector<256x128xf32>
    %mul3A_500 = arith.mulf %mul3A_498, %tanh3A_499 : vector<256x128xf32>
    %add3A_501 = arith.addf %mul3A_498, %mul3A_500 : vector<256x128xf32>
    %get3A_502 = arith.constant 0 : index
    %get3A_503 = arith.constant 0 : index
    %get3A_504 = arith.constant 0 : index
    %get3A_505 = vector.load %arg15[%get3A_502, %get3A_503, %get3A_504] : memref<3x128x128xf32, #tpu.memory_space<vmem>>, vector<1x128x128xf32>
    %get3A_506 = vector.shape_cast %get3A_505 : vector<1x128x128xf32> to vector<128x128xf32>
    %dot_general3A_507 = arith.constant dense<0.000000e+00> : vector<256x128xf32>
    %dot_general3A_508 = tpu.matmul %add3A_501, %get3A_506, %dot_general3A_507 {dimension_numbers = #tpu.dot_dimension_numbers<[1], [0], [0], [1], [0, 0, 1, 1], [], []>, transpose_lhs_hint = false} : vector<256x128xf32>, vector<128x128xf32>, vector<256x128xf32> -> vector<256x128xf32>
    %get3A_509 = arith.constant 0 : index
    %get3A_510 = arith.constant 0 : index
    %get3A_511 = arith.constant 0 : index
    %get3A_512 = vector.load %arg16[%get3A_509, %get3A_510, %get3A_511] : memref<3x1x128xf32, #tpu.memory_space<vmem>>, vector<1x1x128xf32>
    %get3A_513 = vector.shape_cast %get3A_512 : vector<1x1x128xf32> to vector<1x128xf32>
    %add3A_514 = vector.broadcast %get3A_513 : vector<1x128xf32> to vector<256x128xf32>
    %add3A_515 = arith.addf %dot_general3A_508, %add3A_514 : vector<256x128xf32>
    %add3A_516 = arith.addf %add3A, %add3A_515 : vector<256x128xf32>
    %get3A_517 = arith.constant 1 : index
    %get3A_518 = arith.constant 0 : index
    %get3A_519 = arith.constant 0 : index
    %get3A_520 = vector.load %arg5[%get3A_517, %get3A_518, %get3A_519] : memref<3x128x128xf32, #tpu.memory_space<vmem>>, vector<1x128x128xf32>
    %get3A_521 = vector.shape_cast %get3A_520 : vector<1x128x128xf32> to vector<128x128xf32>
    %dot_general3A_522 = arith.constant dense<0.000000e+00> : vector<256x128xf32>
    %dot_general3A_523 = tpu.matmul %add3A_516, %get3A_521, %dot_general3A_522 {dimension_numbers = #tpu.dot_dimension_numbers<[1], [0], [0], [1], [0, 0, 1, 1], [], []>, transpose_lhs_hint = false} : vector<256x128xf32>, vector<128x128xf32>, vector<256x128xf32> -> vector<256x128xf32>
    %get3A_524 = arith.constant 1 : index
    %get3A_525 = arith.constant 0 : index
    %get3A_526 = arith.constant 0 : index
    %get3A_527 = vector.load %arg6[%get3A_524, %get3A_525, %get3A_526] : memref<3x128x128xf32, #tpu.memory_space<vmem>>, vector<1x128x128xf32>
    %get3A_528 = vector.shape_cast %get3A_527 : vector<1x128x128xf32> to vector<128x128xf32>
    %dot_general3A_529 = arith.constant dense<0.000000e+00> : vector<256x128xf32>
    %dot_general3A_530 = tpu.matmul %add3A_516, %get3A_528, %dot_general3A_529 {dimension_numbers = #tpu.dot_dimension_numbers<[1], [0], [0], [1], [0, 0, 1, 1], [], []>, transpose_lhs_hint = false} : vector<256x128xf32>, vector<128x128xf32>, vector<256x128xf32> -> vector<256x128xf32>
    %slice3A_531 = vector.extract_strided_slice %dot_general3A_523 {offsets = [0, 0], sizes = [32, 128], strides = [1, 1]} : vector<256x128xf32> to vector<32x128xf32>
    %slice3A_532 = vector.extract_strided_slice %dot_general3A_530 {offsets = [0, 0], sizes = [32, 128], strides = [1, 1]} : vector<256x128xf32> to vector<32x128xf32>
    %get3A_533 = arith.constant 1 : index
    %get3A_534 = arith.constant 0 : index
    %get3A_535 = arith.constant 0 : index
    %get3A_536 = arith.constant 0 : index
    %get3A_537 = vector.load %arg7[%get3A_533, %get3A_534, %get3A_535, %get3A_536] : memref<3x8x16x128xf32, #tpu.memory_space<vmem>>, vector<1x1x16x128xf32>
    %get3A_538 = vector.shape_cast %get3A_537 : vector<1x1x16x128xf32> to vector<16x128xf32>
    %get3A_539 = arith.constant 1 : index
    %get3A_540 = arith.constant 0 : index
    %get3A_541 = arith.constant 0 : index
    %get3A_542 = vector.load %arg8[%get3A_539, %get3A_540, %get3A_541] : memref<3x1x128xf32, #tpu.memory_space<vmem>>, vector<1x1x128xf32>
    %get3A_543 = vector.shape_cast %get3A_542 : vector<1x1x128xf32> to vector<1x128xf32>
    %concatenate3A_544 = tpu.concatenate %slice3A_531, %slice3A_532, %get3A_538, %get3A_543 in 0 : vector<32x128xf32>, vector<32x128xf32>, vector<16x128xf32>, vector<1x128xf32> -> vector<81x128xf32>
    %convert_element_type3A_545 = arith.truncf %concatenate3A_30 : vector<1024x81xf32> to vector<1024x81xbf16>
    %convert_element_type3A_546 = arith.truncf %concatenate3A_544 : vector<81x128xf32> to vector<81x128xbf16>
    %dot_general3A_547 = arith.constant dense<0.000000e+00> : vector<1024x128xf32>
    %dot_general3A_548 = tpu.matmul %convert_element_type3A_545, %convert_element_type3A_546, %dot_general3A_547 {dimension_numbers = #tpu.dot_dimension_numbers<[1], [0], [0], [1], [0, 0, 1, 1], [], []>, transpose_lhs_hint = false} : vector<1024x81xbf16>, vector<81x128xbf16>, vector<1024x128xf32> -> vector<1024x128xf32>
    %convert_element_type3A_549 = arith.truncf %dot_general3A_548 : vector<1024x128xf32> to vector<1024x128xbf16>
    %mul3A_550 = arith.constant 5.000000e-01 : bf16
    %mul3A_551 = vector.broadcast %mul3A_550 : bf16 to vector<1024x128xbf16>
    %mul3A_552 = arith.mulf %mul3A_551, %convert_element_type3A_549 : vector<1024x128xbf16>
    %tanh3A_553 = math.tanh %mul3A_552 : vector<1024x128xbf16>
    %mul3A_554 = arith.mulf %mul3A_552, %tanh3A_553 : vector<1024x128xbf16>
    %add3A_555 = arith.addf %mul3A_552, %mul3A_554 : vector<1024x128xbf16>
    %get3A_556 = arith.constant 1 : index
    %get3A_557 = arith.constant 0 : index
    %get3A_558 = arith.constant 0 : index
    %get3A_559 = vector.load %arg9[%get3A_556, %get3A_557, %get3A_558] : memref<3x128x128xf32, #tpu.memory_space<vmem>>, vector<1x128x128xf32>
    %get3A_560 = vector.shape_cast %get3A_559 : vector<1x128x128xf32> to vector<128x128xf32>
    %convert_element_type3A_561 = arith.truncf %get3A_560 : vector<128x128xf32> to vector<128x128xbf16>
    %dot_general3A_562 = arith.constant dense<0.000000e+00> : vector<1024x128xf32>
    %dot_general3A_563 = tpu.matmul %add3A_555, %convert_element_type3A_561, %dot_general3A_562 {dimension_numbers = #tpu.dot_dimension_numbers<[1], [0], [0], [1], [0, 0, 1, 1], [], []>, transpose_lhs_hint = false} : vector<1024x128xbf16>, vector<128x128xbf16>, vector<1024x128xf32> -> vector<1024x128xf32>
    %convert_element_type3A_564 = arith.truncf %dot_general3A_563 : vector<1024x128xf32> to vector<1024x128xbf16>
    %get3A_565 = arith.constant 1 : index
    %get3A_566 = arith.constant 0 : index
    %get3A_567 = arith.constant 0 : index
    %get3A_568 = vector.load %arg10[%get3A_565, %get3A_566, %get3A_567] : memref<3x1x128xf32, #tpu.memory_space<vmem>>, vector<1x1x128xf32>
    %get3A_569 = vector.shape_cast %get3A_568 : vector<1x1x128xf32> to vector<1x128xf32>
    %convert_element_type3A_570 = arith.truncf %get3A_569 : vector<1x128xf32> to vector<1x128xbf16>
    %add3A_571 = vector.broadcast %convert_element_type3A_570 : vector<1x128xbf16> to vector<1024x128xbf16>
    %add3A_572 = arith.addf %convert_element_type3A_564, %add3A_571 : vector<1024x128xbf16>
    %mul3A_573 = arith.constant 5.000000e-01 : bf16
    %mul3A_574 = vector.broadcast %mul3A_573 : bf16 to vector<1024x128xbf16>
    %mul3A_575 = arith.mulf %mul3A_574, %add3A_572 : vector<1024x128xbf16>
    %tanh3A_576 = math.tanh %mul3A_575 : vector<1024x128xbf16>
    %mul3A_577 = arith.mulf %mul3A_575, %tanh3A_576 : vector<1024x128xbf16>
    %add3A_578 = arith.addf %mul3A_575, %mul3A_577 : vector<1024x128xbf16>
    %convert_element_type3A_579 = arith.truncf %get3A_17 : vector<32x1024xf32> to vector<32x1024xbf16>
    %dot_general3A_580 = arith.constant dense<0.000000e+00> : vector<32x128xf32>
    %dot_general3A_581 = tpu.matmul %convert_element_type3A_579, %add3A_578, %dot_general3A_580 {dimension_numbers = #tpu.dot_dimension_numbers<[1], [0], [0], [1], [0, 0, 1, 1], [], []>, transpose_lhs_hint = false} : vector<32x1024xbf16>, vector<1024x128xbf16>, vector<32x128xf32> -> vector<32x128xf32>
    %slice3A_582 = vector.extract_strided_slice %dot_general3A_523 {offsets = [32, 0], sizes = [32, 128], strides = [1, 1]} : vector<256x128xf32> to vector<32x128xf32>
    %slice3A_583 = vector.extract_strided_slice %dot_general3A_530 {offsets = [32, 0], sizes = [32, 128], strides = [1, 1]} : vector<256x128xf32> to vector<32x128xf32>
    %get3A_584 = arith.constant 1 : index
    %get3A_585 = arith.constant 1 : index
    %get3A_586 = arith.constant 0 : index
    %get3A_587 = arith.constant 0 : index
    %get3A_588 = vector.load %arg7[%get3A_584, %get3A_585, %get3A_586, %get3A_587] : memref<3x8x16x128xf32, #tpu.memory_space<vmem>>, vector<1x1x16x128xf32>
    %get3A_589 = vector.shape_cast %get3A_588 : vector<1x1x16x128xf32> to vector<16x128xf32>
    %get3A_590 = arith.constant 1 : index
    %get3A_591 = arith.constant 0 : index
    %get3A_592 = arith.constant 0 : index
    %get3A_593 = vector.load %arg8[%get3A_590, %get3A_591, %get3A_592] : memref<3x1x128xf32, #tpu.memory_space<vmem>>, vector<1x1x128xf32>
    %get3A_594 = vector.shape_cast %get3A_593 : vector<1x1x128xf32> to vector<1x128xf32>
    %concatenate3A_595 = tpu.concatenate %slice3A_582, %slice3A_583, %get3A_589, %get3A_594 in 0 : vector<32x128xf32>, vector<32x128xf32>, vector<16x128xf32>, vector<1x128xf32> -> vector<81x128xf32>
    %convert_element_type3A_596 = arith.truncf %concatenate3A_30 : vector<1024x81xf32> to vector<1024x81xbf16>
    %convert_element_type3A_597 = arith.truncf %concatenate3A_595 : vector<81x128xf32> to vector<81x128xbf16>
    %dot_general3A_598 = arith.constant dense<0.000000e+00> : vector<1024x128xf32>
    %dot_general3A_599 = tpu.matmul %convert_element_type3A_596, %convert_element_type3A_597, %dot_general3A_598 {dimension_numbers = #tpu.dot_dimension_numbers<[1], [0], [0], [1], [0, 0, 1, 1], [], []>, transpose_lhs_hint = false} : vector<1024x81xbf16>, vector<81x128xbf16>, vector<1024x128xf32> -> vector<1024x128xf32>
    %convert_element_type3A_600 = arith.truncf %dot_general3A_599 : vector<1024x128xf32> to vector<1024x128xbf16>
    %mul3A_601 = arith.constant 5.000000e-01 : bf16
    %mul3A_602 = vector.broadcast %mul3A_601 : bf16 to vector<1024x128xbf16>
    %mul3A_603 = arith.mulf %mul3A_602, %convert_element_type3A_600 : vector<1024x128xbf16>
    %tanh3A_604 = math.tanh %mul3A_603 : vector<1024x128xbf16>
    %mul3A_605 = arith.mulf %mul3A_603, %tanh3A_604 : vector<1024x128xbf16>
    %add3A_606 = arith.addf %mul3A_603, %mul3A_605 : vector<1024x128xbf16>
    %get3A_607 = arith.constant 1 : index
    %get3A_608 = arith.constant 0 : index
    %get3A_609 = arith.constant 0 : index
    %get3A_610 = vector.load %arg9[%get3A_607, %get3A_608, %get3A_609] : memref<3x128x128xf32, #tpu.memory_space<vmem>>, vector<1x128x128xf32>
    %get3A_611 = vector.shape_cast %get3A_610 : vector<1x128x128xf32> to vector<128x128xf32>
    %convert_element_type3A_612 = arith.truncf %get3A_611 : vector<128x128xf32> to vector<128x128xbf16>
    %dot_general3A_613 = arith.constant dense<0.000000e+00> : vector<1024x128xf32>
    %dot_general3A_614 = tpu.matmul %add3A_606, %convert_element_type3A_612, %dot_general3A_613 {dimension_numbers = #tpu.dot_dimension_numbers<[1], [0], [0], [1], [0, 0, 1, 1], [], []>, transpose_lhs_hint = false} : vector<1024x128xbf16>, vector<128x128xbf16>, vector<1024x128xf32> -> vector<1024x128xf32>
    %convert_element_type3A_615 = arith.truncf %dot_general3A_614 : vector<1024x128xf32> to vector<1024x128xbf16>
    %get3A_616 = arith.constant 1 : index
    %get3A_617 = arith.constant 0 : index
    %get3A_618 = arith.constant 0 : index
    %get3A_619 = vector.load %arg10[%get3A_616, %get3A_617, %get3A_618] : memref<3x1x128xf32, #tpu.memory_space<vmem>>, vector<1x1x128xf32>
    %get3A_620 = vector.shape_cast %get3A_619 : vector<1x1x128xf32> to vector<1x128xf32>
    %convert_element_type3A_621 = arith.truncf %get3A_620 : vector<1x128xf32> to vector<1x128xbf16>
    %add3A_622 = vector.broadcast %convert_element_type3A_621 : vector<1x128xbf16> to vector<1024x128xbf16>
    %add3A_623 = arith.addf %convert_element_type3A_615, %add3A_622 : vector<1024x128xbf16>
    %mul3A_624 = arith.constant 5.000000e-01 : bf16
    %mul3A_625 = vector.broadcast %mul3A_624 : bf16 to vector<1024x128xbf16>
    %mul3A_626 = arith.mulf %mul3A_625, %add3A_623 : vector<1024x128xbf16>
    %tanh3A_627 = math.tanh %mul3A_626 : vector<1024x128xbf16>
    %mul3A_628 = arith.mulf %mul3A_626, %tanh3A_627 : vector<1024x128xbf16>
    %add3A_629 = arith.addf %mul3A_626, %mul3A_628 : vector<1024x128xbf16>
    %convert_element_type3A_630 = arith.truncf %get3A_17 : vector<32x1024xf32> to vector<32x1024xbf16>
    %dot_general3A_631 = arith.constant dense<0.000000e+00> : vector<32x128xf32>
    %dot_general3A_632 = tpu.matmul %convert_element_type3A_630, %add3A_629, %dot_general3A_631 {dimension_numbers = #tpu.dot_dimension_numbers<[1], [0], [0], [1], [0, 0, 1, 1], [], []>, transpose_lhs_hint = false} : vector<32x1024xbf16>, vector<1024x128xbf16>, vector<32x128xf32> -> vector<32x128xf32>
    %slice3A_633 = vector.extract_strided_slice %dot_general3A_523 {offsets = [64, 0], sizes = [32, 128], strides = [1, 1]} : vector<256x128xf32> to vector<32x128xf32>
    %slice3A_634 = vector.extract_strided_slice %dot_general3A_530 {offsets = [64, 0], sizes = [32, 128], strides = [1, 1]} : vector<256x128xf32> to vector<32x128xf32>
    %get3A_635 = arith.constant 1 : index
    %get3A_636 = arith.constant 2 : index
    %get3A_637 = arith.constant 0 : index
    %get3A_638 = arith.constant 0 : index
    %get3A_639 = vector.load %arg7[%get3A_635, %get3A_636, %get3A_637, %get3A_638] : memref<3x8x16x128xf32, #tpu.memory_space<vmem>>, vector<1x1x16x128xf32>
    %get3A_640 = vector.shape_cast %get3A_639 : vector<1x1x16x128xf32> to vector<16x128xf32>
    %get3A_641 = arith.constant 1 : index
    %get3A_642 = arith.constant 0 : index
    %get3A_643 = arith.constant 0 : index
    %get3A_644 = vector.load %arg8[%get3A_641, %get3A_642, %get3A_643] : memref<3x1x128xf32, #tpu.memory_space<vmem>>, vector<1x1x128xf32>
    %get3A_645 = vector.shape_cast %get3A_644 : vector<1x1x128xf32> to vector<1x128xf32>
    %concatenate3A_646 = tpu.concatenate %slice3A_633, %slice3A_634, %get3A_640, %get3A_645 in 0 : vector<32x128xf32>, vector<32x128xf32>, vector<16x128xf32>, vector<1x128xf32> -> vector<81x128xf32>
    %convert_element_type3A_647 = arith.truncf %concatenate3A_30 : vector<1024x81xf32> to vector<1024x81xbf16>
    %convert_element_type3A_648 = arith.truncf %concatenate3A_646 : vector<81x128xf32> to vector<81x128xbf16>
    %dot_general3A_649 = arith.constant dense<0.000000e+00> : vector<1024x128xf32>
    %dot_general3A_650 = tpu.matmul %convert_element_type3A_647, %convert_element_type3A_648, %dot_general3A_649 {dimension_numbers = #tpu.dot_dimension_numbers<[1], [0], [0], [1], [0, 0, 1, 1], [], []>, transpose_lhs_hint = false} : vector<1024x81xbf16>, vector<81x128xbf16>, vector<1024x128xf32> -> vector<1024x128xf32>
    %convert_element_type3A_651 = arith.truncf %dot_general3A_650 : vector<1024x128xf32> to vector<1024x128xbf16>
    %mul3A_652 = arith.constant 5.000000e-01 : bf16
    %mul3A_653 = vector.broadcast %mul3A_652 : bf16 to vector<1024x128xbf16>
    %mul3A_654 = arith.mulf %mul3A_653, %convert_element_type3A_651 : vector<1024x128xbf16>
    %tanh3A_655 = math.tanh %mul3A_654 : vector<1024x128xbf16>
    %mul3A_656 = arith.mulf %mul3A_654, %tanh3A_655 : vector<1024x128xbf16>
    %add3A_657 = arith.addf %mul3A_654, %mul3A_656 : vector<1024x128xbf16>
    %get3A_658 = arith.constant 1 : index
    %get3A_659 = arith.constant 0 : index
    %get3A_660 = arith.constant 0 : index
    %get3A_661 = vector.load %arg9[%get3A_658, %get3A_659, %get3A_660] : memref<3x128x128xf32, #tpu.memory_space<vmem>>, vector<1x128x128xf32>
    %get3A_662 = vector.shape_cast %get3A_661 : vector<1x128x128xf32> to vector<128x128xf32>
    %convert_element_type3A_663 = arith.truncf %get3A_662 : vector<128x128xf32> to vector<128x128xbf16>
    %dot_general3A_664 = arith.constant dense<0.000000e+00> : vector<1024x128xf32>
    %dot_general3A_665 = tpu.matmul %add3A_657, %convert_element_type3A_663, %dot_general3A_664 {dimension_numbers = #tpu.dot_dimension_numbers<[1], [0], [0], [1], [0, 0, 1, 1], [], []>, transpose_lhs_hint = false} : vector<1024x128xbf16>, vector<128x128xbf16>, vector<1024x128xf32> -> vector<1024x128xf32>
    %convert_element_type3A_666 = arith.truncf %dot_general3A_665 : vector<1024x128xf32> to vector<1024x128xbf16>
    %get3A_667 = arith.constant 1 : index
    %get3A_668 = arith.constant 0 : index
    %get3A_669 = arith.constant 0 : index
    %get3A_670 = vector.load %arg10[%get3A_667, %get3A_668, %get3A_669] : memref<3x1x128xf32, #tpu.memory_space<vmem>>, vector<1x1x128xf32>
    %get3A_671 = vector.shape_cast %get3A_670 : vector<1x1x128xf32> to vector<1x128xf32>
    %convert_element_type3A_672 = arith.truncf %get3A_671 : vector<1x128xf32> to vector<1x128xbf16>
    %add3A_673 = vector.broadcast %convert_element_type3A_672 : vector<1x128xbf16> to vector<1024x128xbf16>
    %add3A_674 = arith.addf %convert_element_type3A_666, %add3A_673 : vector<1024x128xbf16>
    %mul3A_675 = arith.constant 5.000000e-01 : bf16
    %mul3A_676 = vector.broadcast %mul3A_675 : bf16 to vector<1024x128xbf16>
    %mul3A_677 = arith.mulf %mul3A_676, %add3A_674 : vector<1024x128xbf16>
    %tanh3A_678 = math.tanh %mul3A_677 : vector<1024x128xbf16>
    %mul3A_679 = arith.mulf %mul3A_677, %tanh3A_678 : vector<1024x128xbf16>
    %add3A_680 = arith.addf %mul3A_677, %mul3A_679 : vector<1024x128xbf16>
    %convert_element_type3A_681 = arith.truncf %get3A_17 : vector<32x1024xf32> to vector<32x1024xbf16>
    %dot_general3A_682 = arith.constant dense<0.000000e+00> : vector<32x128xf32>
    %dot_general3A_683 = tpu.matmul %convert_element_type3A_681, %add3A_680, %dot_general3A_682 {dimension_numbers = #tpu.dot_dimension_numbers<[1], [0], [0], [1], [0, 0, 1, 1], [], []>, transpose_lhs_hint = false} : vector<32x1024xbf16>, vector<1024x128xbf16>, vector<32x128xf32> -> vector<32x128xf32>
    %slice3A_684 = vector.extract_strided_slice %dot_general3A_523 {offsets = [96, 0], sizes = [32, 128], strides = [1, 1]} : vector<256x128xf32> to vector<32x128xf32>
    %slice3A_685 = vector.extract_strided_slice %dot_general3A_530 {offsets = [96, 0], sizes = [32, 128], strides = [1, 1]} : vector<256x128xf32> to vector<32x128xf32>
    %get3A_686 = arith.constant 1 : index
    %get3A_687 = arith.constant 3 : index
    %get3A_688 = arith.constant 0 : index
    %get3A_689 = arith.constant 0 : index
    %get3A_690 = vector.load %arg7[%get3A_686, %get3A_687, %get3A_688, %get3A_689] : memref<3x8x16x128xf32, #tpu.memory_space<vmem>>, vector<1x1x16x128xf32>
    %get3A_691 = vector.shape_cast %get3A_690 : vector<1x1x16x128xf32> to vector<16x128xf32>
    %get3A_692 = arith.constant 1 : index
    %get3A_693 = arith.constant 0 : index
    %get3A_694 = arith.constant 0 : index
    %get3A_695 = vector.load %arg8[%get3A_692, %get3A_693, %get3A_694] : memref<3x1x128xf32, #tpu.memory_space<vmem>>, vector<1x1x128xf32>
    %get3A_696 = vector.shape_cast %get3A_695 : vector<1x1x128xf32> to vector<1x128xf32>
    %concatenate3A_697 = tpu.concatenate %slice3A_684, %slice3A_685, %get3A_691, %get3A_696 in 0 : vector<32x128xf32>, vector<32x128xf32>, vector<16x128xf32>, vector<1x128xf32> -> vector<81x128xf32>
    %convert_element_type3A_698 = arith.truncf %concatenate3A_30 : vector<1024x81xf32> to vector<1024x81xbf16>
    %convert_element_type3A_699 = arith.truncf %concatenate3A_697 : vector<81x128xf32> to vector<81x128xbf16>
    %dot_general3A_700 = arith.constant dense<0.000000e+00> : vector<1024x128xf32>
    %dot_general3A_701 = tpu.matmul %convert_element_type3A_698, %convert_element_type3A_699, %dot_general3A_700 {dimension_numbers = #tpu.dot_dimension_numbers<[1], [0], [0], [1], [0, 0, 1, 1], [], []>, transpose_lhs_hint = false} : vector<1024x81xbf16>, vector<81x128xbf16>, vector<1024x128xf32> -> vector<1024x128xf32>
    %convert_element_type3A_702 = arith.truncf %dot_general3A_701 : vector<1024x128xf32> to vector<1024x128xbf16>
    %mul3A_703 = arith.constant 5.000000e-01 : bf16
    %mul3A_704 = vector.broadcast %mul3A_703 : bf16 to vector<1024x128xbf16>
    %mul3A_705 = arith.mulf %mul3A_704, %convert_element_type3A_702 : vector<1024x128xbf16>
    %tanh3A_706 = math.tanh %mul3A_705 : vector<1024x128xbf16>
    %mul3A_707 = arith.mulf %mul3A_705, %tanh3A_706 : vector<1024x128xbf16>
    %add3A_708 = arith.addf %mul3A_705, %mul3A_707 : vector<1024x128xbf16>
    %get3A_709 = arith.constant 1 : index
    %get3A_710 = arith.constant 0 : index
    %get3A_711 = arith.constant 0 : index
    %get3A_712 = vector.load %arg9[%get3A_709, %get3A_710, %get3A_711] : memref<3x128x128xf32, #tpu.memory_space<vmem>>, vector<1x128x128xf32>
    %get3A_713 = vector.shape_cast %get3A_712 : vector<1x128x128xf32> to vector<128x128xf32>
    %convert_element_type3A_714 = arith.truncf %get3A_713 : vector<128x128xf32> to vector<128x128xbf16>
    %dot_general3A_715 = arith.constant dense<0.000000e+00> : vector<1024x128xf32>
    %dot_general3A_716 = tpu.matmul %add3A_708, %convert_element_type3A_714, %dot_general3A_715 {dimension_numbers = #tpu.dot_dimension_numbers<[1], [0], [0], [1], [0, 0, 1, 1], [], []>, transpose_lhs_hint = false} : vector<1024x128xbf16>, vector<128x128xbf16>, vector<1024x128xf32> -> vector<1024x128xf32>
    %convert_element_type3A_717 = arith.truncf %dot_general3A_716 : vector<1024x128xf32> to vector<1024x128xbf16>
    %get3A_718 = arith.constant 1 : index
    %get3A_719 = arith.constant 0 : index
    %get3A_720 = arith.constant 0 : index
    %get3A_721 = vector.load %arg10[%get3A_718, %get3A_719, %get3A_720] : memref<3x1x128xf32, #tpu.memory_space<vmem>>, vector<1x1x128xf32>
    %get3A_722 = vector.shape_cast %get3A_721 : vector<1x1x128xf32> to vector<1x128xf32>
    %convert_element_type3A_723 = arith.truncf %get3A_722 : vector<1x128xf32> to vector<1x128xbf16>
    %add3A_724 = vector.broadcast %convert_element_type3A_723 : vector<1x128xbf16> to vector<1024x128xbf16>
    %add3A_725 = arith.addf %convert_element_type3A_717, %add3A_724 : vector<1024x128xbf16>
    %mul3A_726 = arith.constant 5.000000e-01 : bf16
    %mul3A_727 = vector.broadcast %mul3A_726 : bf16 to vector<1024x128xbf16>
    %mul3A_728 = arith.mulf %mul3A_727, %add3A_725 : vector<1024x128xbf16>
    %tanh3A_729 = math.tanh %mul3A_728 : vector<1024x128xbf16>
    %mul3A_730 = arith.mulf %mul3A_728, %tanh3A_729 : vector<1024x128xbf16>
    %add3A_731 = arith.addf %mul3A_728, %mul3A_730 : vector<1024x128xbf16>
    %convert_element_type3A_732 = arith.truncf %get3A_17 : vector<32x1024xf32> to vector<32x1024xbf16>
    %dot_general3A_733 = arith.constant dense<0.000000e+00> : vector<32x128xf32>
    %dot_general3A_734 = tpu.matmul %convert_element_type3A_732, %add3A_731, %dot_general3A_733 {dimension_numbers = #tpu.dot_dimension_numbers<[1], [0], [0], [1], [0, 0, 1, 1], [], []>, transpose_lhs_hint = false} : vector<32x1024xbf16>, vector<1024x128xbf16>, vector<32x128xf32> -> vector<32x128xf32>
    %slice3A_735 = vector.extract_strided_slice %dot_general3A_523 {offsets = [128, 0], sizes = [32, 128], strides = [1, 1]} : vector<256x128xf32> to vector<32x128xf32>
    %slice3A_736 = vector.extract_strided_slice %dot_general3A_530 {offsets = [128, 0], sizes = [32, 128], strides = [1, 1]} : vector<256x128xf32> to vector<32x128xf32>
    %get3A_737 = arith.constant 1 : index
    %get3A_738 = arith.constant 4 : index
    %get3A_739 = arith.constant 0 : index
    %get3A_740 = arith.constant 0 : index
    %get3A_741 = vector.load %arg7[%get3A_737, %get3A_738, %get3A_739, %get3A_740] : memref<3x8x16x128xf32, #tpu.memory_space<vmem>>, vector<1x1x16x128xf32>
    %get3A_742 = vector.shape_cast %get3A_741 : vector<1x1x16x128xf32> to vector<16x128xf32>
    %get3A_743 = arith.constant 1 : index
    %get3A_744 = arith.constant 0 : index
    %get3A_745 = arith.constant 0 : index
    %get3A_746 = vector.load %arg8[%get3A_743, %get3A_744, %get3A_745] : memref<3x1x128xf32, #tpu.memory_space<vmem>>, vector<1x1x128xf32>
    %get3A_747 = vector.shape_cast %get3A_746 : vector<1x1x128xf32> to vector<1x128xf32>
    %concatenate3A_748 = tpu.concatenate %slice3A_735, %slice3A_736, %get3A_742, %get3A_747 in 0 : vector<32x128xf32>, vector<32x128xf32>, vector<16x128xf32>, vector<1x128xf32> -> vector<81x128xf32>
    %convert_element_type3A_749 = arith.truncf %concatenate3A_30 : vector<1024x81xf32> to vector<1024x81xbf16>
    %convert_element_type3A_750 = arith.truncf %concatenate3A_748 : vector<81x128xf32> to vector<81x128xbf16>
    %dot_general3A_751 = arith.constant dense<0.000000e+00> : vector<1024x128xf32>
    %dot_general3A_752 = tpu.matmul %convert_element_type3A_749, %convert_element_type3A_750, %dot_general3A_751 {dimension_numbers = #tpu.dot_dimension_numbers<[1], [0], [0], [1], [0, 0, 1, 1], [], []>, transpose_lhs_hint = false} : vector<1024x81xbf16>, vector<81x128xbf16>, vector<1024x128xf32> -> vector<1024x128xf32>
    %convert_element_type3A_753 = arith.truncf %dot_general3A_752 : vector<1024x128xf32> to vector<1024x128xbf16>
    %mul3A_754 = arith.constant 5.000000e-01 : bf16
    %mul3A_755 = vector.broadcast %mul3A_754 : bf16 to vector<1024x128xbf16>
    %mul3A_756 = arith.mulf %mul3A_755, %convert_element_type3A_753 : vector<1024x128xbf16>
    %tanh3A_757 = math.tanh %mul3A_756 : vector<1024x128xbf16>
    %mul3A_758 = arith.mulf %mul3A_756, %tanh3A_757 : vector<1024x128xbf16>
    %add3A_759 = arith.addf %mul3A_756, %mul3A_758 : vector<1024x128xbf16>
    %get3A_760 = arith.constant 1 : index
    %get3A_761 = arith.constant 0 : index
    %get3A_762 = arith.constant 0 : index
    %get3A_763 = vector.load %arg9[%get3A_760, %get3A_761, %get3A_762] : memref<3x128x128xf32, #tpu.memory_space<vmem>>, vector<1x128x128xf32>
    %get3A_764 = vector.shape_cast %get3A_763 : vector<1x128x128xf32> to vector<128x128xf32>
    %convert_element_type3A_765 = arith.truncf %get3A_764 : vector<128x128xf32> to vector<128x128xbf16>
    %dot_general3A_766 = arith.constant dense<0.000000e+00> : vector<1024x128xf32>
    %dot_general3A_767 = tpu.matmul %add3A_759, %convert_element_type3A_765, %dot_general3A_766 {dimension_numbers = #tpu.dot_dimension_numbers<[1], [0], [0], [1], [0, 0, 1, 1], [], []>, transpose_lhs_hint = false} : vector<1024x128xbf16>, vector<128x128xbf16>, vector<1024x128xf32> -> vector<1024x128xf32>
    %convert_element_type3A_768 = arith.truncf %dot_general3A_767 : vector<1024x128xf32> to vector<1024x128xbf16>
    %get3A_769 = arith.constant 1 : index
    %get3A_770 = arith.constant 0 : index
    %get3A_771 = arith.constant 0 : index
    %get3A_772 = vector.load %arg10[%get3A_769, %get3A_770, %get3A_771] : memref<3x1x128xf32, #tpu.memory_space<vmem>>, vector<1x1x128xf32>
    %get3A_773 = vector.shape_cast %get3A_772 : vector<1x1x128xf32> to vector<1x128xf32>
    %convert_element_type3A_774 = arith.truncf %get3A_773 : vector<1x128xf32> to vector<1x128xbf16>
    %add3A_775 = vector.broadcast %convert_element_type3A_774 : vector<1x128xbf16> to vector<1024x128xbf16>
    %add3A_776 = arith.addf %convert_element_type3A_768, %add3A_775 : vector<1024x128xbf16>
    %mul3A_777 = arith.constant 5.000000e-01 : bf16
    %mul3A_778 = vector.broadcast %mul3A_777 : bf16 to vector<1024x128xbf16>
    %mul3A_779 = arith.mulf %mul3A_778, %add3A_776 : vector<1024x128xbf16>
    %tanh3A_780 = math.tanh %mul3A_779 : vector<1024x128xbf16>
    %mul3A_781 = arith.mulf %mul3A_779, %tanh3A_780 : vector<1024x128xbf16>
    %add3A_782 = arith.addf %mul3A_779, %mul3A_781 : vector<1024x128xbf16>
    %convert_element_type3A_783 = arith.truncf %get3A_17 : vector<32x1024xf32> to vector<32x1024xbf16>
    %dot_general3A_784 = arith.constant dense<0.000000e+00> : vector<32x128xf32>
    %dot_general3A_785 = tpu.matmul %convert_element_type3A_783, %add3A_782, %dot_general3A_784 {dimension_numbers = #tpu.dot_dimension_numbers<[1], [0], [0], [1], [0, 0, 1, 1], [], []>, transpose_lhs_hint = false} : vector<32x1024xbf16>, vector<1024x128xbf16>, vector<32x128xf32> -> vector<32x128xf32>
    %slice3A_786 = vector.extract_strided_slice %dot_general3A_523 {offsets = [160, 0], sizes = [32, 128], strides = [1, 1]} : vector<256x128xf32> to vector<32x128xf32>
    %slice3A_787 = vector.extract_strided_slice %dot_general3A_530 {offsets = [160, 0], sizes = [32, 128], strides = [1, 1]} : vector<256x128xf32> to vector<32x128xf32>
    %get3A_788 = arith.constant 1 : index
    %get3A_789 = arith.constant 5 : index
    %get3A_790 = arith.constant 0 : index
    %get3A_791 = arith.constant 0 : index
    %get3A_792 = vector.load %arg7[%get3A_788, %get3A_789, %get3A_790, %get3A_791] : memref<3x8x16x128xf32, #tpu.memory_space<vmem>>, vector<1x1x16x128xf32>
    %get3A_793 = vector.shape_cast %get3A_792 : vector<1x1x16x128xf32> to vector<16x128xf32>
    %get3A_794 = arith.constant 1 : index
    %get3A_795 = arith.constant 0 : index
    %get3A_796 = arith.constant 0 : index
    %get3A_797 = vector.load %arg8[%get3A_794, %get3A_795, %get3A_796] : memref<3x1x128xf32, #tpu.memory_space<vmem>>, vector<1x1x128xf32>
    %get3A_798 = vector.shape_cast %get3A_797 : vector<1x1x128xf32> to vector<1x128xf32>
    %concatenate3A_799 = tpu.concatenate %slice3A_786, %slice3A_787, %get3A_793, %get3A_798 in 0 : vector<32x128xf32>, vector<32x128xf32>, vector<16x128xf32>, vector<1x128xf32> -> vector<81x128xf32>
    %convert_element_type3A_800 = arith.truncf %concatenate3A_30 : vector<1024x81xf32> to vector<1024x81xbf16>
    %convert_element_type3A_801 = arith.truncf %concatenate3A_799 : vector<81x128xf32> to vector<81x128xbf16>
    %dot_general3A_802 = arith.constant dense<0.000000e+00> : vector<1024x128xf32>
    %dot_general3A_803 = tpu.matmul %convert_element_type3A_800, %convert_element_type3A_801, %dot_general3A_802 {dimension_numbers = #tpu.dot_dimension_numbers<[1], [0], [0], [1], [0, 0, 1, 1], [], []>, transpose_lhs_hint = false} : vector<1024x81xbf16>, vector<81x128xbf16>, vector<1024x128xf32> -> vector<1024x128xf32>
    %convert_element_type3A_804 = arith.truncf %dot_general3A_803 : vector<1024x128xf32> to vector<1024x128xbf16>
    %mul3A_805 = arith.constant 5.000000e-01 : bf16
    %mul3A_806 = vector.broadcast %mul3A_805 : bf16 to vector<1024x128xbf16>
    %mul3A_807 = arith.mulf %mul3A_806, %convert_element_type3A_804 : vector<1024x128xbf16>
    %tanh3A_808 = math.tanh %mul3A_807 : vector<1024x128xbf16>
    %mul3A_809 = arith.mulf %mul3A_807, %tanh3A_808 : vector<1024x128xbf16>
    %add3A_810 = arith.addf %mul3A_807, %mul3A_809 : vector<1024x128xbf16>
    %get3A_811 = arith.constant 1 : index
    %get3A_812 = arith.constant 0 : index
    %get3A_813 = arith.constant 0 : index
    %get3A_814 = vector.load %arg9[%get3A_811, %get3A_812, %get3A_813] : memref<3x128x128xf32, #tpu.memory_space<vmem>>, vector<1x128x128xf32>
    %get3A_815 = vector.shape_cast %get3A_814 : vector<1x128x128xf32> to vector<128x128xf32>
    %convert_element_type3A_816 = arith.truncf %get3A_815 : vector<128x128xf32> to vector<128x128xbf16>
    %dot_general3A_817 = arith.constant dense<0.000000e+00> : vector<1024x128xf32>
    %dot_general3A_818 = tpu.matmul %add3A_810, %convert_element_type3A_816, %dot_general3A_817 {dimension_numbers = #tpu.dot_dimension_numbers<[1], [0], [0], [1], [0, 0, 1, 1], [], []>, transpose_lhs_hint = false} : vector<1024x128xbf16>, vector<128x128xbf16>, vector<1024x128xf32> -> vector<1024x128xf32>
    %convert_element_type3A_819 = arith.truncf %dot_general3A_818 : vector<1024x128xf32> to vector<1024x128xbf16>
    %get3A_820 = arith.constant 1 : index
    %get3A_821 = arith.constant 0 : index
    %get3A_822 = arith.constant 0 : index
    %get3A_823 = vector.load %arg10[%get3A_820, %get3A_821, %get3A_822] : memref<3x1x128xf32, #tpu.memory_space<vmem>>, vector<1x1x128xf32>
    %get3A_824 = vector.shape_cast %get3A_823 : vector<1x1x128xf32> to vector<1x128xf32>
    %convert_element_type3A_825 = arith.truncf %get3A_824 : vector<1x128xf32> to vector<1x128xbf16>
    %add3A_826 = vector.broadcast %convert_element_type3A_825 : vector<1x128xbf16> to vector<1024x128xbf16>
    %add3A_827 = arith.addf %convert_element_type3A_819, %add3A_826 : vector<1024x128xbf16>
    %mul3A_828 = arith.constant 5.000000e-01 : bf16
    %mul3A_829 = vector.broadcast %mul3A_828 : bf16 to vector<1024x128xbf16>
    %mul3A_830 = arith.mulf %mul3A_829, %add3A_827 : vector<1024x128xbf16>
    %tanh3A_831 = math.tanh %mul3A_830 : vector<1024x128xbf16>
    %mul3A_832 = arith.mulf %mul3A_830, %tanh3A_831 : vector<1024x128xbf16>
    %add3A_833 = arith.addf %mul3A_830, %mul3A_832 : vector<1024x128xbf16>
    %convert_element_type3A_834 = arith.truncf %get3A_17 : vector<32x1024xf32> to vector<32x1024xbf16>
    %dot_general3A_835 = arith.constant dense<0.000000e+00> : vector<32x128xf32>
    %dot_general3A_836 = tpu.matmul %convert_element_type3A_834, %add3A_833, %dot_general3A_835 {dimension_numbers = #tpu.dot_dimension_numbers<[1], [0], [0], [1], [0, 0, 1, 1], [], []>, transpose_lhs_hint = false} : vector<32x1024xbf16>, vector<1024x128xbf16>, vector<32x128xf32> -> vector<32x128xf32>
    %slice3A_837 = vector.extract_strided_slice %dot_general3A_523 {offsets = [192, 0], sizes = [32, 128], strides = [1, 1]} : vector<256x128xf32> to vector<32x128xf32>
    %slice3A_838 = vector.extract_strided_slice %dot_general3A_530 {offsets = [192, 0], sizes = [32, 128], strides = [1, 1]} : vector<256x128xf32> to vector<32x128xf32>
    %get3A_839 = arith.constant 1 : index
    %get3A_840 = arith.constant 6 : index
    %get3A_841 = arith.constant 0 : index
    %get3A_842 = arith.constant 0 : index
    %get3A_843 = vector.load %arg7[%get3A_839, %get3A_840, %get3A_841, %get3A_842] : memref<3x8x16x128xf32, #tpu.memory_space<vmem>>, vector<1x1x16x128xf32>
    %get3A_844 = vector.shape_cast %get3A_843 : vector<1x1x16x128xf32> to vector<16x128xf32>
    %get3A_845 = arith.constant 1 : index
    %get3A_846 = arith.constant 0 : index
    %get3A_847 = arith.constant 0 : index
    %get3A_848 = vector.load %arg8[%get3A_845, %get3A_846, %get3A_847] : memref<3x1x128xf32, #tpu.memory_space<vmem>>, vector<1x1x128xf32>
    %get3A_849 = vector.shape_cast %get3A_848 : vector<1x1x128xf32> to vector<1x128xf32>
    %concatenate3A_850 = tpu.concatenate %slice3A_837, %slice3A_838, %get3A_844, %get3A_849 in 0 : vector<32x128xf32>, vector<32x128xf32>, vector<16x128xf32>, vector<1x128xf32> -> vector<81x128xf32>
    %convert_element_type3A_851 = arith.truncf %concatenate3A_30 : vector<1024x81xf32> to vector<1024x81xbf16>
    %convert_element_type3A_852 = arith.truncf %concatenate3A_850 : vector<81x128xf32> to vector<81x128xbf16>
    %dot_general3A_853 = arith.constant dense<0.000000e+00> : vector<1024x128xf32>
    %dot_general3A_854 = tpu.matmul %convert_element_type3A_851, %convert_element_type3A_852, %dot_general3A_853 {dimension_numbers = #tpu.dot_dimension_numbers<[1], [0], [0], [1], [0, 0, 1, 1], [], []>, transpose_lhs_hint = false} : vector<1024x81xbf16>, vector<81x128xbf16>, vector<1024x128xf32> -> vector<1024x128xf32>
    %convert_element_type3A_855 = arith.truncf %dot_general3A_854 : vector<1024x128xf32> to vector<1024x128xbf16>
    %mul3A_856 = arith.constant 5.000000e-01 : bf16
    %mul3A_857 = vector.broadcast %mul3A_856 : bf16 to vector<1024x128xbf16>
    %mul3A_858 = arith.mulf %mul3A_857, %convert_element_type3A_855 : vector<1024x128xbf16>
    %tanh3A_859 = math.tanh %mul3A_858 : vector<1024x128xbf16>
    %mul3A_860 = arith.mulf %mul3A_858, %tanh3A_859 : vector<1024x128xbf16>
    %add3A_861 = arith.addf %mul3A_858, %mul3A_860 : vector<1024x128xbf16>
    %get3A_862 = arith.constant 1 : index
    %get3A_863 = arith.constant 0 : index
    %get3A_864 = arith.constant 0 : index
    %get3A_865 = vector.load %arg9[%get3A_862, %get3A_863, %get3A_864] : memref<3x128x128xf32, #tpu.memory_space<vmem>>, vector<1x128x128xf32>
    %get3A_866 = vector.shape_cast %get3A_865 : vector<1x128x128xf32> to vector<128x128xf32>
    %convert_element_type3A_867 = arith.truncf %get3A_866 : vector<128x128xf32> to vector<128x128xbf16>
    %dot_general3A_868 = arith.constant dense<0.000000e+00> : vector<1024x128xf32>
    %dot_general3A_869 = tpu.matmul %add3A_861, %convert_element_type3A_867, %dot_general3A_868 {dimension_numbers = #tpu.dot_dimension_numbers<[1], [0], [0], [1], [0, 0, 1, 1], [], []>, transpose_lhs_hint = false} : vector<1024x128xbf16>, vector<128x128xbf16>, vector<1024x128xf32> -> vector<1024x128xf32>
    %convert_element_type3A_870 = arith.truncf %dot_general3A_869 : vector<1024x128xf32> to vector<1024x128xbf16>
    %get3A_871 = arith.constant 1 : index
    %get3A_872 = arith.constant 0 : index
    %get3A_873 = arith.constant 0 : index
    %get3A_874 = vector.load %arg10[%get3A_871, %get3A_872, %get3A_873] : memref<3x1x128xf32, #tpu.memory_space<vmem>>, vector<1x1x128xf32>
    %get3A_875 = vector.shape_cast %get3A_874 : vector<1x1x128xf32> to vector<1x128xf32>
    %convert_element_type3A_876 = arith.truncf %get3A_875 : vector<1x128xf32> to vector<1x128xbf16>
    %add3A_877 = vector.broadcast %convert_element_type3A_876 : vector<1x128xbf16> to vector<1024x128xbf16>
    %add3A_878 = arith.addf %convert_element_type3A_870, %add3A_877 : vector<1024x128xbf16>
    %mul3A_879 = arith.constant 5.000000e-01 : bf16
    %mul3A_880 = vector.broadcast %mul3A_879 : bf16 to vector<1024x128xbf16>
    %mul3A_881 = arith.mulf %mul3A_880, %add3A_878 : vector<1024x128xbf16>
    %tanh3A_882 = math.tanh %mul3A_881 : vector<1024x128xbf16>
    %mul3A_883 = arith.mulf %mul3A_881, %tanh3A_882 : vector<1024x128xbf16>
    %add3A_884 = arith.addf %mul3A_881, %mul3A_883 : vector<1024x128xbf16>
    %convert_element_type3A_885 = arith.truncf %get3A_17 : vector<32x1024xf32> to vector<32x1024xbf16>
    %dot_general3A_886 = arith.constant dense<0.000000e+00> : vector<32x128xf32>
    %dot_general3A_887 = tpu.matmul %convert_element_type3A_885, %add3A_884, %dot_general3A_886 {dimension_numbers = #tpu.dot_dimension_numbers<[1], [0], [0], [1], [0, 0, 1, 1], [], []>, transpose_lhs_hint = false} : vector<32x1024xbf16>, vector<1024x128xbf16>, vector<32x128xf32> -> vector<32x128xf32>
    %slice3A_888 = vector.extract_strided_slice %dot_general3A_523 {offsets = [224, 0], sizes = [32, 128], strides = [1, 1]} : vector<256x128xf32> to vector<32x128xf32>
    %slice3A_889 = vector.extract_strided_slice %dot_general3A_530 {offsets = [224, 0], sizes = [32, 128], strides = [1, 1]} : vector<256x128xf32> to vector<32x128xf32>
    %get3A_890 = arith.constant 1 : index
    %get3A_891 = arith.constant 7 : index
    %get3A_892 = arith.constant 0 : index
    %get3A_893 = arith.constant 0 : index
    %get3A_894 = vector.load %arg7[%get3A_890, %get3A_891, %get3A_892, %get3A_893] : memref<3x8x16x128xf32, #tpu.memory_space<vmem>>, vector<1x1x16x128xf32>
    %get3A_895 = vector.shape_cast %get3A_894 : vector<1x1x16x128xf32> to vector<16x128xf32>
    %get3A_896 = arith.constant 1 : index
    %get3A_897 = arith.constant 0 : index
    %get3A_898 = arith.constant 0 : index
    %get3A_899 = vector.load %arg8[%get3A_896, %get3A_897, %get3A_898] : memref<3x1x128xf32, #tpu.memory_space<vmem>>, vector<1x1x128xf32>
    %get3A_900 = vector.shape_cast %get3A_899 : vector<1x1x128xf32> to vector<1x128xf32>
    %concatenate3A_901 = tpu.concatenate %slice3A_888, %slice3A_889, %get3A_895, %get3A_900 in 0 : vector<32x128xf32>, vector<32x128xf32>, vector<16x128xf32>, vector<1x128xf32> -> vector<81x128xf32>
    %convert_element_type3A_902 = arith.truncf %concatenate3A_30 : vector<1024x81xf32> to vector<1024x81xbf16>
    %convert_element_type3A_903 = arith.truncf %concatenate3A_901 : vector<81x128xf32> to vector<81x128xbf16>
    %dot_general3A_904 = arith.constant dense<0.000000e+00> : vector<1024x128xf32>
    %dot_general3A_905 = tpu.matmul %convert_element_type3A_902, %convert_element_type3A_903, %dot_general3A_904 {dimension_numbers = #tpu.dot_dimension_numbers<[1], [0], [0], [1], [0, 0, 1, 1], [], []>, transpose_lhs_hint = false} : vector<1024x81xbf16>, vector<81x128xbf16>, vector<1024x128xf32> -> vector<1024x128xf32>
    %convert_element_type3A_906 = arith.truncf %dot_general3A_905 : vector<1024x128xf32> to vector<1024x128xbf16>
    %mul3A_907 = arith.constant 5.000000e-01 : bf16
    %mul3A_908 = vector.broadcast %mul3A_907 : bf16 to vector<1024x128xbf16>
    %mul3A_909 = arith.mulf %mul3A_908, %convert_element_type3A_906 : vector<1024x128xbf16>
    %tanh3A_910 = math.tanh %mul3A_909 : vector<1024x128xbf16>
    %mul3A_911 = arith.mulf %mul3A_909, %tanh3A_910 : vector<1024x128xbf16>
    %add3A_912 = arith.addf %mul3A_909, %mul3A_911 : vector<1024x128xbf16>
    %get3A_913 = arith.constant 1 : index
    %get3A_914 = arith.constant 0 : index
    %get3A_915 = arith.constant 0 : index
    %get3A_916 = vector.load %arg9[%get3A_913, %get3A_914, %get3A_915] : memref<3x128x128xf32, #tpu.memory_space<vmem>>, vector<1x128x128xf32>
    %get3A_917 = vector.shape_cast %get3A_916 : vector<1x128x128xf32> to vector<128x128xf32>
    %convert_element_type3A_918 = arith.truncf %get3A_917 : vector<128x128xf32> to vector<128x128xbf16>
    %dot_general3A_919 = arith.constant dense<0.000000e+00> : vector<1024x128xf32>
    %dot_general3A_920 = tpu.matmul %add3A_912, %convert_element_type3A_918, %dot_general3A_919 {dimension_numbers = #tpu.dot_dimension_numbers<[1], [0], [0], [1], [0, 0, 1, 1], [], []>, transpose_lhs_hint = false} : vector<1024x128xbf16>, vector<128x128xbf16>, vector<1024x128xf32> -> vector<1024x128xf32>
    %convert_element_type3A_921 = arith.truncf %dot_general3A_920 : vector<1024x128xf32> to vector<1024x128xbf16>
    %get3A_922 = arith.constant 1 : index
    %get3A_923 = arith.constant 0 : index
    %get3A_924 = arith.constant 0 : index
    %get3A_925 = vector.load %arg10[%get3A_922, %get3A_923, %get3A_924] : memref<3x1x128xf32, #tpu.memory_space<vmem>>, vector<1x1x128xf32>
    %get3A_926 = vector.shape_cast %get3A_925 : vector<1x1x128xf32> to vector<1x128xf32>
    %convert_element_type3A_927 = arith.truncf %get3A_926 : vector<1x128xf32> to vector<1x128xbf16>
    %add3A_928 = vector.broadcast %convert_element_type3A_927 : vector<1x128xbf16> to vector<1024x128xbf16>
    %add3A_929 = arith.addf %convert_element_type3A_921, %add3A_928 : vector<1024x128xbf16>
    %mul3A_930 = arith.constant 5.000000e-01 : bf16
    %mul3A_931 = vector.broadcast %mul3A_930 : bf16 to vector<1024x128xbf16>
    %mul3A_932 = arith.mulf %mul3A_931, %add3A_929 : vector<1024x128xbf16>
    %tanh3A_933 = math.tanh %mul3A_932 : vector<1024x128xbf16>
    %mul3A_934 = arith.mulf %mul3A_932, %tanh3A_933 : vector<1024x128xbf16>
    %add3A_935 = arith.addf %mul3A_932, %mul3A_934 : vector<1024x128xbf16>
    %convert_element_type3A_936 = arith.truncf %get3A_17 : vector<32x1024xf32> to vector<32x1024xbf16>
    %dot_general3A_937 = arith.constant dense<0.000000e+00> : vector<32x128xf32>
    %dot_general3A_938 = tpu.matmul %convert_element_type3A_936, %add3A_935, %dot_general3A_937 {dimension_numbers = #tpu.dot_dimension_numbers<[1], [0], [0], [1], [0, 0, 1, 1], [], []>, transpose_lhs_hint = false} : vector<32x1024xbf16>, vector<1024x128xbf16>, vector<32x128xf32> -> vector<32x128xf32>
    %concatenate3A_939 = tpu.concatenate %add3A_578, %add3A_629, %add3A_680, %add3A_731, %add3A_782, %add3A_833, %add3A_884, %add3A_935 in 1 : vector<1024x128xbf16>, vector<1024x128xbf16>, vector<1024x128xbf16>, vector<1024x128xbf16>, vector<1024x128xbf16>, vector<1024x128xbf16>, vector<1024x128xbf16>, vector<1024x128xbf16> -> vector<1024x1024xbf16>
    %get3A_940 = arith.constant 1 : index
    %get3A_941 = arith.constant 0 : index
    %get3A_942 = arith.constant 0 : index
    %get3A_943 = vector.load %arg11[%get3A_940, %get3A_941, %get3A_942] : memref<3x1024x16xf32, #tpu.memory_space<vmem>>, vector<1x1024x16xf32>
    %get3A_944 = vector.shape_cast %get3A_943 : vector<1x1024x16xf32> to vector<1024x16xf32>
    %convert_element_type3A_945 = arith.truncf %get3A_944 : vector<1024x16xf32> to vector<1024x16xbf16>
    %dot_general3A_946 = arith.constant dense<0.000000e+00> : vector<1024x16xf32>
    %dot_general3A_947 = tpu.matmul %concatenate3A_939, %convert_element_type3A_945, %dot_general3A_946 {dimension_numbers = #tpu.dot_dimension_numbers<[1], [0], [0], [1], [0, 0, 1, 1], [], []>, transpose_lhs_hint = false} : vector<1024x1024xbf16>, vector<1024x16xbf16>, vector<1024x16xf32> -> vector<1024x16xf32>
    %get3A_948 = arith.constant 1 : index
    %get3A_949 = arith.constant 0 : index
    %get3A_950 = arith.constant 0 : index
    %get3A_951 = vector.load %arg12[%get3A_948, %get3A_949, %get3A_950] : memref<3x1x16xf32, #tpu.memory_space<vmem>>, vector<1x1x16xf32>
    %get3A_952 = vector.shape_cast %get3A_951 : vector<1x1x16xf32> to vector<1x16xf32>
    %add3A_953 = vector.broadcast %get3A_952 : vector<1x16xf32> to vector<1024x16xf32>
    %add3A_954 = arith.addf %dot_general3A_947, %add3A_953 : vector<1024x16xf32>
    %tanh3A_955 = math.tanh %add3A_954 : vector<1024x16xf32>
    %get3A_956 = arith.constant 0 : index
    %get3A_957 = arith.constant 0 : index
    %get3A_958 = vector.load %arg19[%get3A_956, %get3A_957] : memref<16x48xf32, #tpu.memory_space<vmem>>, vector<16x48xf32>
    %dot_general3A_959 = arith.constant dense<0.000000e+00> : vector<1024x48xf32>
    %dot_general3A_960 = tpu.matmul %tanh3A_955, %get3A_958, %dot_general3A_959 {dimension_numbers = #tpu.dot_dimension_numbers<[1], [0], [0], [1], [0, 0, 1, 1], [], []>, transpose_lhs_hint = false} : vector<1024x16xf32>, vector<16x48xf32>, vector<1024x48xf32> -> vector<1024x48xf32>
    %mul3A_961 = arith.mulf %dot_general3A_960, %reshape3A_22 : vector<1024x48xf32>
    %dot_general3A_962 = arith.constant dense<0.000000e+00> : vector<32x48xf32>
    %dot_general3A_963 = tpu.matmul %get3A_17, %mul3A_961, %dot_general3A_962 {dimension_numbers = #tpu.dot_dimension_numbers<[1], [0], [0], [1], [0, 0, 1, 1], [], []>, transpose_lhs_hint = false} : vector<32x1024xf32>, vector<1024x48xf32>, vector<32x48xf32> -> vector<32x48xf32>
    %mul3A_964 = arith.constant 3.125000e-02 : f32
    %mul3A_965 = vector.broadcast %mul3A_964 : f32 to vector<32x48xf32>
    %mul3A_966 = arith.mulf %dot_general3A_963, %mul3A_965 : vector<32x48xf32>
    %add3A_967 = arith.addf %add3A_479, %mul3A_966 : vector<32x48xf32>
    %concatenate3A_968 = tpu.concatenate %dot_general3A_581, %dot_general3A_632, %dot_general3A_683, %dot_general3A_734, %dot_general3A_785, %dot_general3A_836, %dot_general3A_887, %dot_general3A_938 in 0 : vector<32x128xf32>, vector<32x128xf32>, vector<32x128xf32>, vector<32x128xf32>, vector<32x128xf32>, vector<32x128xf32>, vector<32x128xf32>, vector<32x128xf32> -> vector<256x128xf32>
    %concatenate3A_969 = tpu.concatenate %add3A_516, %concatenate3A_968 in 1 : vector<256x128xf32>, vector<256x128xf32> -> vector<256x256xf32>
    %get3A_970 = arith.constant 1 : index
    %get3A_971 = arith.constant 0 : index
    %get3A_972 = arith.constant 0 : index
    %get3A_973 = vector.load %arg13[%get3A_970, %get3A_971, %get3A_972] : memref<3x256x128xf32, #tpu.memory_space<vmem>>, vector<1x256x128xf32>
    %get3A_974 = vector.shape_cast %get3A_973 : vector<1x256x128xf32> to vector<256x128xf32>
    %dot_general3A_975 = arith.constant dense<0.000000e+00> : vector<256x128xf32>
    %dot_general3A_976 = tpu.matmul %concatenate3A_969, %get3A_974, %dot_general3A_975 {dimension_numbers = #tpu.dot_dimension_numbers<[1], [0], [0], [1], [0, 0, 1, 1], [], []>, transpose_lhs_hint = false} : vector<256x256xf32>, vector<256x128xf32>, vector<256x128xf32> -> vector<256x128xf32>
    %get3A_977 = arith.constant 1 : index
    %get3A_978 = arith.constant 0 : index
    %get3A_979 = arith.constant 0 : index
    %get3A_980 = vector.load %arg14[%get3A_977, %get3A_978, %get3A_979] : memref<3x1x128xf32, #tpu.memory_space<vmem>>, vector<1x1x128xf32>
    %get3A_981 = vector.shape_cast %get3A_980 : vector<1x1x128xf32> to vector<1x128xf32>
    %add3A_982 = vector.broadcast %get3A_981 : vector<1x128xf32> to vector<256x128xf32>
    %add3A_983 = arith.addf %dot_general3A_976, %add3A_982 : vector<256x128xf32>
    %mul3A_984 = arith.constant 5.000000e-01 : f32
    %mul3A_985 = vector.broadcast %mul3A_984 : f32 to vector<256x128xf32>
    %mul3A_986 = arith.mulf %mul3A_985, %add3A_983 : vector<256x128xf32>
    %tanh3A_987 = math.tanh %mul3A_986 : vector<256x128xf32>
    %mul3A_988 = arith.mulf %mul3A_986, %tanh3A_987 : vector<256x128xf32>
    %add3A_989 = arith.addf %mul3A_986, %mul3A_988 : vector<256x128xf32>
    %get3A_990 = arith.constant 1 : index
    %get3A_991 = arith.constant 0 : index
    %get3A_992 = arith.constant 0 : index
    %get3A_993 = vector.load %arg15[%get3A_990, %get3A_991, %get3A_992] : memref<3x128x128xf32, #tpu.memory_space<vmem>>, vector<1x128x128xf32>
    %get3A_994 = vector.shape_cast %get3A_993 : vector<1x128x128xf32> to vector<128x128xf32>
    %dot_general3A_995 = arith.constant dense<0.000000e+00> : vector<256x128xf32>
    %dot_general3A_996 = tpu.matmul %add3A_989, %get3A_994, %dot_general3A_995 {dimension_numbers = #tpu.dot_dimension_numbers<[1], [0], [0], [1], [0, 0, 1, 1], [], []>, transpose_lhs_hint = false} : vector<256x128xf32>, vector<128x128xf32>, vector<256x128xf32> -> vector<256x128xf32>
    %get3A_997 = arith.constant 1 : index
    %get3A_998 = arith.constant 0 : index
    %get3A_999 = arith.constant 0 : index
    %get3A_1000 = vector.load %arg16[%get3A_997, %get3A_998, %get3A_999] : memref<3x1x128xf32, #tpu.memory_space<vmem>>, vector<1x1x128xf32>
    %get3A_1001 = vector.shape_cast %get3A_1000 : vector<1x1x128xf32> to vector<1x128xf32>
    %add3A_1002 = vector.broadcast %get3A_1001 : vector<1x128xf32> to vector<256x128xf32>
    %add3A_1003 = arith.addf %dot_general3A_996, %add3A_1002 : vector<256x128xf32>
    %add3A_1004 = arith.addf %add3A_516, %add3A_1003 : vector<256x128xf32>
    %get3A_1005 = arith.constant 2 : index
    %get3A_1006 = arith.constant 0 : index
    %get3A_1007 = arith.constant 0 : index
    %get3A_1008 = vector.load %arg5[%get3A_1005, %get3A_1006, %get3A_1007] : memref<3x128x128xf32, #tpu.memory_space<vmem>>, vector<1x128x128xf32>
    %get3A_1009 = vector.shape_cast %get3A_1008 : vector<1x128x128xf32> to vector<128x128xf32>
    %dot_general3A_1010 = arith.constant dense<0.000000e+00> : vector<256x128xf32>
    %dot_general3A_1011 = tpu.matmul %add3A_1004, %get3A_1009, %dot_general3A_1010 {dimension_numbers = #tpu.dot_dimension_numbers<[1], [0], [0], [1], [0, 0, 1, 1], [], []>, transpose_lhs_hint = false} : vector<256x128xf32>, vector<128x128xf32>, vector<256x128xf32> -> vector<256x128xf32>
    %get3A_1012 = arith.constant 2 : index
    %get3A_1013 = arith.constant 0 : index
    %get3A_1014 = arith.constant 0 : index
    %get3A_1015 = vector.load %arg6[%get3A_1012, %get3A_1013, %get3A_1014] : memref<3x128x128xf32, #tpu.memory_space<vmem>>, vector<1x128x128xf32>
    %get3A_1016 = vector.shape_cast %get3A_1015 : vector<1x128x128xf32> to vector<128x128xf32>
    %dot_general3A_1017 = arith.constant dense<0.000000e+00> : vector<256x128xf32>
    %dot_general3A_1018 = tpu.matmul %add3A_1004, %get3A_1016, %dot_general3A_1017 {dimension_numbers = #tpu.dot_dimension_numbers<[1], [0], [0], [1], [0, 0, 1, 1], [], []>, transpose_lhs_hint = false} : vector<256x128xf32>, vector<128x128xf32>, vector<256x128xf32> -> vector<256x128xf32>
    %slice3A_1019 = vector.extract_strided_slice %dot_general3A_1011 {offsets = [0, 0], sizes = [32, 128], strides = [1, 1]} : vector<256x128xf32> to vector<32x128xf32>
    %slice3A_1020 = vector.extract_strided_slice %dot_general3A_1018 {offsets = [0, 0], sizes = [32, 128], strides = [1, 1]} : vector<256x128xf32> to vector<32x128xf32>
    %get3A_1021 = arith.constant 2 : index
    %get3A_1022 = arith.constant 0 : index
    %get3A_1023 = arith.constant 0 : index
    %get3A_1024 = arith.constant 0 : index
    %get3A_1025 = vector.load %arg7[%get3A_1021, %get3A_1022, %get3A_1023, %get3A_1024] : memref<3x8x16x128xf32, #tpu.memory_space<vmem>>, vector<1x1x16x128xf32>
    %get3A_1026 = vector.shape_cast %get3A_1025 : vector<1x1x16x128xf32> to vector<16x128xf32>
    %get3A_1027 = arith.constant 2 : index
    %get3A_1028 = arith.constant 0 : index
    %get3A_1029 = arith.constant 0 : index
    %get3A_1030 = vector.load %arg8[%get3A_1027, %get3A_1028, %get3A_1029] : memref<3x1x128xf32, #tpu.memory_space<vmem>>, vector<1x1x128xf32>
    %get3A_1031 = vector.shape_cast %get3A_1030 : vector<1x1x128xf32> to vector<1x128xf32>
    %concatenate3A_1032 = tpu.concatenate %slice3A_1019, %slice3A_1020, %get3A_1026, %get3A_1031 in 0 : vector<32x128xf32>, vector<32x128xf32>, vector<16x128xf32>, vector<1x128xf32> -> vector<81x128xf32>
    %convert_element_type3A_1033 = arith.truncf %concatenate3A_30 : vector<1024x81xf32> to vector<1024x81xbf16>
    %convert_element_type3A_1034 = arith.truncf %concatenate3A_1032 : vector<81x128xf32> to vector<81x128xbf16>
    %dot_general3A_1035 = arith.constant dense<0.000000e+00> : vector<1024x128xf32>
    %dot_general3A_1036 = tpu.matmul %convert_element_type3A_1033, %convert_element_type3A_1034, %dot_general3A_1035 {dimension_numbers = #tpu.dot_dimension_numbers<[1], [0], [0], [1], [0, 0, 1, 1], [], []>, transpose_lhs_hint = false} : vector<1024x81xbf16>, vector<81x128xbf16>, vector<1024x128xf32> -> vector<1024x128xf32>
    %convert_element_type3A_1037 = arith.truncf %dot_general3A_1036 : vector<1024x128xf32> to vector<1024x128xbf16>
    %mul3A_1038 = arith.constant 5.000000e-01 : bf16
    %mul3A_1039 = vector.broadcast %mul3A_1038 : bf16 to vector<1024x128xbf16>
    %mul3A_1040 = arith.mulf %mul3A_1039, %convert_element_type3A_1037 : vector<1024x128xbf16>
    %tanh3A_1041 = math.tanh %mul3A_1040 : vector<1024x128xbf16>
    %mul3A_1042 = arith.mulf %mul3A_1040, %tanh3A_1041 : vector<1024x128xbf16>
    %add3A_1043 = arith.addf %mul3A_1040, %mul3A_1042 : vector<1024x128xbf16>
    %get3A_1044 = arith.constant 2 : index
    %get3A_1045 = arith.constant 0 : index
    %get3A_1046 = arith.constant 0 : index
    %get3A_1047 = vector.load %arg9[%get3A_1044, %get3A_1045, %get3A_1046] : memref<3x128x128xf32, #tpu.memory_space<vmem>>, vector<1x128x128xf32>
    %get3A_1048 = vector.shape_cast %get3A_1047 : vector<1x128x128xf32> to vector<128x128xf32>
    %convert_element_type3A_1049 = arith.truncf %get3A_1048 : vector<128x128xf32> to vector<128x128xbf16>
    %dot_general3A_1050 = arith.constant dense<0.000000e+00> : vector<1024x128xf32>
    %dot_general3A_1051 = tpu.matmul %add3A_1043, %convert_element_type3A_1049, %dot_general3A_1050 {dimension_numbers = #tpu.dot_dimension_numbers<[1], [0], [0], [1], [0, 0, 1, 1], [], []>, transpose_lhs_hint = false} : vector<1024x128xbf16>, vector<128x128xbf16>, vector<1024x128xf32> -> vector<1024x128xf32>
    %convert_element_type3A_1052 = arith.truncf %dot_general3A_1051 : vector<1024x128xf32> to vector<1024x128xbf16>
    %get3A_1053 = arith.constant 2 : index
    %get3A_1054 = arith.constant 0 : index
    %get3A_1055 = arith.constant 0 : index
    %get3A_1056 = vector.load %arg10[%get3A_1053, %get3A_1054, %get3A_1055] : memref<3x1x128xf32, #tpu.memory_space<vmem>>, vector<1x1x128xf32>
    %get3A_1057 = vector.shape_cast %get3A_1056 : vector<1x1x128xf32> to vector<1x128xf32>
    %convert_element_type3A_1058 = arith.truncf %get3A_1057 : vector<1x128xf32> to vector<1x128xbf16>
    %add3A_1059 = vector.broadcast %convert_element_type3A_1058 : vector<1x128xbf16> to vector<1024x128xbf16>
    %add3A_1060 = arith.addf %convert_element_type3A_1052, %add3A_1059 : vector<1024x128xbf16>
    %mul3A_1061 = arith.constant 5.000000e-01 : bf16
    %mul3A_1062 = vector.broadcast %mul3A_1061 : bf16 to vector<1024x128xbf16>
    %mul3A_1063 = arith.mulf %mul3A_1062, %add3A_1060 : vector<1024x128xbf16>
    %tanh3A_1064 = math.tanh %mul3A_1063 : vector<1024x128xbf16>
    %mul3A_1065 = arith.mulf %mul3A_1063, %tanh3A_1064 : vector<1024x128xbf16>
    %add3A_1066 = arith.addf %mul3A_1063, %mul3A_1065 : vector<1024x128xbf16>
    %slice3A_1067 = vector.extract_strided_slice %dot_general3A_1011 {offsets = [32, 0], sizes = [32, 128], strides = [1, 1]} : vector<256x128xf32> to vector<32x128xf32>
    %slice3A_1068 = vector.extract_strided_slice %dot_general3A_1018 {offsets = [32, 0], sizes = [32, 128], strides = [1, 1]} : vector<256x128xf32> to vector<32x128xf32>
    %get3A_1069 = arith.constant 2 : index
    %get3A_1070 = arith.constant 1 : index
    %get3A_1071 = arith.constant 0 : index
    %get3A_1072 = arith.constant 0 : index
    %get3A_1073 = vector.load %arg7[%get3A_1069, %get3A_1070, %get3A_1071, %get3A_1072] : memref<3x8x16x128xf32, #tpu.memory_space<vmem>>, vector<1x1x16x128xf32>
    %get3A_1074 = vector.shape_cast %get3A_1073 : vector<1x1x16x128xf32> to vector<16x128xf32>
    %get3A_1075 = arith.constant 2 : index
    %get3A_1076 = arith.constant 0 : index
    %get3A_1077 = arith.constant 0 : index
    %get3A_1078 = vector.load %arg8[%get3A_1075, %get3A_1076, %get3A_1077] : memref<3x1x128xf32, #tpu.memory_space<vmem>>, vector<1x1x128xf32>
    %get3A_1079 = vector.shape_cast %get3A_1078 : vector<1x1x128xf32> to vector<1x128xf32>
    %concatenate3A_1080 = tpu.concatenate %slice3A_1067, %slice3A_1068, %get3A_1074, %get3A_1079 in 0 : vector<32x128xf32>, vector<32x128xf32>, vector<16x128xf32>, vector<1x128xf32> -> vector<81x128xf32>
    %convert_element_type3A_1081 = arith.truncf %concatenate3A_30 : vector<1024x81xf32> to vector<1024x81xbf16>
    %convert_element_type3A_1082 = arith.truncf %concatenate3A_1080 : vector<81x128xf32> to vector<81x128xbf16>
    %dot_general3A_1083 = arith.constant dense<0.000000e+00> : vector<1024x128xf32>
    %dot_general3A_1084 = tpu.matmul %convert_element_type3A_1081, %convert_element_type3A_1082, %dot_general3A_1083 {dimension_numbers = #tpu.dot_dimension_numbers<[1], [0], [0], [1], [0, 0, 1, 1], [], []>, transpose_lhs_hint = false} : vector<1024x81xbf16>, vector<81x128xbf16>, vector<1024x128xf32> -> vector<1024x128xf32>
    %convert_element_type3A_1085 = arith.truncf %dot_general3A_1084 : vector<1024x128xf32> to vector<1024x128xbf16>
    %mul3A_1086 = arith.constant 5.000000e-01 : bf16
    %mul3A_1087 = vector.broadcast %mul3A_1086 : bf16 to vector<1024x128xbf16>
    %mul3A_1088 = arith.mulf %mul3A_1087, %convert_element_type3A_1085 : vector<1024x128xbf16>
    %tanh3A_1089 = math.tanh %mul3A_1088 : vector<1024x128xbf16>
    %mul3A_1090 = arith.mulf %mul3A_1088, %tanh3A_1089 : vector<1024x128xbf16>
    %add3A_1091 = arith.addf %mul3A_1088, %mul3A_1090 : vector<1024x128xbf16>
    %get3A_1092 = arith.constant 2 : index
    %get3A_1093 = arith.constant 0 : index
    %get3A_1094 = arith.constant 0 : index
    %get3A_1095 = vector.load %arg9[%get3A_1092, %get3A_1093, %get3A_1094] : memref<3x128x128xf32, #tpu.memory_space<vmem>>, vector<1x128x128xf32>
    %get3A_1096 = vector.shape_cast %get3A_1095 : vector<1x128x128xf32> to vector<128x128xf32>
    %convert_element_type3A_1097 = arith.truncf %get3A_1096 : vector<128x128xf32> to vector<128x128xbf16>
    %dot_general3A_1098 = arith.constant dense<0.000000e+00> : vector<1024x128xf32>
    %dot_general3A_1099 = tpu.matmul %add3A_1091, %convert_element_type3A_1097, %dot_general3A_1098 {dimension_numbers = #tpu.dot_dimension_numbers<[1], [0], [0], [1], [0, 0, 1, 1], [], []>, transpose_lhs_hint = false} : vector<1024x128xbf16>, vector<128x128xbf16>, vector<1024x128xf32> -> vector<1024x128xf32>
    %convert_element_type3A_1100 = arith.truncf %dot_general3A_1099 : vector<1024x128xf32> to vector<1024x128xbf16>
    %get3A_1101 = arith.constant 2 : index
    %get3A_1102 = arith.constant 0 : index
    %get3A_1103 = arith.constant 0 : index
    %get3A_1104 = vector.load %arg10[%get3A_1101, %get3A_1102, %get3A_1103] : memref<3x1x128xf32, #tpu.memory_space<vmem>>, vector<1x1x128xf32>
    %get3A_1105 = vector.shape_cast %get3A_1104 : vector<1x1x128xf32> to vector<1x128xf32>
    %convert_element_type3A_1106 = arith.truncf %get3A_1105 : vector<1x128xf32> to vector<1x128xbf16>
    %add3A_1107 = vector.broadcast %convert_element_type3A_1106 : vector<1x128xbf16> to vector<1024x128xbf16>
    %add3A_1108 = arith.addf %convert_element_type3A_1100, %add3A_1107 : vector<1024x128xbf16>
    %mul3A_1109 = arith.constant 5.000000e-01 : bf16
    %mul3A_1110 = vector.broadcast %mul3A_1109 : bf16 to vector<1024x128xbf16>
    %mul3A_1111 = arith.mulf %mul3A_1110, %add3A_1108 : vector<1024x128xbf16>
    %tanh3A_1112 = math.tanh %mul3A_1111 : vector<1024x128xbf16>
    %mul3A_1113 = arith.mulf %mul3A_1111, %tanh3A_1112 : vector<1024x128xbf16>
    %add3A_1114 = arith.addf %mul3A_1111, %mul3A_1113 : vector<1024x128xbf16>
    %slice3A_1115 = vector.extract_strided_slice %dot_general3A_1011 {offsets = [64, 0], sizes = [32, 128], strides = [1, 1]} : vector<256x128xf32> to vector<32x128xf32>
    %slice3A_1116 = vector.extract_strided_slice %dot_general3A_1018 {offsets = [64, 0], sizes = [32, 128], strides = [1, 1]} : vector<256x128xf32> to vector<32x128xf32>
    %get3A_1117 = arith.constant 2 : index
    %get3A_1118 = arith.constant 2 : index
    %get3A_1119 = arith.constant 0 : index
    %get3A_1120 = arith.constant 0 : index
    %get3A_1121 = vector.load %arg7[%get3A_1117, %get3A_1118, %get3A_1119, %get3A_1120] : memref<3x8x16x128xf32, #tpu.memory_space<vmem>>, vector<1x1x16x128xf32>
    %get3A_1122 = vector.shape_cast %get3A_1121 : vector<1x1x16x128xf32> to vector<16x128xf32>
    %get3A_1123 = arith.constant 2 : index
    %get3A_1124 = arith.constant 0 : index
    %get3A_1125 = arith.constant 0 : index
    %get3A_1126 = vector.load %arg8[%get3A_1123, %get3A_1124, %get3A_1125] : memref<3x1x128xf32, #tpu.memory_space<vmem>>, vector<1x1x128xf32>
    %get3A_1127 = vector.shape_cast %get3A_1126 : vector<1x1x128xf32> to vector<1x128xf32>
    %concatenate3A_1128 = tpu.concatenate %slice3A_1115, %slice3A_1116, %get3A_1122, %get3A_1127 in 0 : vector<32x128xf32>, vector<32x128xf32>, vector<16x128xf32>, vector<1x128xf32> -> vector<81x128xf32>
    %convert_element_type3A_1129 = arith.truncf %concatenate3A_30 : vector<1024x81xf32> to vector<1024x81xbf16>
    %convert_element_type3A_1130 = arith.truncf %concatenate3A_1128 : vector<81x128xf32> to vector<81x128xbf16>
    %dot_general3A_1131 = arith.constant dense<0.000000e+00> : vector<1024x128xf32>
    %dot_general3A_1132 = tpu.matmul %convert_element_type3A_1129, %convert_element_type3A_1130, %dot_general3A_1131 {dimension_numbers = #tpu.dot_dimension_numbers<[1], [0], [0], [1], [0, 0, 1, 1], [], []>, transpose_lhs_hint = false} : vector<1024x81xbf16>, vector<81x128xbf16>, vector<1024x128xf32> -> vector<1024x128xf32>
    %convert_element_type3A_1133 = arith.truncf %dot_general3A_1132 : vector<1024x128xf32> to vector<1024x128xbf16>
    %mul3A_1134 = arith.constant 5.000000e-01 : bf16
    %mul3A_1135 = vector.broadcast %mul3A_1134 : bf16 to vector<1024x128xbf16>
    %mul3A_1136 = arith.mulf %mul3A_1135, %convert_element_type3A_1133 : vector<1024x128xbf16>
    %tanh3A_1137 = math.tanh %mul3A_1136 : vector<1024x128xbf16>
    %mul3A_1138 = arith.mulf %mul3A_1136, %tanh3A_1137 : vector<1024x128xbf16>
    %add3A_1139 = arith.addf %mul3A_1136, %mul3A_1138 : vector<1024x128xbf16>
    %get3A_1140 = arith.constant 2 : index
    %get3A_1141 = arith.constant 0 : index
    %get3A_1142 = arith.constant 0 : index
    %get3A_1143 = vector.load %arg9[%get3A_1140, %get3A_1141, %get3A_1142] : memref<3x128x128xf32, #tpu.memory_space<vmem>>, vector<1x128x128xf32>
    %get3A_1144 = vector.shape_cast %get3A_1143 : vector<1x128x128xf32> to vector<128x128xf32>
    %convert_element_type3A_1145 = arith.truncf %get3A_1144 : vector<128x128xf32> to vector<128x128xbf16>
    %dot_general3A_1146 = arith.constant dense<0.000000e+00> : vector<1024x128xf32>
    %dot_general3A_1147 = tpu.matmul %add3A_1139, %convert_element_type3A_1145, %dot_general3A_1146 {dimension_numbers = #tpu.dot_dimension_numbers<[1], [0], [0], [1], [0, 0, 1, 1], [], []>, transpose_lhs_hint = false} : vector<1024x128xbf16>, vector<128x128xbf16>, vector<1024x128xf32> -> vector<1024x128xf32>
    %convert_element_type3A_1148 = arith.truncf %dot_general3A_1147 : vector<1024x128xf32> to vector<1024x128xbf16>
    %get3A_1149 = arith.constant 2 : index
    %get3A_1150 = arith.constant 0 : index
    %get3A_1151 = arith.constant 0 : index
    %get3A_1152 = vector.load %arg10[%get3A_1149, %get3A_1150, %get3A_1151] : memref<3x1x128xf32, #tpu.memory_space<vmem>>, vector<1x1x128xf32>
    %get3A_1153 = vector.shape_cast %get3A_1152 : vector<1x1x128xf32> to vector<1x128xf32>
    %convert_element_type3A_1154 = arith.truncf %get3A_1153 : vector<1x128xf32> to vector<1x128xbf16>
    %add3A_1155 = vector.broadcast %convert_element_type3A_1154 : vector<1x128xbf16> to vector<1024x128xbf16>
    %add3A_1156 = arith.addf %convert_element_type3A_1148, %add3A_1155 : vector<1024x128xbf16>
    %mul3A_1157 = arith.constant 5.000000e-01 : bf16
    %mul3A_1158 = vector.broadcast %mul3A_1157 : bf16 to vector<1024x128xbf16>
    %mul3A_1159 = arith.mulf %mul3A_1158, %add3A_1156 : vector<1024x128xbf16>
    %tanh3A_1160 = math.tanh %mul3A_1159 : vector<1024x128xbf16>
    %mul3A_1161 = arith.mulf %mul3A_1159, %tanh3A_1160 : vector<1024x128xbf16>
    %add3A_1162 = arith.addf %mul3A_1159, %mul3A_1161 : vector<1024x128xbf16>
    %slice3A_1163 = vector.extract_strided_slice %dot_general3A_1011 {offsets = [96, 0], sizes = [32, 128], strides = [1, 1]} : vector<256x128xf32> to vector<32x128xf32>
    %slice3A_1164 = vector.extract_strided_slice %dot_general3A_1018 {offsets = [96, 0], sizes = [32, 128], strides = [1, 1]} : vector<256x128xf32> to vector<32x128xf32>
    %get3A_1165 = arith.constant 2 : index
    %get3A_1166 = arith.constant 3 : index
    %get3A_1167 = arith.constant 0 : index
    %get3A_1168 = arith.constant 0 : index
    %get3A_1169 = vector.load %arg7[%get3A_1165, %get3A_1166, %get3A_1167, %get3A_1168] : memref<3x8x16x128xf32, #tpu.memory_space<vmem>>, vector<1x1x16x128xf32>
    %get3A_1170 = vector.shape_cast %get3A_1169 : vector<1x1x16x128xf32> to vector<16x128xf32>
    %get3A_1171 = arith.constant 2 : index
    %get3A_1172 = arith.constant 0 : index
    %get3A_1173 = arith.constant 0 : index
    %get3A_1174 = vector.load %arg8[%get3A_1171, %get3A_1172, %get3A_1173] : memref<3x1x128xf32, #tpu.memory_space<vmem>>, vector<1x1x128xf32>
    %get3A_1175 = vector.shape_cast %get3A_1174 : vector<1x1x128xf32> to vector<1x128xf32>
    %concatenate3A_1176 = tpu.concatenate %slice3A_1163, %slice3A_1164, %get3A_1170, %get3A_1175 in 0 : vector<32x128xf32>, vector<32x128xf32>, vector<16x128xf32>, vector<1x128xf32> -> vector<81x128xf32>
    %convert_element_type3A_1177 = arith.truncf %concatenate3A_30 : vector<1024x81xf32> to vector<1024x81xbf16>
    %convert_element_type3A_1178 = arith.truncf %concatenate3A_1176 : vector<81x128xf32> to vector<81x128xbf16>
    %dot_general3A_1179 = arith.constant dense<0.000000e+00> : vector<1024x128xf32>
    %dot_general3A_1180 = tpu.matmul %convert_element_type3A_1177, %convert_element_type3A_1178, %dot_general3A_1179 {dimension_numbers = #tpu.dot_dimension_numbers<[1], [0], [0], [1], [0, 0, 1, 1], [], []>, transpose_lhs_hint = false} : vector<1024x81xbf16>, vector<81x128xbf16>, vector<1024x128xf32> -> vector<1024x128xf32>
    %convert_element_type3A_1181 = arith.truncf %dot_general3A_1180 : vector<1024x128xf32> to vector<1024x128xbf16>
    %mul3A_1182 = arith.constant 5.000000e-01 : bf16
    %mul3A_1183 = vector.broadcast %mul3A_1182 : bf16 to vector<1024x128xbf16>
    %mul3A_1184 = arith.mulf %mul3A_1183, %convert_element_type3A_1181 : vector<1024x128xbf16>
    %tanh3A_1185 = math.tanh %mul3A_1184 : vector<1024x128xbf16>
    %mul3A_1186 = arith.mulf %mul3A_1184, %tanh3A_1185 : vector<1024x128xbf16>
    %add3A_1187 = arith.addf %mul3A_1184, %mul3A_1186 : vector<1024x128xbf16>
    %get3A_1188 = arith.constant 2 : index
    %get3A_1189 = arith.constant 0 : index
    %get3A_1190 = arith.constant 0 : index
    %get3A_1191 = vector.load %arg9[%get3A_1188, %get3A_1189, %get3A_1190] : memref<3x128x128xf32, #tpu.memory_space<vmem>>, vector<1x128x128xf32>
    %get3A_1192 = vector.shape_cast %get3A_1191 : vector<1x128x128xf32> to vector<128x128xf32>
    %convert_element_type3A_1193 = arith.truncf %get3A_1192 : vector<128x128xf32> to vector<128x128xbf16>
    %dot_general3A_1194 = arith.constant dense<0.000000e+00> : vector<1024x128xf32>
    %dot_general3A_1195 = tpu.matmul %add3A_1187, %convert_element_type3A_1193, %dot_general3A_1194 {dimension_numbers = #tpu.dot_dimension_numbers<[1], [0], [0], [1], [0, 0, 1, 1], [], []>, transpose_lhs_hint = false} : vector<1024x128xbf16>, vector<128x128xbf16>, vector<1024x128xf32> -> vector<1024x128xf32>
    %convert_element_type3A_1196 = arith.truncf %dot_general3A_1195 : vector<1024x128xf32> to vector<1024x128xbf16>
    %get3A_1197 = arith.constant 2 : index
    %get3A_1198 = arith.constant 0 : index
    %get3A_1199 = arith.constant 0 : index
    %get3A_1200 = vector.load %arg10[%get3A_1197, %get3A_1198, %get3A_1199] : memref<3x1x128xf32, #tpu.memory_space<vmem>>, vector<1x1x128xf32>
    %get3A_1201 = vector.shape_cast %get3A_1200 : vector<1x1x128xf32> to vector<1x128xf32>
    %convert_element_type3A_1202 = arith.truncf %get3A_1201 : vector<1x128xf32> to vector<1x128xbf16>
    %add3A_1203 = vector.broadcast %convert_element_type3A_1202 : vector<1x128xbf16> to vector<1024x128xbf16>
    %add3A_1204 = arith.addf %convert_element_type3A_1196, %add3A_1203 : vector<1024x128xbf16>
    %mul3A_1205 = arith.constant 5.000000e-01 : bf16
    %mul3A_1206 = vector.broadcast %mul3A_1205 : bf16 to vector<1024x128xbf16>
    %mul3A_1207 = arith.mulf %mul3A_1206, %add3A_1204 : vector<1024x128xbf16>
    %tanh3A_1208 = math.tanh %mul3A_1207 : vector<1024x128xbf16>
    %mul3A_1209 = arith.mulf %mul3A_1207, %tanh3A_1208 : vector<1024x128xbf16>
    %add3A_1210 = arith.addf %mul3A_1207, %mul3A_1209 : vector<1024x128xbf16>
    %slice3A_1211 = vector.extract_strided_slice %dot_general3A_1011 {offsets = [128, 0], sizes = [32, 128], strides = [1, 1]} : vector<256x128xf32> to vector<32x128xf32>
    %slice3A_1212 = vector.extract_strided_slice %dot_general3A_1018 {offsets = [128, 0], sizes = [32, 128], strides = [1, 1]} : vector<256x128xf32> to vector<32x128xf32>
    %get3A_1213 = arith.constant 2 : index
    %get3A_1214 = arith.constant 4 : index
    %get3A_1215 = arith.constant 0 : index
    %get3A_1216 = arith.constant 0 : index
    %get3A_1217 = vector.load %arg7[%get3A_1213, %get3A_1214, %get3A_1215, %get3A_1216] : memref<3x8x16x128xf32, #tpu.memory_space<vmem>>, vector<1x1x16x128xf32>
    %get3A_1218 = vector.shape_cast %get3A_1217 : vector<1x1x16x128xf32> to vector<16x128xf32>
    %get3A_1219 = arith.constant 2 : index
    %get3A_1220 = arith.constant 0 : index
    %get3A_1221 = arith.constant 0 : index
    %get3A_1222 = vector.load %arg8[%get3A_1219, %get3A_1220, %get3A_1221] : memref<3x1x128xf32, #tpu.memory_space<vmem>>, vector<1x1x128xf32>
    %get3A_1223 = vector.shape_cast %get3A_1222 : vector<1x1x128xf32> to vector<1x128xf32>
    %concatenate3A_1224 = tpu.concatenate %slice3A_1211, %slice3A_1212, %get3A_1218, %get3A_1223 in 0 : vector<32x128xf32>, vector<32x128xf32>, vector<16x128xf32>, vector<1x128xf32> -> vector<81x128xf32>
    %convert_element_type3A_1225 = arith.truncf %concatenate3A_30 : vector<1024x81xf32> to vector<1024x81xbf16>
    %convert_element_type3A_1226 = arith.truncf %concatenate3A_1224 : vector<81x128xf32> to vector<81x128xbf16>
    %dot_general3A_1227 = arith.constant dense<0.000000e+00> : vector<1024x128xf32>
    %dot_general3A_1228 = tpu.matmul %convert_element_type3A_1225, %convert_element_type3A_1226, %dot_general3A_1227 {dimension_numbers = #tpu.dot_dimension_numbers<[1], [0], [0], [1], [0, 0, 1, 1], [], []>, transpose_lhs_hint = false} : vector<1024x81xbf16>, vector<81x128xbf16>, vector<1024x128xf32> -> vector<1024x128xf32>
    %convert_element_type3A_1229 = arith.truncf %dot_general3A_1228 : vector<1024x128xf32> to vector<1024x128xbf16>
    %mul3A_1230 = arith.constant 5.000000e-01 : bf16
    %mul3A_1231 = vector.broadcast %mul3A_1230 : bf16 to vector<1024x128xbf16>
    %mul3A_1232 = arith.mulf %mul3A_1231, %convert_element_type3A_1229 : vector<1024x128xbf16>
    %tanh3A_1233 = math.tanh %mul3A_1232 : vector<1024x128xbf16>
    %mul3A_1234 = arith.mulf %mul3A_1232, %tanh3A_1233 : vector<1024x128xbf16>
    %add3A_1235 = arith.addf %mul3A_1232, %mul3A_1234 : vector<1024x128xbf16>
    %get3A_1236 = arith.constant 2 : index
    %get3A_1237 = arith.constant 0 : index
    %get3A_1238 = arith.constant 0 : index
    %get3A_1239 = vector.load %arg9[%get3A_1236, %get3A_1237, %get3A_1238] : memref<3x128x128xf32, #tpu.memory_space<vmem>>, vector<1x128x128xf32>
    %get3A_1240 = vector.shape_cast %get3A_1239 : vector<1x128x128xf32> to vector<128x128xf32>
    %convert_element_type3A_1241 = arith.truncf %get3A_1240 : vector<128x128xf32> to vector<128x128xbf16>
    %dot_general3A_1242 = arith.constant dense<0.000000e+00> : vector<1024x128xf32>
    %dot_general3A_1243 = tpu.matmul %add3A_1235, %convert_element_type3A_1241, %dot_general3A_1242 {dimension_numbers = #tpu.dot_dimension_numbers<[1], [0], [0], [1], [0, 0, 1, 1], [], []>, transpose_lhs_hint = false} : vector<1024x128xbf16>, vector<128x128xbf16>, vector<1024x128xf32> -> vector<1024x128xf32>
    %convert_element_type3A_1244 = arith.truncf %dot_general3A_1243 : vector<1024x128xf32> to vector<1024x128xbf16>
    %get3A_1245 = arith.constant 2 : index
    %get3A_1246 = arith.constant 0 : index
    %get3A_1247 = arith.constant 0 : index
    %get3A_1248 = vector.load %arg10[%get3A_1245, %get3A_1246, %get3A_1247] : memref<3x1x128xf32, #tpu.memory_space<vmem>>, vector<1x1x128xf32>
    %get3A_1249 = vector.shape_cast %get3A_1248 : vector<1x1x128xf32> to vector<1x128xf32>
    %convert_element_type3A_1250 = arith.truncf %get3A_1249 : vector<1x128xf32> to vector<1x128xbf16>
    %add3A_1251 = vector.broadcast %convert_element_type3A_1250 : vector<1x128xbf16> to vector<1024x128xbf16>
    %add3A_1252 = arith.addf %convert_element_type3A_1244, %add3A_1251 : vector<1024x128xbf16>
    %mul3A_1253 = arith.constant 5.000000e-01 : bf16
    %mul3A_1254 = vector.broadcast %mul3A_1253 : bf16 to vector<1024x128xbf16>
    %mul3A_1255 = arith.mulf %mul3A_1254, %add3A_1252 : vector<1024x128xbf16>
    %tanh3A_1256 = math.tanh %mul3A_1255 : vector<1024x128xbf16>
    %mul3A_1257 = arith.mulf %mul3A_1255, %tanh3A_1256 : vector<1024x128xbf16>
    %add3A_1258 = arith.addf %mul3A_1255, %mul3A_1257 : vector<1024x128xbf16>
    %slice3A_1259 = vector.extract_strided_slice %dot_general3A_1011 {offsets = [160, 0], sizes = [32, 128], strides = [1, 1]} : vector<256x128xf32> to vector<32x128xf32>
    %slice3A_1260 = vector.extract_strided_slice %dot_general3A_1018 {offsets = [160, 0], sizes = [32, 128], strides = [1, 1]} : vector<256x128xf32> to vector<32x128xf32>
    %get3A_1261 = arith.constant 2 : index
    %get3A_1262 = arith.constant 5 : index
    %get3A_1263 = arith.constant 0 : index
    %get3A_1264 = arith.constant 0 : index
    %get3A_1265 = vector.load %arg7[%get3A_1261, %get3A_1262, %get3A_1263, %get3A_1264] : memref<3x8x16x128xf32, #tpu.memory_space<vmem>>, vector<1x1x16x128xf32>
    %get3A_1266 = vector.shape_cast %get3A_1265 : vector<1x1x16x128xf32> to vector<16x128xf32>
    %get3A_1267 = arith.constant 2 : index
    %get3A_1268 = arith.constant 0 : index
    %get3A_1269 = arith.constant 0 : index
    %get3A_1270 = vector.load %arg8[%get3A_1267, %get3A_1268, %get3A_1269] : memref<3x1x128xf32, #tpu.memory_space<vmem>>, vector<1x1x128xf32>
    %get3A_1271 = vector.shape_cast %get3A_1270 : vector<1x1x128xf32> to vector<1x128xf32>
    %concatenate3A_1272 = tpu.concatenate %slice3A_1259, %slice3A_1260, %get3A_1266, %get3A_1271 in 0 : vector<32x128xf32>, vector<32x128xf32>, vector<16x128xf32>, vector<1x128xf32> -> vector<81x128xf32>
    %convert_element_type3A_1273 = arith.truncf %concatenate3A_30 : vector<1024x81xf32> to vector<1024x81xbf16>
    %convert_element_type3A_1274 = arith.truncf %concatenate3A_1272 : vector<81x128xf32> to vector<81x128xbf16>
    %dot_general3A_1275 = arith.constant dense<0.000000e+00> : vector<1024x128xf32>
    %dot_general3A_1276 = tpu.matmul %convert_element_type3A_1273, %convert_element_type3A_1274, %dot_general3A_1275 {dimension_numbers = #tpu.dot_dimension_numbers<[1], [0], [0], [1], [0, 0, 1, 1], [], []>, transpose_lhs_hint = false} : vector<1024x81xbf16>, vector<81x128xbf16>, vector<1024x128xf32> -> vector<1024x128xf32>
    %convert_element_type3A_1277 = arith.truncf %dot_general3A_1276 : vector<1024x128xf32> to vector<1024x128xbf16>
    %mul3A_1278 = arith.constant 5.000000e-01 : bf16
    %mul3A_1279 = vector.broadcast %mul3A_1278 : bf16 to vector<1024x128xbf16>
    %mul3A_1280 = arith.mulf %mul3A_1279, %convert_element_type3A_1277 : vector<1024x128xbf16>
    %tanh3A_1281 = math.tanh %mul3A_1280 : vector<1024x128xbf16>
    %mul3A_1282 = arith.mulf %mul3A_1280, %tanh3A_1281 : vector<1024x128xbf16>
    %add3A_1283 = arith.addf %mul3A_1280, %mul3A_1282 : vector<1024x128xbf16>
    %get3A_1284 = arith.constant 2 : index
    %get3A_1285 = arith.constant 0 : index
    %get3A_1286 = arith.constant 0 : index
    %get3A_1287 = vector.load %arg9[%get3A_1284, %get3A_1285, %get3A_1286] : memref<3x128x128xf32, #tpu.memory_space<vmem>>, vector<1x128x128xf32>
    %get3A_1288 = vector.shape_cast %get3A_1287 : vector<1x128x128xf32> to vector<128x128xf32>
    %convert_element_type3A_1289 = arith.truncf %get3A_1288 : vector<128x128xf32> to vector<128x128xbf16>
    %dot_general3A_1290 = arith.constant dense<0.000000e+00> : vector<1024x128xf32>
    %dot_general3A_1291 = tpu.matmul %add3A_1283, %convert_element_type3A_1289, %dot_general3A_1290 {dimension_numbers = #tpu.dot_dimension_numbers<[1], [0], [0], [1], [0, 0, 1, 1], [], []>, transpose_lhs_hint = false} : vector<1024x128xbf16>, vector<128x128xbf16>, vector<1024x128xf32> -> vector<1024x128xf32>
    %convert_element_type3A_1292 = arith.truncf %dot_general3A_1291 : vector<1024x128xf32> to vector<1024x128xbf16>
    %get3A_1293 = arith.constant 2 : index
    %get3A_1294 = arith.constant 0 : index
    %get3A_1295 = arith.constant 0 : index
    %get3A_1296 = vector.load %arg10[%get3A_1293, %get3A_1294, %get3A_1295] : memref<3x1x128xf32, #tpu.memory_space<vmem>>, vector<1x1x128xf32>
    %get3A_1297 = vector.shape_cast %get3A_1296 : vector<1x1x128xf32> to vector<1x128xf32>
    %convert_element_type3A_1298 = arith.truncf %get3A_1297 : vector<1x128xf32> to vector<1x128xbf16>
    %add3A_1299 = vector.broadcast %convert_element_type3A_1298 : vector<1x128xbf16> to vector<1024x128xbf16>
    %add3A_1300 = arith.addf %convert_element_type3A_1292, %add3A_1299 : vector<1024x128xbf16>
    %mul3A_1301 = arith.constant 5.000000e-01 : bf16
    %mul3A_1302 = vector.broadcast %mul3A_1301 : bf16 to vector<1024x128xbf16>
    %mul3A_1303 = arith.mulf %mul3A_1302, %add3A_1300 : vector<1024x128xbf16>
    %tanh3A_1304 = math.tanh %mul3A_1303 : vector<1024x128xbf16>
    %mul3A_1305 = arith.mulf %mul3A_1303, %tanh3A_1304 : vector<1024x128xbf16>
    %add3A_1306 = arith.addf %mul3A_1303, %mul3A_1305 : vector<1024x128xbf16>
    %slice3A_1307 = vector.extract_strided_slice %dot_general3A_1011 {offsets = [192, 0], sizes = [32, 128], strides = [1, 1]} : vector<256x128xf32> to vector<32x128xf32>
    %slice3A_1308 = vector.extract_strided_slice %dot_general3A_1018 {offsets = [192, 0], sizes = [32, 128], strides = [1, 1]} : vector<256x128xf32> to vector<32x128xf32>
    %get3A_1309 = arith.constant 2 : index
    %get3A_1310 = arith.constant 6 : index
    %get3A_1311 = arith.constant 0 : index
    %get3A_1312 = arith.constant 0 : index
    %get3A_1313 = vector.load %arg7[%get3A_1309, %get3A_1310, %get3A_1311, %get3A_1312] : memref<3x8x16x128xf32, #tpu.memory_space<vmem>>, vector<1x1x16x128xf32>
    %get3A_1314 = vector.shape_cast %get3A_1313 : vector<1x1x16x128xf32> to vector<16x128xf32>
    %get3A_1315 = arith.constant 2 : index
    %get3A_1316 = arith.constant 0 : index
    %get3A_1317 = arith.constant 0 : index
    %get3A_1318 = vector.load %arg8[%get3A_1315, %get3A_1316, %get3A_1317] : memref<3x1x128xf32, #tpu.memory_space<vmem>>, vector<1x1x128xf32>
    %get3A_1319 = vector.shape_cast %get3A_1318 : vector<1x1x128xf32> to vector<1x128xf32>
    %concatenate3A_1320 = tpu.concatenate %slice3A_1307, %slice3A_1308, %get3A_1314, %get3A_1319 in 0 : vector<32x128xf32>, vector<32x128xf32>, vector<16x128xf32>, vector<1x128xf32> -> vector<81x128xf32>
    %convert_element_type3A_1321 = arith.truncf %concatenate3A_30 : vector<1024x81xf32> to vector<1024x81xbf16>
    %convert_element_type3A_1322 = arith.truncf %concatenate3A_1320 : vector<81x128xf32> to vector<81x128xbf16>
    %dot_general3A_1323 = arith.constant dense<0.000000e+00> : vector<1024x128xf32>
    %dot_general3A_1324 = tpu.matmul %convert_element_type3A_1321, %convert_element_type3A_1322, %dot_general3A_1323 {dimension_numbers = #tpu.dot_dimension_numbers<[1], [0], [0], [1], [0, 0, 1, 1], [], []>, transpose_lhs_hint = false} : vector<1024x81xbf16>, vector<81x128xbf16>, vector<1024x128xf32> -> vector<1024x128xf32>
    %convert_element_type3A_1325 = arith.truncf %dot_general3A_1324 : vector<1024x128xf32> to vector<1024x128xbf16>
    %mul3A_1326 = arith.constant 5.000000e-01 : bf16
    %mul3A_1327 = vector.broadcast %mul3A_1326 : bf16 to vector<1024x128xbf16>
    %mul3A_1328 = arith.mulf %mul3A_1327, %convert_element_type3A_1325 : vector<1024x128xbf16>
    %tanh3A_1329 = math.tanh %mul3A_1328 : vector<1024x128xbf16>
    %mul3A_1330 = arith.mulf %mul3A_1328, %tanh3A_1329 : vector<1024x128xbf16>
    %add3A_1331 = arith.addf %mul3A_1328, %mul3A_1330 : vector<1024x128xbf16>
    %get3A_1332 = arith.constant 2 : index
    %get3A_1333 = arith.constant 0 : index
    %get3A_1334 = arith.constant 0 : index
    %get3A_1335 = vector.load %arg9[%get3A_1332, %get3A_1333, %get3A_1334] : memref<3x128x128xf32, #tpu.memory_space<vmem>>, vector<1x128x128xf32>
    %get3A_1336 = vector.shape_cast %get3A_1335 : vector<1x128x128xf32> to vector<128x128xf32>
    %convert_element_type3A_1337 = arith.truncf %get3A_1336 : vector<128x128xf32> to vector<128x128xbf16>
    %dot_general3A_1338 = arith.constant dense<0.000000e+00> : vector<1024x128xf32>
    %dot_general3A_1339 = tpu.matmul %add3A_1331, %convert_element_type3A_1337, %dot_general3A_1338 {dimension_numbers = #tpu.dot_dimension_numbers<[1], [0], [0], [1], [0, 0, 1, 1], [], []>, transpose_lhs_hint = false} : vector<1024x128xbf16>, vector<128x128xbf16>, vector<1024x128xf32> -> vector<1024x128xf32>
    %convert_element_type3A_1340 = arith.truncf %dot_general3A_1339 : vector<1024x128xf32> to vector<1024x128xbf16>
    %get3A_1341 = arith.constant 2 : index
    %get3A_1342 = arith.constant 0 : index
    %get3A_1343 = arith.constant 0 : index
    %get3A_1344 = vector.load %arg10[%get3A_1341, %get3A_1342, %get3A_1343] : memref<3x1x128xf32, #tpu.memory_space<vmem>>, vector<1x1x128xf32>
    %get3A_1345 = vector.shape_cast %get3A_1344 : vector<1x1x128xf32> to vector<1x128xf32>
    %convert_element_type3A_1346 = arith.truncf %get3A_1345 : vector<1x128xf32> to vector<1x128xbf16>
    %add3A_1347 = vector.broadcast %convert_element_type3A_1346 : vector<1x128xbf16> to vector<1024x128xbf16>
    %add3A_1348 = arith.addf %convert_element_type3A_1340, %add3A_1347 : vector<1024x128xbf16>
    %mul3A_1349 = arith.constant 5.000000e-01 : bf16
    %mul3A_1350 = vector.broadcast %mul3A_1349 : bf16 to vector<1024x128xbf16>
    %mul3A_1351 = arith.mulf %mul3A_1350, %add3A_1348 : vector<1024x128xbf16>
    %tanh3A_1352 = math.tanh %mul3A_1351 : vector<1024x128xbf16>
    %mul3A_1353 = arith.mulf %mul3A_1351, %tanh3A_1352 : vector<1024x128xbf16>
    %add3A_1354 = arith.addf %mul3A_1351, %mul3A_1353 : vector<1024x128xbf16>
    %slice3A_1355 = vector.extract_strided_slice %dot_general3A_1011 {offsets = [224, 0], sizes = [32, 128], strides = [1, 1]} : vector<256x128xf32> to vector<32x128xf32>
    %slice3A_1356 = vector.extract_strided_slice %dot_general3A_1018 {offsets = [224, 0], sizes = [32, 128], strides = [1, 1]} : vector<256x128xf32> to vector<32x128xf32>
    %get3A_1357 = arith.constant 2 : index
    %get3A_1358 = arith.constant 7 : index
    %get3A_1359 = arith.constant 0 : index
    %get3A_1360 = arith.constant 0 : index
    %get3A_1361 = vector.load %arg7[%get3A_1357, %get3A_1358, %get3A_1359, %get3A_1360] : memref<3x8x16x128xf32, #tpu.memory_space<vmem>>, vector<1x1x16x128xf32>
    %get3A_1362 = vector.shape_cast %get3A_1361 : vector<1x1x16x128xf32> to vector<16x128xf32>
    %get3A_1363 = arith.constant 2 : index
    %get3A_1364 = arith.constant 0 : index
    %get3A_1365 = arith.constant 0 : index
    %get3A_1366 = vector.load %arg8[%get3A_1363, %get3A_1364, %get3A_1365] : memref<3x1x128xf32, #tpu.memory_space<vmem>>, vector<1x1x128xf32>
    %get3A_1367 = vector.shape_cast %get3A_1366 : vector<1x1x128xf32> to vector<1x128xf32>
    %concatenate3A_1368 = tpu.concatenate %slice3A_1355, %slice3A_1356, %get3A_1362, %get3A_1367 in 0 : vector<32x128xf32>, vector<32x128xf32>, vector<16x128xf32>, vector<1x128xf32> -> vector<81x128xf32>
    %convert_element_type3A_1369 = arith.truncf %concatenate3A_30 : vector<1024x81xf32> to vector<1024x81xbf16>
    %convert_element_type3A_1370 = arith.truncf %concatenate3A_1368 : vector<81x128xf32> to vector<81x128xbf16>
    %dot_general3A_1371 = arith.constant dense<0.000000e+00> : vector<1024x128xf32>
    %dot_general3A_1372 = tpu.matmul %convert_element_type3A_1369, %convert_element_type3A_1370, %dot_general3A_1371 {dimension_numbers = #tpu.dot_dimension_numbers<[1], [0], [0], [1], [0, 0, 1, 1], [], []>, transpose_lhs_hint = false} : vector<1024x81xbf16>, vector<81x128xbf16>, vector<1024x128xf32> -> vector<1024x128xf32>
    %convert_element_type3A_1373 = arith.truncf %dot_general3A_1372 : vector<1024x128xf32> to vector<1024x128xbf16>
    %mul3A_1374 = arith.constant 5.000000e-01 : bf16
    %mul3A_1375 = vector.broadcast %mul3A_1374 : bf16 to vector<1024x128xbf16>
    %mul3A_1376 = arith.mulf %mul3A_1375, %convert_element_type3A_1373 : vector<1024x128xbf16>
    %tanh3A_1377 = math.tanh %mul3A_1376 : vector<1024x128xbf16>
    %mul3A_1378 = arith.mulf %mul3A_1376, %tanh3A_1377 : vector<1024x128xbf16>
    %add3A_1379 = arith.addf %mul3A_1376, %mul3A_1378 : vector<1024x128xbf16>
    %get3A_1380 = arith.constant 2 : index
    %get3A_1381 = arith.constant 0 : index
    %get3A_1382 = arith.constant 0 : index
    %get3A_1383 = vector.load %arg9[%get3A_1380, %get3A_1381, %get3A_1382] : memref<3x128x128xf32, #tpu.memory_space<vmem>>, vector<1x128x128xf32>
    %get3A_1384 = vector.shape_cast %get3A_1383 : vector<1x128x128xf32> to vector<128x128xf32>
    %convert_element_type3A_1385 = arith.truncf %get3A_1384 : vector<128x128xf32> to vector<128x128xbf16>
    %dot_general3A_1386 = arith.constant dense<0.000000e+00> : vector<1024x128xf32>
    %dot_general3A_1387 = tpu.matmul %add3A_1379, %convert_element_type3A_1385, %dot_general3A_1386 {dimension_numbers = #tpu.dot_dimension_numbers<[1], [0], [0], [1], [0, 0, 1, 1], [], []>, transpose_lhs_hint = false} : vector<1024x128xbf16>, vector<128x128xbf16>, vector<1024x128xf32> -> vector<1024x128xf32>
    %convert_element_type3A_1388 = arith.truncf %dot_general3A_1387 : vector<1024x128xf32> to vector<1024x128xbf16>
    %get3A_1389 = arith.constant 2 : index
    %get3A_1390 = arith.constant 0 : index
    %get3A_1391 = arith.constant 0 : index
    %get3A_1392 = vector.load %arg10[%get3A_1389, %get3A_1390, %get3A_1391] : memref<3x1x128xf32, #tpu.memory_space<vmem>>, vector<1x1x128xf32>
    %get3A_1393 = vector.shape_cast %get3A_1392 : vector<1x1x128xf32> to vector<1x128xf32>
    %convert_element_type3A_1394 = arith.truncf %get3A_1393 : vector<1x128xf32> to vector<1x128xbf16>
    %add3A_1395 = vector.broadcast %convert_element_type3A_1394 : vector<1x128xbf16> to vector<1024x128xbf16>
    %add3A_1396 = arith.addf %convert_element_type3A_1388, %add3A_1395 : vector<1024x128xbf16>
    %mul3A_1397 = arith.constant 5.000000e-01 : bf16
    %mul3A_1398 = vector.broadcast %mul3A_1397 : bf16 to vector<1024x128xbf16>
    %mul3A_1399 = arith.mulf %mul3A_1398, %add3A_1396 : vector<1024x128xbf16>
    %tanh3A_1400 = math.tanh %mul3A_1399 : vector<1024x128xbf16>
    %mul3A_1401 = arith.mulf %mul3A_1399, %tanh3A_1400 : vector<1024x128xbf16>
    %add3A_1402 = arith.addf %mul3A_1399, %mul3A_1401 : vector<1024x128xbf16>
    %concatenate3A_1403 = tpu.concatenate %add3A_1066, %add3A_1114, %add3A_1162, %add3A_1210, %add3A_1258, %add3A_1306, %add3A_1354, %add3A_1402 in 1 : vector<1024x128xbf16>, vector<1024x128xbf16>, vector<1024x128xbf16>, vector<1024x128xbf16>, vector<1024x128xbf16>, vector<1024x128xbf16>, vector<1024x128xbf16>, vector<1024x128xbf16> -> vector<1024x1024xbf16>
    %get3A_1404 = arith.constant 2 : index
    %get3A_1405 = arith.constant 0 : index
    %get3A_1406 = arith.constant 0 : index
    %get3A_1407 = vector.load %arg11[%get3A_1404, %get3A_1405, %get3A_1406] : memref<3x1024x16xf32, #tpu.memory_space<vmem>>, vector<1x1024x16xf32>
    %get3A_1408 = vector.shape_cast %get3A_1407 : vector<1x1024x16xf32> to vector<1024x16xf32>
    %convert_element_type3A_1409 = arith.truncf %get3A_1408 : vector<1024x16xf32> to vector<1024x16xbf16>
    %dot_general3A_1410 = arith.constant dense<0.000000e+00> : vector<1024x16xf32>
    %dot_general3A_1411 = tpu.matmul %concatenate3A_1403, %convert_element_type3A_1409, %dot_general3A_1410 {dimension_numbers = #tpu.dot_dimension_numbers<[1], [0], [0], [1], [0, 0, 1, 1], [], []>, transpose_lhs_hint = false} : vector<1024x1024xbf16>, vector<1024x16xbf16>, vector<1024x16xf32> -> vector<1024x16xf32>
    %get3A_1412 = arith.constant 2 : index
    %get3A_1413 = arith.constant 0 : index
    %get3A_1414 = arith.constant 0 : index
    %get3A_1415 = vector.load %arg12[%get3A_1412, %get3A_1413, %get3A_1414] : memref<3x1x16xf32, #tpu.memory_space<vmem>>, vector<1x1x16xf32>
    %get3A_1416 = vector.shape_cast %get3A_1415 : vector<1x1x16xf32> to vector<1x16xf32>
    %add3A_1417 = vector.broadcast %get3A_1416 : vector<1x16xf32> to vector<1024x16xf32>
    %add3A_1418 = arith.addf %dot_general3A_1411, %add3A_1417 : vector<1024x16xf32>
    %tanh3A_1419 = math.tanh %add3A_1418 : vector<1024x16xf32>
    %get3A_1420 = arith.constant 0 : index
    %get3A_1421 = arith.constant 0 : index
    %get3A_1422 = vector.load %arg19[%get3A_1420, %get3A_1421] : memref<16x48xf32, #tpu.memory_space<vmem>>, vector<16x48xf32>
    %dot_general3A_1423 = arith.constant dense<0.000000e+00> : vector<1024x48xf32>
    %dot_general3A_1424 = tpu.matmul %tanh3A_1419, %get3A_1422, %dot_general3A_1423 {dimension_numbers = #tpu.dot_dimension_numbers<[1], [0], [0], [1], [0, 0, 1, 1], [], []>, transpose_lhs_hint = false} : vector<1024x16xf32>, vector<16x48xf32>, vector<1024x48xf32> -> vector<1024x48xf32>
    %mul3A_1425 = arith.mulf %dot_general3A_1424, %reshape3A_22 : vector<1024x48xf32>
    %dot_general3A_1426 = arith.constant dense<0.000000e+00> : vector<32x48xf32>
    %dot_general3A_1427 = tpu.matmul %get3A_17, %mul3A_1425, %dot_general3A_1426 {dimension_numbers = #tpu.dot_dimension_numbers<[1], [0], [0], [1], [0, 0, 1, 1], [], []>, transpose_lhs_hint = false} : vector<32x1024xf32>, vector<1024x48xf32>, vector<32x48xf32> -> vector<32x48xf32>
    %mul3A_1428 = arith.constant 3.125000e-02 : f32
    %mul3A_1429 = vector.broadcast %mul3A_1428 : f32 to vector<32x48xf32>
    %mul3A_1430 = arith.mulf %dot_general3A_1427, %mul3A_1429 : vector<32x48xf32>
    %add3A_1431 = arith.addf %add3A_967, %mul3A_1430 : vector<32x48xf32>
    %reshape3A_1432 = vector.shape_cast %add3A_1431 : vector<32x48xf32> to vector<1x32x48xf32>
    %swap3A = arith.constant 0 : index
    %swap3A_1433 = arith.constant 0 : index
    %swap3A_1434 = arith.constant 0 : index
    %swap3A_1435 = vector.load %arg20[%swap3A, %swap3A_1433, %swap3A_1434] : memref<1x32x48xf32, #tpu.memory_space<vmem>>, vector<1x32x48xf32>
    tpu.vector_store %arg20[%swap3A, %swap3A_1433, %swap3A_1434], %reshape3A_1432 {strides = array<i32>} : memref<1x32x48xf32, #tpu.memory_space<vmem>>, vector<1x32x48xf32>,
    return
  }
  func.func @transform_0(%arg0: i32) -> (i32, i32, i32) {
    %c0_i32 = arith.constant 0 : i32
    %c0_i32_0 = arith.constant 0 : i32
    %c0_i32_1 = arith.constant 0 : i32
    return %arg0, %c0_i32, %c0_i32_0 : i32, i32, i32
  }
  func.func @transform_1(%arg0: i32) -> (i32, i32, i32) {
    %c0_i32 = arith.constant 0 : i32
    %c0_i32_0 = arith.constant 0 : i32
    %c0_i32_1 = arith.constant 0 : i32
    return %arg0, %c0_i32, %c0_i32_0 : i32, i32, i32
  }
  func.func @transform_2(%arg0: i32) -> (i32, i32, i32) {
    %c0_i32 = arith.constant 0 : i32
    %c0_i32_0 = arith.constant 0 : i32
    %c0_i32_1 = arith.constant 0 : i32
    return %arg0, %c0_i32, %c0_i32_0 : i32, i32, i32
  }
  func.func @transform_3(%arg0: i32) -> (i32, i32, i32) {
    %c0_i32 = arith.constant 0 : i32
    %c0_i32_0 = arith.constant 0 : i32
    %c0_i32_1 = arith.constant 0 : i32
    return %arg0, %c0_i32, %c0_i32_0 : i32, i32, i32
  }
  func.func @transform_4(%arg0: i32) -> (i32, i32, i32) {
    %c0_i32 = arith.constant 0 : i32
    %c0_i32_0 = arith.constant 0 : i32
    %c0_i32_1 = arith.constant 0 : i32
    %c0_i32_2 = arith.constant 0 : i32
    return %c0_i32, %c0_i32_0, %c0_i32_1 : i32, i32, i32
  }
  func.func @transform_5(%arg0: i32) -> (i32, i32, i32) {
    %c0_i32 = arith.constant 0 : i32
    %c0_i32_0 = arith.constant 0 : i32
    %c0_i32_1 = arith.constant 0 : i32
    %c0_i32_2 = arith.constant 0 : i32
    return %c0_i32, %c0_i32_0, %c0_i32_1 : i32, i32, i32
  }
  func.func @transform_6(%arg0: i32) -> (i32, i32, i32, i32) {
    %c0_i32 = arith.constant 0 : i32
    %c0_i32_0 = arith.constant 0 : i32
    %c0_i32_1 = arith.constant 0 : i32
    %c0_i32_2 = arith.constant 0 : i32
    %c0_i32_3 = arith.constant 0 : i32
    return %c0_i32, %c0_i32_0, %c0_i32_1, %c0_i32_2 : i32, i32, i32, i32
  }
  func.func @transform_7(%arg0: i32) -> (i32, i32, i32) {
    %c0_i32 = arith.constant 0 : i32
    %c0_i32_0 = arith.constant 0 : i32
    %c0_i32_1 = arith.constant 0 : i32
    %c0_i32_2 = arith.constant 0 : i32
    return %c0_i32, %c0_i32_0, %c0_i32_1 : i32, i32, i32
  }
  func.func @transform_8(%arg0: i32) -> (i32, i32, i32) {
    %c0_i32 = arith.constant 0 : i32
    %c0_i32_0 = arith.constant 0 : i32
    %c0_i32_1 = arith.constant 0 : i32
    %c0_i32_2 = arith.constant 0 : i32
    return %c0_i32, %c0_i32_0, %c0_i32_1 : i32, i32, i32
  }
  func.func @transform_9(%arg0: i32) -> (i32, i32, i32) {
    %c0_i32 = arith.constant 0 : i32
    %c0_i32_0 = arith.constant 0 : i32
    %c0_i32_1 = arith.constant 0 : i32
    %c0_i32_2 = arith.constant 0 : i32
    return %c0_i32, %c0_i32_0, %c0_i32_1 : i32, i32, i32
  }
  func.func @transform_10(%arg0: i32) -> (i32, i32, i32) {
    %c0_i32 = arith.constant 0 : i32
    %c0_i32_0 = arith.constant 0 : i32
    %c0_i32_1 = arith.constant 0 : i32
    %c0_i32_2 = arith.constant 0 : i32
    return %c0_i32, %c0_i32_0, %c0_i32_1 : i32, i32, i32
  }
  func.func @transform_11(%arg0: i32) -> (i32, i32, i32) {
    %c0_i32 = arith.constant 0 : i32
    %c0_i32_0 = arith.constant 0 : i32
    %c0_i32_1 = arith.constant 0 : i32
    %c0_i32_2 = arith.constant 0 : i32
    return %c0_i32, %c0_i32_0, %c0_i32_1 : i32, i32, i32
  }
  func.func @transform_12(%arg0: i32) -> (i32, i32, i32) {
    %c0_i32 = arith.constant 0 : i32
    %c0_i32_0 = arith.constant 0 : i32
    %c0_i32_1 = arith.constant 0 : i32
    %c0_i32_2 = arith.constant 0 : i32
    return %c0_i32, %c0_i32_0, %c0_i32_1 : i32, i32, i32
  }
  func.func @transform_13(%arg0: i32) -> (i32, i32, i32) {
    %c0_i32 = arith.constant 0 : i32
    %c0_i32_0 = arith.constant 0 : i32
    %c0_i32_1 = arith.constant 0 : i32
    %c0_i32_2 = arith.constant 0 : i32
    return %c0_i32, %c0_i32_0, %c0_i32_1 : i32, i32, i32
  }
  func.func @transform_14(%arg0: i32) -> (i32, i32, i32) {
    %c0_i32 = arith.constant 0 : i32
    %c0_i32_0 = arith.constant 0 : i32
    %c0_i32_1 = arith.constant 0 : i32
    %c0_i32_2 = arith.constant 0 : i32
    return %c0_i32, %c0_i32_0, %c0_i32_1 : i32, i32, i32
  }
  func.func @transform_15(%arg0: i32) -> (i32, i32, i32) {
    %c0_i32 = arith.constant 0 : i32
    %c0_i32_0 = arith.constant 0 : i32
    %c0_i32_1 = arith.constant 0 : i32
    %c0_i32_2 = arith.constant 0 : i32
    return %c0_i32, %c0_i32_0, %c0_i32_1 : i32, i32, i32
  }
  func.func @transform_16(%arg0: i32) -> (i32, i32) {
    %c0_i32 = arith.constant 0 : i32
    %c0_i32_0 = arith.constant 0 : i32
    %c0_i32_1 = arith.constant 0 : i32
    return %c0_i32, %c0_i32_0 : i32, i32
  }
  func.func @transform_17(%arg0: i32) -> (i32, i32) {
    %c0_i32 = arith.constant 0 : i32
    %c0_i32_0 = arith.constant 0 : i32
    %c0_i32_1 = arith.constant 0 : i32
    return %c0_i32, %c0_i32_0 : i32, i32
  }
  func.func @transform_18(%arg0: i32) -> (i32, i32) {
    %c0_i32 = arith.constant 0 : i32
    %c0_i32_0 = arith.constant 0 : i32
    %c0_i32_1 = arith.constant 0 : i32
    return %c0_i32, %c0_i32_0 : i32, i32
  }
  func.func @transform_19(%arg0: i32) -> (i32, i32, i32) {
    %c0_i32 = arith.constant 0 : i32
    %c0_i32_0 = arith.constant 0 : i32
    %c0_i32_1 = arith.constant 0 : i32
    return %arg0, %c0_i32, %c0_i32_0 : i32, i32, i32
  }
}

</mosaic_0001>

<sc_bundles>
// kernel: kernel.5.cloned.1.call-start
scs
__scs_entry_jumppad:
0x0: {  	(pc) =	sbr.rel $0x88, $3  }
0x1: {  	(tag) =	ssettag $0x0;
	lr =	simm.s32 $0x1  }
0x2: {  	[smem:$0x3F8B] =	sst lr;
	_ =	strace $0xD0000000  }
0x3: {  	_ = 	snop  }
0x4: {  	_ = 	snop  }
0x5: {  	_ = 	snop  }
0x6: {  	_ = 	snop  }
0x7: {  	_ = 	snop  }
__scs_overlays_trampoline_lowered:
0x8: {  	[smem:$0x3F9A] =	sst s0  }
0x9: {  	[smem:$0x3F9B] =	sst s1  }
0xa: {  	[smem:$0x3F9C] =	sst s2  }
0xb: {  	[smem:$0x3F9D] =	sst s3  }
0xc: {  	[smem:$0x3F9E] =	sst s4  }
0xd: {  	[smem:$0x3F9F] =	sst s5  }
0xe: {  	[smem:$0x3FA0] =	sst s6  }
0xf: {  	[smem:$0x3FA1] =	sst s7  }
0x10: {  	[smem:$0x3FA2] =	sst s8  }
0x11: {  	[smem:$0x3FA3] =	sst s9;
	s0 =	simm.s32 @!p0 $0x0  }
0x12: {  	s1 =	sld [smem:$0x3F89];
	s0 =	simm.s32 @p0 $0x1  }
0x13: {  	[smem:$0x3FA4] =	sst s0;
	s0 =	simm.s32 @!p1 $0x0  }
0x14: {  	s2 =	sld [smem:$0x3F88];
	s0 =	simm.s32 @p1 $0x1  }
0x15: {  	[smem:$0x3FA5] =	sst s0;
	s0 =	simm.s32 @!p2 $0x0  }
0x16: {  	s3 =	sld [smem:$0x3FDB];
	s0 =	simm.s32 @p2 $0x1  }
0x17: {  	s4 =	simm.s32 $0x1BF5;
	[smem:$0x3FA7] =	sst s0  }
0x18: {  	s0 =	sld [smem:$0x3F8A];
	_ =	swait.ge [sflag:s4], $0x0  }
0x19: {  	s7 =	sld [smem:$0x3F8B]  }
0x1a: {  	s8 =	sadd.s32 $0xFFFFE003, lr  }
0x1b: {  	s9 =	sadd.s32 $0xFFFFFEF7, lr;
	s5 =	simm.s32 $0xFFFFFFFF;
	p2 =	slt.u32 s8, $0xFFFFF086  }
0x1c: {  	p1 =	slt.u32 s9, $0xF7A;
	s5 =	simm.s32 @!p2 $0x0  }
0x1d: {  	s5 =	simm.s32 @p1 $0x1;
	p0 =	seq.s32 s7, s2  }
0x1e: {  	s7 =	smul.u32 @!p0 $0xF7A, s2;
	p2 =	seq.s32 @!p0 s5, $0x0  }
0x1f: {  	s9 =	smul.u32 $0xF7A, s1;
	s8 =	simm.s32 @!p0 $0x1BF5;
	p2 =	por !p2, p0  }
0x20: {  	[sflag:s8] =	ssyncset.s32 @!p0 $0xFFFFF086;
	s6 =	sadd.s32 @!p0 s3, s7;
	s7 =	simm.s32 @!p0 $0x108  }
0x21: {  	s3 =	sadd.s32 s3, s9;
	s6 =	sadd.s32 @!p0 $0x88, s6;
	s7 =	simm.s32 @p2 $0x1082  }
0x22: {  	[simem:s7], [sflag:s8] =	dma.local @!p0 [hbm:s6], $0xF7A  }
0x23: {  	s9 =	sor.u32 $0xD0000000, s2;
	s6 =	simm.s32 $0x108;
	_ =	swait.ge @!p0 [sflag:s8], $0x0  }
0x24: {  	s3 =	sadd.s32 $0x88, s3;
	s6 =	simm.s32 @!p1 $0x1082;
	[sflag:s4] =	ssyncset.s32 $0xFFFFF086  }
0x25: {  	[simem:s6], [sflag:s4] =	dma.local [hbm:s3], $0xF7A  }
0x26: {  	[smem:$0x3F8B] =	sst s1;
	(tag) =	ssettag s2;
	_ =	strace s9  }
0x27: {  	s1 =	sld [smem:$0x3F9B]  }
0x28: {  	s2 =	sld [smem:$0x3F9C]  }
0x29: {  	s4 =	sld [smem:$0x3F9E]  }
0x2a: {  	p0 =	seq.s32 s5, $0x0;
	s5 =	sld [smem:$0x3F9F]  }
0x2b: {  	s6 =	sld [smem:$0x3FA0]  }
0x2c: {  	s7 =	sld [smem:$0x3FA1]  }
0x2d: {  	s3 =	simm.s32 $0x108;
	s8 =	sld [smem:$0x3FA2]  }
0x2e: {  	s3 =	simm.s32 @!p0 $0x1082;
	s9 =	sld [smem:$0x3FA3]  }
0x2f: {  	lr =	sadd.s32 s0, s3;
	s0 =	sld [smem:$0x3F9A]  }
0x30: {  	s3 =	sld [smem:$0x3F9D]  }
0x31: {  	[smem:$0x3FA6] =	sst s10  }
0x32: {  	s10 =	sld [smem:$0x3FA4];
	_ =	sdelay $0x3  }
0x33: {  	p0 =	seq.s32 s10, $0x1;
	s10 =	sld [smem:$0x3FA6];
	_ =	sdelay $0x3  }
0x34: {  	[smem:$0x3FA6] =	sst s10  }
0x35: {  	s10 =	sld [smem:$0x3FA5];
	_ =	sdelay $0x3  }
0x36: {  	p1 =	seq.s32 s10, $0x1;
	s10 =	sld [smem:$0x3FA6];
	_ =	sdelay $0x3  }
0x37: {  	[smem:$0x3FA6] =	sst s10  }
0x38: {  	s10 =	sld [smem:$0x3FA7]  }
0x39: {  	_ = 	snop;
	(pc) =	sbr.ind lr, $3  }
0x3a: {  	_ = 	snop  }
0x3b: {  	_ = 	snop  }
0x3c: {  	p2 =	seq.s32 s10, $0x1;
	s10 =	sld [smem:$0x3FA6]  }
0x3d: {  	_ =	shalt  }
0x3e: {  	_ =	shalt  }
0x3f: {  	_ =	shalt  }
0x40: {  	_ =	shalt  }
0x41: {  	_ =	shalt  }
0x42: {  	_ =	shalt  }
0x43: {  	_ =	shalt  }
0x44: {  	_ =	shalt  }
0x45: {  	_ =	shalt  }
0x46: {  	_ =	shalt  }
0x47: {  	_ =	shalt  }
0x48: {  	_ =	shalt  }
0x49: {  	_ =	shalt  }
0x4a: {  	_ =	shalt  }
0x4b: {  	_ =	shalt  }
0x4c: {  	_ =	shalt  }
0x4d: {  	_ =	shalt  }
0x4e: {  	_ =	shalt  }
0x4f: {  	_ =	shalt  }
0x50: {  	_ =	shalt  }
0x51: {  	_ =	shalt  }
0x52: {  	_ =	shalt  }
0x53: {  	_ =	shalt  }
0x54: {  	_ =	shalt  }
0x55: {  	_ =	shalt  }
0x56: {  	_ =	shalt  }
0x57: {  	_ =	shalt  }
0x58: {  	_ =	shalt  }
0x59: {  	_ =	shalt  }
0x5a: {  	_ =	shalt  }
0x5b: {  	_ =	shalt  }
0x5c: {  	_ =	shalt  }
0x5d: {  	_ =	shalt  }
0x5e: {  	_ =	shalt  }
0x5f: {  	_ =	shalt  }
0x60: {  	_ =	shalt  }
0x61: {  	_ =	shalt  }
0x62: {  	_ =	shalt  }
0x63: {  	_ =	shalt  }
0x64: {  	_ =	shalt  }
0x65: {  	_ =	shalt  }
0x66: {  	_ =	shalt  }
0x67: {  	_ =	shalt  }
0x68: {  	_ =	shalt  }
0x69: {  	_ =	shalt  }
0x6a: {  	_ =	shalt  }
0x6b: {  	_ =	shalt  }
0x6c: {  	_ =	shalt  }
0x6d: {  	_ =	shalt  }
0x6e: {  	_ =	shalt  }
0x6f: {  	_ =	shalt  }
0x70: {  	_ =	shalt  }
0x71: {  	_ =	shalt  }
0x72: {  	_ =	shalt  }
0x73: {  	_ =	shalt  }
0x74: {  	_ =	shalt  }
0x75: {  	_ =	shalt  }
0x76: {  	_ =	shalt  }
0x77: {  	_ =	shalt  }
0x78: {  	_ =	shalt  }
0x79: {  	_ =	shalt  }
0x7a: {  	_ =	shalt  }
0x7b: {  	_ =	shalt  }
0x7c: {  	_ =	shalt  }
0x7d: {  	_ =	shalt  }
0x7e: {  	_ =	shalt  }
0x7f: {  	_ =	shalt  }
0x80: {  	_ =	shalt  }
0x81: {  	_ =	shalt  }
0x82: {  	_ =	shalt  }
0x83: {  	_ =	shalt  }
0x84: {  	_ =	shalt  }
0x85: {  	_ =	shalt  }
0x86: {  	_ =	shalt  }
0x87: {  	_ =	shalt  }
.Lfunc_end0:
.L_simem_size_0:
called_computation_lowered:
.L_overlay_start_0:
0x88: {  	s2 =	sld [smem:$0x3FD9]  }
0x89: {  	s3 =	sld [smem:$0x3FFE];
	_ =	sdelay $0x1  }
0x8a: {  	s1 =	srdreg.scid  }
0x8b: {  	s0 =	sand.u32 $0x1, s1  }
0x8c: {  	s17 =	sshll.u32 s0, $0xA;
	s2 =	sadd.s32 s3, s2  }
0x8d: {  	s2 =	sadd.s32 s2, s17  }
0x8e: {  	[smem:$0x3FB2] =	sst s2  }
0x8f: {  	_ = 	snop  }
0x90: {  	s2 =	sld [smem:$0x3FD0];
	(tm) =	ssettm $0x1  }
0x91: {  	s18 =	sld [smem:$0x3FFB];
	_ =	sdelay $0x3  }
0x92: {  	_ =	strace s18  }
0x93: {  	s3 =	sld [smem:$0x3FFC];
	_ =	sdelay $0x3  }
0x94: {  	_ =	strace s3  }
0x95: {  	s3 =	sld [smem:$0x3FFD];
	_ =	sdelay $0x3  }
0x96: {  	_ =	strace s3  }
0x97: {  	_ =	strace $0x8FFFFFFF  }
0x98: {  	s19 =	sld [smem:$0x3FDB];
	_ =	sdelay $0x1  }
0x99: {  	s4 =	simm.s32 $_scs_section_size  }
0x9a: {  	s5 =	simm.s32 $_size__tile_overlayer_lowered;
	s6 =	simm.s32 $_tile_overlayer_lowered  }
0x9b: {  	s22 =	simm.s32 $0x1BFF;
	s21 =	sshll.u32 s6, $0x1;
	s3 =	sadd.s32 s4, s19  }
0x9c: {  	s7 =	simm.s32 $0x0;
	s20 =	sshll.u32 s5, $0x1;
	s5 =	sadd.s32 s21, s3  }
0x9d: {  	[timem:s7], [sflag:s22] =	dma.local [hbm:s5], s20  }
0x9e: {  	_ =	swait.ge [sflag:s22], s20  }
0x9f: {  	s4 =	ssub.s32 $0x0, s20;
	[sflag:s22] =	ssyncset.done $0x0  }
0xa0: {  	[sflag:s22] =	ssyncadd.s32 s4;
	_ =	sdelay $0x1  }
0xa1: {  	s23 =	simm.s32 $0x1B8B  }
0xa2: {  	_ =	swait.ge [sflag:s23], $0x1  }
0xa3: {  	[sflag:s23] =	ssyncset.done $0x0  }
0xa4: {  	s25 =	simm.s32 $0x1B8E;
	s24 =	sld [smem:$0x3FFE];
	[sflag:s23] =	ssyncadd.s32 $0xFFFFFFFF  }
0xa5: {  	s26 =	simm.s32 $execute0_lowered;
	[smem:$0x3FD2] =	sst s25  }
0xa6: {  	s5 =	sshll.u32 s26, $0x1;
	_ =	strace $0x80000046;
	[dreg:$0x1] =	wrdreg $0xFFFFFFFF  }
0xa7: {  	s28 =	simm.s32 $_size_execute0_lowered;
	s3 =	sadd.s32 s3, s5;
	[dreg:$0x0] =	wrdreg $0x0  }
0xa8: {  	s5 =	sshll.u32 s28, $0x1;
	[dreg:$0x2] =	wrdreg s3  }
0xa9: {  	[dreg:$0x3] =	wrdreg s5  }
0xaa: {  	[dreg:$0x4] =	wrdreg $0xC0  }
0xab: {  	_ =	task [dreg:s7], $0x5FFFF  }
0xac: {  	[dreg:$0x1] =	wrdreg $0xFFFFFFFF  }
0xad: {  	[dreg:$0x0] =	wrdreg $0x60  }
0xae: {  	[dreg:$0x2] =	wrdreg s24  }
0xaf: {  	[dreg:$0x3] =	wrdreg s2  }
0xb0: {  	[dreg:$0x4] =	wrdreg $0x9  }
0xb1: {  	_ =	task.clear_ibuf [dreg:s7], $0x5FFFF;
	_ =	strace $0x90000046  }
0xb2: {  	s29 =	simm.s32 $0x9;
	_ =	strace $0x8000004D  }
0xb3: {  	_ =	swait.ge [sflag:s29], $0x1  }
0xb4: {  	[sflag:s29] =	ssyncadd.s32 $0xFFFFFFFF  }
0xb5: {  	_ =	strace $0x9000004D  }
0xb6: {  	_ =	sfence  }
0xb7: {  	s30 =	sld [smem:$0x0];
	_ =	sdelay $0x2  }
0xb8: {  	s31 =	sshll.u32 s1, $0xD;
	s1 =	sshrl.u32 s1, $0x2  }
0xb9: {  	s3 =	sand.u32 $0x4000, s31;
	s1 =	sadd.s32 s1, s30  }
0xba: {  	s0 =	sor.u32 s3, s0;
	s1 =	sshll.u32 s1, $0x11  }
0xbb: {  	s0 =	sor.u32 s1, s0  }
0xbc: {  	s0 =	sadd.s32 $0x8F2B, s0  }
0xbd: {  	[sflag:s0] =	ssyncadd.remote.s32 $0x1  }
0xbe: {  	_ =	sfence.sel $0xFFFF  }
0xbf: {  	[dreg:$0x0] =	wrdreg $0xFFFFFFFF;
	(pc) =	sbr.abs _section_cstart, $3  }
0xc0: {  	[dreg:$0x1] =	wrdreg $0xFFFFFFFF  }
0xc1: {  	_ =	task.clear_ibuf [dreg:s7], $0x2FFFF;
	_ =	strace $0x9FFFFFFF  }
0xc2: {  	(tm) =	ssettm $0x7FFFFFFF  }
0xc3: {  	_ =	shalt  }
tec
execute0_lowered:
.L_overlay_start_1:
0x0: {  	(tag) =	ssettag $0x1  }
0x1: {  	s9 =	rddreg [dreg:$0x0];
	s2 =	srdreg.scid  }
0x2: {  	s3 =	rddreg [dreg:$0x1];
	s1 =	stileid.u32;
	s10 =	sand.u32 $0x1, s2  }
0x3: {  	s2 =	simm.s32 $0x0;
	s5 =	sshll.u32 s1, $0x7;
	s4 =	sshll.u32 s10, $0xB  }
0x4: {  	[smem:$0x7FF] =	sst s2;
	s11 =	sor.u32 s5, s4  }
0x5: {  	s0 =	rddreg [dreg:$0x2];
	_ =	strace $0x80000047;
	s4 =	sshrl.u32 s11, $0x3  }
0x6: {  	_ =	strace $0x80000048;
	s3 =	sadd.s32 s3, s4  }
0x7: {  	[tilespmem:s2], [sflag:$0x1] =	stream.linear.gather [hbm4b:s3+s2], $0x80, $0x200038;
	[tilespmem:$0x8100] =	vst v63  }
0x8: {  	_ =	strace $0x90000048  }
0x9: {  	s4 =	simm.s32 $0x1;
	_ =	strace $0x80000049  }
0xa: {  	_ =	swait.ge [sflag:s4], $0x80  }
0xb: {  	[sflag:s4] =	ssyncset.done $0x0  }
0xc: {  	[sflag:s4] =	ssyncadd.s32 $0xFFFFFF80  }
0xd: {  	s6 =	simm.s32 $0x80;
	s7 =	simm.s32 $0x100;
	_ =	strace $0x90000049  }
0xe: {  	s8 =	simm.s32 $0x5;
	s5 =	sadd.s32 $0x3C00, s9;
	_ =	strace $0x8000004A  }
0xf: {  	[tilespmem:s7], [sflag:$0x5] =	stream.indirect.gather [hbm4b:s5+s6], $0x80, s2, s6, $0x2000b8;
	[tilespmem:$0x8100] =	vst v63  }
0x10: {  	s10 =	ssub.s32 $0x2, s10;
	_ =	swait.ge [sflag:s8], $0x4000  }
0x11: {  	s31 =	sshrl.u32 s10, $0x1;
	s11 =	sshll.u32 s11, $0x4;
	[sflag:s8] =	ssyncset.done $0x0  }
0x12: {  	s9 =	sadd.s32 s11, s9;
	s11 =	ssub.s32 s10, s31;
	[sflag:s8] =	ssyncadd.s32 $0xFFFFC000  }
0x13: {  	s11 =	smax.u32 s11, $0x1;
	_ =	strace $0x9000004A  }
0x14: {  	s9 =	sadd.s32 $0x4400, s9;
	p0 =	sne.s32 s11, $0x1;
	_ =	strace $0x8000004B  }
0x15: {  	[hbm4b:s9+s2] =	stream.linear.scatter [tilespmem:s7], [sflag:$0x3], $0x4000, $0x200038;
	[tilespmem:$0x8100] =	vst v63  }
.Ltmp0:
0x16: {  	_ =	strace $0x9000004B;
	(pc) =	sbr.rel @!p0 .LBB2_2-.Ltmp0, $4  }
0x17: {  	s10 =	simm.s32 $0x3;
	_ =	strace $0x8000004C  }
0x18: {  	_ =	swait.ge [sflag:s10], $0x4000  }
0x19: {  	[sflag:s10] =	ssyncset.done $0x0  }
0x1a: {  	s11 =	sadd.s32 $0xFFFFFFFF, s11;
	[sflag:s10] =	ssyncadd.s32 $0xFFFFC000  }
.LBB2_1:
0x1b: {  	p0 =	sne.s32 s11, $0x1;
	s11 =	sadd.s32 $0xFFFFFFFF, s11;
	_ =	strace $0x9000004C  }
0x1c: {  	_ =	strace $0x80000048  }
0x1d: {  	[tilespmem:s2], [sflag:$0x1] =	stream.linear.gather [hbm4b:s3+s2], $0x80, $0x200038;
	[tilespmem:$0x8100] =	vst v63  }
0x1e: {  	_ =	strace $0x90000048  }
0x1f: {  	_ =	strace $0x80000049  }
0x20: {  	_ =	swait.ge [sflag:s4], $0x80  }
0x21: {  	[sflag:s4] =	ssyncset.done $0x0  }
0x22: {  	[sflag:s4] =	ssyncadd.s32 $0xFFFFFF80  }
0x23: {  	_ =	strace $0x90000049  }
0x24: {  	_ =	strace $0x8000004A  }
0x25: {  	[tilespmem:s7], [sflag:$0x5] =	stream.indirect.gather [hbm4b:s5+s6], $0x80, s2, s6, $0x2000b8;
	[tilespmem:$0x8100] =	vst v63  }
0x26: {  	_ =	swait.ge [sflag:s8], $0x4000  }
0x27: {  	[sflag:s8] =	ssyncset.done $0x0  }
0x28: {  	[sflag:s8] =	ssyncadd.s32 $0xFFFFC000  }
0x29: {  	_ =	strace $0x9000004A  }
0x2a: {  	_ =	strace $0x8000004B  }
0x2b: {  	[hbm4b:s9+s2] =	stream.linear.scatter [tilespmem:s7], [sflag:$0x3], $0x4000, $0x200038;
	[tilespmem:$0x8100] =	vst v63  }
.Ltmp1:
0x2c: {  	_ =	strace $0x9000004B;
	(pc) =	sbr.rel @p0 .LBB2_1-.Ltmp1, $4  }
0x2d: {  	_ =	strace $0x8000004C  }
0x2e: {  	_ =	swait.ge [sflag:s10], $0x4000  }
0x2f: {  	[sflag:s10] =	ssyncset.done $0x0  }
0x30: {  	[sflag:s10] =	ssyncadd.s32 $0xFFFFC000  }
.LBB2_2:
0x31: {  	_ =	strace $0x9000004C  }
0x32: {  	_ =	sfence.sel $0x180000  }
0x33: {  	[bflag:$0x0] =	sbarrier.arrive $0xFFFF  }
0x34: {  	p0 =	sne.s32 s1, $0x0;
	_ =	strace $0x90000047  }
0x35: {  	s0 =	sadd.s32 @!p0 $0x100000, s0;
	[bflag:$0x2] =	sbarrier.arrive $0xFFFF  }
0x36: {  	[sflag:s0] =	ssyncadd.tile.s32 @!p0 $0x1;
	_ =	shalt  }
.Lfunc_end2:
_tile_overlayer_lowered:
.L_overlay_start_2:
0x37: {  	(tag) =	ssettag $0x2  }
0x38: {  	s0 =	rddreg [dreg:$0x0];
	s2 =	stileid.u32  }
0x39: {  	s1 =	rddreg [dreg:$0x1];
	p0 =	sne.s32 s2, $0x0  }
0x3a: {  	s3 =	rddreg [dreg:$0x2];
	[bflag:$0x3] =	sbarrier.arrive $0xFFFF;
	s2 =	simm.s32 @!p0 $0x1C01  }
0x3b: {  	[timem:s3], [sflag:s2] =	dma.local @!p0 [hbm:s0], s1  }
0x3c: {  	s0 =	simm.s32 @!p0 $0x1  }
0x3d: {  	_ =	swait.ge @!p0 [sflag:s0], s1  }
0x3e: {  	s1 =	ssub.s32 @!p0 $0x0, s1;
	[sflag:s0] =	ssyncset.done @!p0 $0x0  }
0x3f: {  	[sflag:s0] =	ssyncadd.s32 @!p0 s1  }
0x40: {  	[bflag:$0x3] =	sbarrier.arrive $0xFFFF  }
0x41: {  	_ =	shalt  }

</sc_bundles>
